<compile_context>
chip_gen: v7x
topology: tpu7x:2x2x1
jax: 0.10.2.dev20260603
libtpu: 0.0.44.dev20260713+nightly
codegen_flags: <defaults>
</compile_context>

<pallas_src>
import jax
import jax.numpy as jnp
from jax import lax
from jax.experimental import pallas as pl
from jax.experimental.pallas import tpu as pltpu
from jax.experimental.pallas import tpu_sc as plsc

N_NODES = 100000
N_EDGES = 6400000
CUTOFF = 5.0

NW = 32
BLK = 128
GBLK = 3200
CHUNK = 3200
BPC = CHUNK // BLK
NCHUNKS = N_EDGES // CHUNK
CH_BASE = NCHUNKS // NW
CH_EXTRA = NCHUNKS - CH_BASE * NW

_SW_COEF = (
    0.9999991059303284,
    -2.4673640727996826,
    2.0289838314056396,
    -0.6661268472671509,
    0.1147942841053009,
    -0.010287133976817131,
)

_INV_C2 = 1.0 / (CUTOFF * CUTOFF)
_C2 = CUTOFF * CUTOFF

_QSCALE = 4096.0
_INV_Q = 1.0 / _QSCALE


def _body(cx_hbm, cy_hbm, cz_hbm, src_hbm, dst_hbm,
          vx_hbm, vy_hbm, vz_hbm, dist_hbm, sw_hbm,
          shx, shy, shz,
          sidx0, didx0, gsx0, gsy0, gsz0, gdx0, gdy0, gdz0,
          sidx1, didx1, gsx1, gsy1, gsz1, gdx1, gdy1, gdz1,
          vx_b0, vy_b0, vz_b0, dist_b0, sw_b0,
          vx_b1, vy_b1, vz_b1, dist_b1, sw_b1,
          sem_g0, sem_g1, sem_o0, sem_o1, sem_s):
    cid = lax.axis_index("c")
    sid = lax.axis_index("s")
    wid = sid * 2 + cid

    gat = [(sidx0, didx0, (gsx0, gsy0, gsz0), (gdx0, gdy0, gdz0), sem_g0),
           (sidx1, didx1, (gsx1, gsy1, gsz1), (gdx1, gdy1, gdz1), sem_g1)]
    out = [((vx_b0, vy_b0, vz_b0, dist_b0, sw_b0), sem_o0),
           ((vx_b1, vy_b1, vz_b1, dist_b1, sw_b1), sem_o1)]
    out_hbm = (vx_hbm, vy_hbm, vz_hbm, dist_hbm, sw_hbm)

    @pl.when(sid == 0)
    def _():
        c1 = pltpu.async_copy(cx_hbm, shx, sem_s)
        c2 = pltpu.async_copy(cy_hbm, shy, sem_s)
        c3 = pltpu.async_copy(cz_hbm, shz, sem_s)
        c1.wait()
        c2.wait()
        c3.wait()

    plsc.subcore_barrier()

    nch = CH_BASE + jnp.where(wid < CH_EXTRA, 1, 0)
    start = wid * CH_BASE + jnp.minimum(wid, CH_EXTRA)

    def fire_gathers(p, ci):
        sidx, didx, gs, gd, sem = gat[p]
        base = (start + ci) * CHUNK
        pltpu.sync_copy(src_hbm.at[pl.ds(base, CHUNK)], sidx)
        pltpu.sync_copy(dst_hbm.at[pl.ds(base, CHUNK)], didx)
        sh = (shx, shy, shz)
        for j in range(CHUNK // GBLK):
            d = pl.ds(j * GBLK, GBLK)
            for c in range(3):
                pltpu.async_copy(sh[c].at[sidx.at[d]], gs[c].at[d], sem)
                pltpu.async_copy(sh[c].at[didx.at[d]], gd[c].at[d], sem)

    def wait_gathers(p):
        _, _, gs, gd, sem = gat[p]
        for buf in (*gs, *gd):
            pltpu.make_async_copy(src_hbm.at[pl.ds(0, CHUNK)], buf, sem).wait()

    def compute(p, ci):
        _, _, gs, gd, _ = gat[p]
        gsx, gsy, gsz = gs
        gdx, gdy, gdz = gd
        bufs, sem = out[p]
        vx_b, vy_b, vz_b, dist_b, sw_b = bufs

        def grp_body(g, _):
            s16 = pl.ds(g * 16, 16)
            dx = gdx[s16] - gsx[s16]
            dy = gdy[s16] - gsy[s16]
            dz = gdz[s16] - gsz[s16]
            d2 = dx * dx + dy * dy + dz * dz
            d2g = jnp.maximum(d2, jnp.float32(1e-12))
            ib = lax.bitcast_convert_type(d2g, jnp.int32)
            ib = jnp.int32(0x5F3759DF) - lax.shift_right_arithmetic(ib, 1)
            y = lax.bitcast_convert_type(ib, jnp.float32)
            for _i in range(2):
                y = y * (jnp.float32(1.5) - jnp.float32(0.5) * d2g * y * y)
            dist = d2g * y
            u = jnp.minimum(d2 * jnp.float32(_INV_C2), jnp.float32(1.0))
            sw = jnp.full((16,), _SW_COEF[-1], jnp.float32)
            for c in _SW_COEF[-2::-1]:
                sw = sw * u + jnp.float32(c)

            vx_b[s16] = dx
            vy_b[s16] = dy
            vz_b[s16] = dz
            dist_b[s16] = dist
            sw_b[s16] = sw

        lax.fori_loop(0, CHUNK // 16, grp_body, None, unroll=8)

        base = (start + ci) * CHUNK
        for buf, hbm in zip(bufs, out_hbm):
            pltpu.async_copy(buf, hbm.at[pl.ds(base, CHUNK)], sem)

    def wait_out(p):
        bufs, sem = out[p]
        for buf, hbm in zip(bufs, out_hbm):
            pltpu.make_async_copy(buf, hbm.at[pl.ds(0, CHUNK)], sem).wait()

    def pipe_iter(i, p):

        @pl.when(jnp.logical_and(i >= 2, i <= nch + 1))
        def _():
            wait_out(p)

        @pl.when(i < nch)
        def _():
            fire_gathers(p, i)

        @pl.when(jnp.logical_and(i >= 1, i <= nch))
        def _():
            wait_gathers(1 - p)
            compute(1 - p, i - 1)

    def loop_body(it, _):
        pipe_iter(it * 2, 0)
        pipe_iter(it * 2 + 1, 1)

    lax.fori_loop(0, (CH_BASE + 1 + 2 + 1) // 2 + 1, loop_body, None,
                  unroll=1)


@jax.jit
def kernel(coordinates, edge_src, edge_dst):
    cx0 = coordinates[:, 0]
    cy0 = coordinates[:, 1]
    cz0 = coordinates[:, 2]

    mesh = plsc.VectorSubcoreMesh(core_axis_name="c", subcore_axis_name="s")
    plane = jax.ShapeDtypeStruct((N_EDGES,), jnp.float32)
    fbuf = pltpu.VMEM((CHUNK,), jnp.float32)
    ibuf = pltpu.VMEM((CHUNK,), jnp.int32)
    vx, vy, vz, dist, sw = pl.kernel(
        _body,
        out_type=[plane, plane, plane, plane, plane],
        mesh=mesh,
        compiler_params=pltpu.CompilerParams(needs_layout_passes=False),
        scratch_types=[
            pltpu.VMEM_SHARED((N_NODES,), jnp.float32),
            pltpu.VMEM_SHARED((N_NODES,), jnp.float32),
            pltpu.VMEM_SHARED((N_NODES,), jnp.float32),
            ibuf, ibuf, fbuf, fbuf, fbuf, fbuf, fbuf, fbuf,
            ibuf, ibuf, fbuf, fbuf, fbuf, fbuf, fbuf, fbuf,
            fbuf, fbuf, fbuf, fbuf, fbuf,
            fbuf, fbuf, fbuf, fbuf, fbuf,
            pltpu.SemaphoreType.DMA,
            pltpu.SemaphoreType.DMA,
            pltpu.SemaphoreType.DMA,
            pltpu.SemaphoreType.DMA,
            pltpu.SemaphoreType.DMA,
        ],
    )(cx0, cy0, cz0, edge_src, edge_dst)

    vec = jnp.stack([vx, vy, vz], axis=1)
    edge_mask = dist < jnp.float32(CUTOFF)
    return (vec, dist, sw, edge_mask)

# --- scband reference (transcript-rebuilt; emitter-appended) ---
"""Pipeline reference for scband-graph-processor-38001870635543 (READ-ONLY COPY).

The authoritative reference and input builder live on the scoring server;
editing this copy changes nothing except your own understanding.
"""

import jax, jax.numpy as jnp
import numpy as np

N_NODES = 100000
N_EDGES = 6400000
CUTOFF = 5.0


def setup_inputs(seed: int = 0) -> dict:
    key = jax.random.key(seed)
    k1, k2, k3 = jax.random.split(key, 3)
    coordinates = jax.random.normal(k1, (N_NODES, 3), dtype=jnp.float32)
    edge_src = jax.random.randint(k2, (N_EDGES,), 0, N_NODES, dtype=jnp.int32)
    # avoid self-loops so distances are never exactly 0 (keeps norm well-defined)
    edge_dst = ((edge_src + 1 + jax.random.randint(k3, (N_EDGES,), 0, N_NODES - 1, dtype=jnp.int32)) % N_NODES).astype(jnp.int32)
    return {"coordinates": coordinates, "edge_src": edge_src, "edge_dst": edge_dst}


def reference(coordinates, edge_src, edge_dst):
    cutoff = CUTOFF
    # gather with fill semantics, faithful to coords.at[idx].get(mode='fill', fill_value=...)
    vec = coordinates.at[edge_dst].get(mode='fill', fill_value=cutoff) - coordinates.at[edge_src].get(mode='fill', fill_value=0.0)
    distances = jnp.linalg.norm(vec, axis=-1)
    edge_mask = distances < cutoff
    switch = jnp.where(edge_mask, 0.5 * jnp.cos(distances * (jnp.pi / cutoff)) + 0.5, 0.0)
    return (vec, distances, switch, edge_mask)

if __name__ == "__main__":
    import jax
    _d = setup_inputs()
    print(jax.jit(kernel)(*tuple(_d.values())))

</pallas_src>

<mosaic_0001>
#map = affine_map<(d0, d1) -> (0)>
module attributes {stable_mosaic.version = 14 : i64} {
  func.func @_body(%arg0: i32, %arg1: i32, %arg2: memref<100000xf32, #tpu.memory_space<hbm>>, %arg3: memref<100000xf32, #tpu.memory_space<hbm>>, %arg4: memref<100000xf32, #tpu.memory_space<hbm>>, %arg5: memref<6400000xi32, #tpu.memory_space<hbm>>, %arg6: memref<6400000xi32, #tpu.memory_space<hbm>>, %arg7: memref<6400000xf32, #tpu.memory_space<hbm>>, %arg8: memref<6400000xf32, #tpu.memory_space<hbm>>, %arg9: memref<6400000xf32, #tpu.memory_space<hbm>>, %arg10: memref<6400000xf32, #tpu.memory_space<hbm>>, %arg11: memref<6400000xf32, #tpu.memory_space<hbm>>, %arg12: memref<100000xf32, #tpu.memory_space<vmem_shared>>, %arg13: memref<100000xf32, #tpu.memory_space<vmem_shared>>, %arg14: memref<100000xf32, #tpu.memory_space<vmem_shared>>, %arg15: memref<3200xi32, #tpu.memory_space<vmem>>, %arg16: memref<3200xi32, #tpu.memory_space<vmem>>, %arg17: memref<3200xf32, #tpu.memory_space<vmem>>, %arg18: memref<3200xf32, #tpu.memory_space<vmem>>, %arg19: memref<3200xf32, #tpu.memory_space<vmem>>, %arg20: memref<3200xf32, #tpu.memory_space<vmem>>, %arg21: memref<3200xf32, #tpu.memory_space<vmem>>, %arg22: memref<3200xf32, #tpu.memory_space<vmem>>, %arg23: memref<3200xi32, #tpu.memory_space<vmem>>, %arg24: memref<3200xi32, #tpu.memory_space<vmem>>, %arg25: memref<3200xf32, #tpu.memory_space<vmem>>, %arg26: memref<3200xf32, #tpu.memory_space<vmem>>, %arg27: memref<3200xf32, #tpu.memory_space<vmem>>, %arg28: memref<3200xf32, #tpu.memory_space<vmem>>, %arg29: memref<3200xf32, #tpu.memory_space<vmem>>, %arg30: memref<3200xf32, #tpu.memory_space<vmem>>, %arg31: memref<3200xf32, #tpu.memory_space<vmem>>, %arg32: memref<3200xf32, #tpu.memory_space<vmem>>, %arg33: memref<3200xf32, #tpu.memory_space<vmem>>, %arg34: memref<3200xf32, #tpu.memory_space<vmem>>, %arg35: memref<3200xf32, #tpu.memory_space<vmem>>, %arg36: memref<3200xf32, #tpu.memory_space<vmem>>, %arg37: memref<3200xf32, #tpu.memory_space<vmem>>, %arg38: memref<3200xf32, #tpu.memory_space<vmem>>, %arg39: memref<3200xf32, #tpu.memory_space<vmem>>, %arg40: memref<3200xf32, #tpu.memory_space<vmem>>, %arg41: memref<!tpu.dma_semaphore, #tpu.memory_space<semaphore_mem>>, %arg42: memref<!tpu.dma_semaphore, #tpu.memory_space<semaphore_mem>>, %arg43: memref<!tpu.dma_semaphore, #tpu.memory_space<semaphore_mem>>, %arg44: memref<!tpu.dma_semaphore, #tpu.memory_space<semaphore_mem>>, %arg45: memref<!tpu.dma_semaphore, #tpu.memory_space<semaphore_mem>>) attributes {dimension_semantics = [#tpu.dimension_semantics<core_parallel>, #tpu.dimension_semantics<subcore_parallel>], iteration_bounds = array<i64: 2, 16>, scalar_prefetch = 0 : i64, scratch_operands = 34 : i64, tpu.core_type = #tpu.core_type<sc_vector_subcore>, window_params = [{transform_indices = #map}, {transform_indices = #map}, {transform_indices = #map}, {transform_indices = #map}, {transform_indices = #map}, {transform_indices = #map}, {transform_indices = #map}, {transform_indices = #map}, {transform_indices = #map}, {transform_indices = #map}]} {
    %mul3A = arith.constant 2 : i32
    %mul3A_0 = arith.muli %arg1, %mul3A : i32
    %add3A = arith.addi %mul3A_0, %arg0 : i32
    %eq3A = arith.constant 0 : i32
    %eq3A_1 = arith.cmpi eq, %arg1, %eq3A : i32
    %convert_element_type3A = arith.extui %eq3A_1 : i1 to i32
    %cond3A = arith.constant 0 : i32
    %cond3A_2 = arith.cmpi ne, %convert_element_type3A, %cond3A : i32
    scf.if %cond3A_2 {
      tpu.enqueue_dma source(%arg2 : memref<100000xf32, #tpu.memory_space<hbm>>) target(%arg12 : memref<100000xf32, #tpu.memory_space<vmem_shared>>) target_semaphore(%arg45 : memref<!tpu.dma_semaphore, #tpu.memory_space<semaphore_mem>>)
      tpu.enqueue_dma source(%arg3 : memref<100000xf32, #tpu.memory_space<hbm>>) target(%arg13 : memref<100000xf32, #tpu.memory_space<vmem_shared>>) target_semaphore(%arg45 : memref<!tpu.dma_semaphore, #tpu.memory_space<semaphore_mem>>)
      tpu.enqueue_dma source(%arg4 : memref<100000xf32, #tpu.memory_space<hbm>>) target(%arg14 : memref<100000xf32, #tpu.memory_space<vmem_shared>>) target_semaphore(%arg45 : memref<!tpu.dma_semaphore, #tpu.memory_space<semaphore_mem>>)
      tpu.wait_dma2 semaphore(%arg45 : memref<!tpu.dma_semaphore, #tpu.memory_space<semaphore_mem>>) src(%arg2 : memref<100000xf32, #tpu.memory_space<hbm>>) dst(%arg12 : memref<100000xf32, #tpu.memory_space<vmem_shared>>)
      tpu.wait_dma2 semaphore(%arg45 : memref<!tpu.dma_semaphore, #tpu.memory_space<semaphore_mem>>) src(%arg3 : memref<100000xf32, #tpu.memory_space<hbm>>) dst(%arg13 : memref<100000xf32, #tpu.memory_space<vmem_shared>>)
      tpu.wait_dma2 semaphore(%arg45 : memref<!tpu.dma_semaphore, #tpu.memory_space<semaphore_mem>>) src(%arg4 : memref<100000xf32, #tpu.memory_space<hbm>>) dst(%arg14 : memref<100000xf32, #tpu.memory_space<vmem_shared>>)
    } else {
    }
    %barrier3A = arith.constant 0 : index
    tpu.barrier barrier_id(%barrier3A)
    %lt3A = arith.constant 16 : i32
    %lt3A_3 = arith.cmpi slt, %add3A, %lt3A : i32
    %jit3A = arith.constant 1 : i32
    %jit3A_4 = arith.constant 0 : i32
    %select_n3A = arith.select %lt3A_3, %jit3A, %jit3A_4 : i32
    %add3A_5 = arith.constant 62 : i32
    %add3A_6 = arith.addi %add3A_5, %select_n3A : i32
    %mul3A_7 = arith.constant 62 : i32
    %mul3A_8 = arith.muli %add3A, %mul3A_7 : i32
    %min3A = arith.constant 16 : i32
    %min3A_9 = arith.minsi %add3A, %min3A : i32
    %add3A_10 = arith.addi %mul3A_8, %min3A_9 : i32
    %scan3A = arith.constant 0 : i32
    %scan3A_11 = arith.constant 34 : i32
    %scan3A_12 = arith.addi %scan3A, %scan3A_11 : i32
    %scan3A_13 = arith.constant 1 : i32
    scf.for %scan3A_15 = %scan3A to %scan3A_12 step %scan3A_13  : i32 {
      %mul3A_16 = arith.constant 2 : i32
      %mul3A_17 = arith.muli %scan3A_15, %mul3A_16 : i32
      %ge3A = arith.constant 2 : i32
      %ge3A_18 = arith.cmpi sge, %mul3A_17, %ge3A : i32
      %add3A_19 = arith.constant 1 : i32
      %add3A_20 = arith.addi %add3A_6, %add3A_19 : i32
      %le3A = arith.cmpi sle, %mul3A_17, %add3A_20 : i32
      %and3A = arith.andi %ge3A_18, %le3A : i1
      %convert_element_type3A_21 = arith.extui %and3A : i1 to i32
      %cond3A_22 = arith.constant 0 : i32
      %cond3A_23 = arith.cmpi ne, %convert_element_type3A_21, %cond3A_22 : i32
      scf.if %cond3A_23 {
        %dma_wait3A = arith.constant 0 : i32
        %dma_wait3A_59 = tpu.memref_slice %arg7[%dma_wait3A] : memref<6400000xf32, #tpu.memory_space<hbm>> -> memref<3200xf32, #tpu.memory_space<hbm>>
        %dma_wait3A_60 = arith.constant 0 : i32
        %dma_wait3A_61 = tpu.memref_slice %arg7[%dma_wait3A_60] : memref<6400000xf32, #tpu.memory_space<hbm>> -> memref<3200xf32, #tpu.memory_space<hbm>>
        tpu.wait_dma2 semaphore(%arg43 : memref<!tpu.dma_semaphore, #tpu.memory_space<semaphore_mem>>) src(%arg31 : memref<3200xf32, #tpu.memory_space<vmem>>) dst(%dma_wait3A_61 : memref<3200xf32, #tpu.memory_space<hbm>>)
        %dma_wait3A_62 = arith.constant 0 : i32
        %dma_wait3A_63 = tpu.memref_slice %arg8[%dma_wait3A_62] : memref<6400000xf32, #tpu.memory_space<hbm>> -> memref<3200xf32, #tpu.memory_space<hbm>>
        %dma_wait3A_64 = arith.constant 0 : i32
        %dma_wait3A_65 = tpu.memref_slice %arg8[%dma_wait3A_64] : memref<6400000xf32, #tpu.memory_space<hbm>> -> memref<3200xf32, #tpu.memory_space<hbm>>
        tpu.wait_dma2 semaphore(%arg43 : memref<!tpu.dma_semaphore, #tpu.memory_space<semaphore_mem>>) src(%arg32 : memref<3200xf32, #tpu.memory_space<vmem>>) dst(%dma_wait3A_65 : memref<3200xf32, #tpu.memory_space<hbm>>)
        %dma_wait3A_66 = arith.constant 0 : i32
        %dma_wait3A_67 = tpu.memref_slice %arg9[%dma_wait3A_66] : memref<6400000xf32, #tpu.memory_space<hbm>> -> memref<3200xf32, #tpu.memory_space<hbm>>
        %dma_wait3A_68 = arith.constant 0 : i32
        %dma_wait3A_69 = tpu.memref_slice %arg9[%dma_wait3A_68] : memref<6400000xf32, #tpu.memory_space<hbm>> -> memref<3200xf32, #tpu.memory_space<hbm>>
        tpu.wait_dma2 semaphore(%arg43 : memref<!tpu.dma_semaphore, #tpu.memory_space<semaphore_mem>>) src(%arg33 : memref<3200xf32, #tpu.memory_space<vmem>>) dst(%dma_wait3A_69 : memref<3200xf32, #tpu.memory_space<hbm>>)
        %dma_wait3A_70 = arith.constant 0 : i32
        %dma_wait3A_71 = tpu.memref_slice %arg10[%dma_wait3A_70] : memref<6400000xf32, #tpu.memory_space<hbm>> -> memref<3200xf32, #tpu.memory_space<hbm>>
        %dma_wait3A_72 = arith.constant 0 : i32
        %dma_wait3A_73 = tpu.memref_slice %arg10[%dma_wait3A_72] : memref<6400000xf32, #tpu.memory_space<hbm>> -> memref<3200xf32, #tpu.memory_space<hbm>>
        tpu.wait_dma2 semaphore(%arg43 : memref<!tpu.dma_semaphore, #tpu.memory_space<semaphore_mem>>) src(%arg34 : memref<3200xf32, #tpu.memory_space<vmem>>) dst(%dma_wait3A_73 : memref<3200xf32, #tpu.memory_space<hbm>>)
        %dma_wait3A_74 = arith.constant 0 : i32
        %dma_wait3A_75 = tpu.memref_slice %arg11[%dma_wait3A_74] : memref<6400000xf32, #tpu.memory_space<hbm>> -> memref<3200xf32, #tpu.memory_space<hbm>>
        %dma_wait3A_76 = arith.constant 0 : i32
        %dma_wait3A_77 = tpu.memref_slice %arg11[%dma_wait3A_76] : memref<6400000xf32, #tpu.memory_space<hbm>> -> memref<3200xf32, #tpu.memory_space<hbm>>
        tpu.wait_dma2 semaphore(%arg43 : memref<!tpu.dma_semaphore, #tpu.memory_space<semaphore_mem>>) src(%arg35 : memref<3200xf32, #tpu.memory_space<vmem>>) dst(%dma_wait3A_77 : memref<3200xf32, #tpu.memory_space<hbm>>)
      } else {
      }
      %lt3A_24 = arith.cmpi slt, %mul3A_17, %add3A_6 : i32
      %convert_element_type3A_25 = arith.extui %lt3A_24 : i1 to i32
      %cond3A_26 = arith.constant 0 : i32
      %cond3A_27 = arith.cmpi ne, %convert_element_type3A_25, %cond3A_26 : i32
      scf.if %cond3A_27 {
        %add3A_59 = arith.addi %add3A_10, %mul3A_17 : i32
        %mul3A_60 = arith.constant 3200 : i32
        %mul3A_61 = arith.muli %add3A_59, %mul3A_60 : i32
        "tpu.region"() ({
          %run_scoped3A = tpu.sem_alloc : memref<!tpu.dma_semaphore, #tpu.memory_space<semaphore_mem>>
          %dma_start3A_97 = tpu.memref_slice %arg5[%mul3A_61] : memref<6400000xi32, #tpu.memory_space<hbm>> -> memref<3200xi32, #tpu.memory_space<hbm>>
          %dma_start3A_98 = tpu.memref_slice %arg5[%mul3A_61] : memref<6400000xi32, #tpu.memory_space<hbm>> -> memref<3200xi32, #tpu.memory_space<hbm>>
          tpu.enqueue_dma source(%dma_start3A_98 : memref<3200xi32, #tpu.memory_space<hbm>>) target(%arg15 : memref<3200xi32, #tpu.memory_space<vmem>>) target_semaphore(%run_scoped3A : memref<!tpu.dma_semaphore, #tpu.memory_space<semaphore_mem>>)
          %dma_wait3A = tpu.memref_slice %arg5[%mul3A_61] : memref<6400000xi32, #tpu.memory_space<hbm>> -> memref<3200xi32, #tpu.memory_space<hbm>>
          %dma_wait3A_99 = tpu.memref_slice %arg5[%mul3A_61] : memref<6400000xi32, #tpu.memory_space<hbm>> -> memref<3200xi32, #tpu.memory_space<hbm>>
          tpu.wait_dma2 semaphore(%run_scoped3A : memref<!tpu.dma_semaphore, #tpu.memory_space<semaphore_mem>>) src(%dma_wait3A_99 : memref<3200xi32, #tpu.memory_space<hbm>>) dst(%arg15 : memref<3200xi32, #tpu.memory_space<vmem>>)
          tpu.yield
        }) : () -> ()
        "tpu.region"() ({
          %run_scoped3A = tpu.sem_alloc : memref<!tpu.dma_semaphore, #tpu.memory_space<semaphore_mem>>
          %dma_start3A_97 = tpu.memref_slice %arg6[%mul3A_61] : memref<6400000xi32, #tpu.memory_space<hbm>> -> memref<3200xi32, #tpu.memory_space<hbm>>
          %dma_start3A_98 = tpu.memref_slice %arg6[%mul3A_61] : memref<6400000xi32, #tpu.memory_space<hbm>> -> memref<3200xi32, #tpu.memory_space<hbm>>
          tpu.enqueue_dma source(%dma_start3A_98 : memref<3200xi32, #tpu.memory_space<hbm>>) target(%arg16 : memref<3200xi32, #tpu.memory_space<vmem>>) target_semaphore(%run_scoped3A : memref<!tpu.dma_semaphore, #tpu.memory_space<semaphore_mem>>)
          %dma_wait3A = tpu.memref_slice %arg6[%mul3A_61] : memref<6400000xi32, #tpu.memory_space<hbm>> -> memref<3200xi32, #tpu.memory_space<hbm>>
          %dma_wait3A_99 = tpu.memref_slice %arg6[%mul3A_61] : memref<6400000xi32, #tpu.memory_space<hbm>> -> memref<3200xi32, #tpu.memory_space<hbm>>
          tpu.wait_dma2 semaphore(%run_scoped3A : memref<!tpu.dma_semaphore, #tpu.memory_space<semaphore_mem>>) src(%dma_wait3A_99 : memref<3200xi32, #tpu.memory_space<hbm>>) dst(%arg16 : memref<3200xi32, #tpu.memory_space<vmem>>)
          tpu.yield
        }) : () -> ()
        %dma_start3A = arith.constant 0 : i32
        %dma_start3A_62 = tpu.memref_slice %arg17[%dma_start3A] : memref<3200xf32, #tpu.memory_space<vmem>> -> memref<3200xf32, #tpu.memory_space<vmem>>
        %dma_start3A_63 = arith.constant 0 : i32
        %dma_start3A_64 = tpu.memref_slice %arg15[%dma_start3A_63] : memref<3200xi32, #tpu.memory_space<vmem>> -> memref<3200xi32, #tpu.memory_space<vmem>>
        %dma_start3A_65 = arith.constant 0 : i32
        %dma_start3A_66 = tpu.memref_slice %arg12[%dma_start3A_65] : memref<100000xf32, #tpu.memory_space<vmem_shared>> -> memref<100000xf32, #tpu.memory_space<vmem_shared>>
        tpu.enqueue_indirect_dma source(%dma_start3A_66 : memref<100000xf32, #tpu.memory_space<vmem_shared>>) target(%dma_start3A_62 : memref<3200xf32, #tpu.memory_space<vmem>>) offsets(%dma_start3A_64 : memref<3200xi32, #tpu.memory_space<vmem>>) semaphore(%arg41 : memref<!tpu.dma_semaphore, #tpu.memory_space<semaphore_mem>>)
        %dma_start3A_67 = arith.constant 0 : i32
        %dma_start3A_68 = tpu.memref_slice %arg20[%dma_start3A_67] : memref<3200xf32, #tpu.memory_space<vmem>> -> memref<3200xf32, #tpu.memory_space<vmem>>
        %dma_start3A_69 = arith.constant 0 : i32
        %dma_start3A_70 = tpu.memref_slice %arg16[%dma_start3A_69] : memref<3200xi32, #tpu.memory_space<vmem>> -> memref<3200xi32, #tpu.memory_space<vmem>>
        %dma_start3A_71 = arith.constant 0 : i32
        %dma_start3A_72 = tpu.memref_slice %arg12[%dma_start3A_71] : memref<100000xf32, #tpu.memory_space<vmem_shared>> -> memref<100000xf32, #tpu.memory_space<vmem_shared>>
        tpu.enqueue_indirect_dma source(%dma_start3A_72 : memref<100000xf32, #tpu.memory_space<vmem_shared>>) target(%dma_start3A_68 : memref<3200xf32, #tpu.memory_space<vmem>>) offsets(%dma_start3A_70 : memref<3200xi32, #tpu.memory_space<vmem>>) semaphore(%arg41 : memref<!tpu.dma_semaphore, #tpu.memory_space<semaphore_mem>>)
        %dma_start3A_73 = arith.constant 0 : i32
        %dma_start3A_74 = tpu.memref_slice %arg18[%dma_start3A_73] : memref<3200xf32, #tpu.memory_space<vmem>> -> memref<3200xf32, #tpu.memory_space<vmem>>
        %dma_start3A_75 = arith.constant 0 : i32
        %dma_start3A_76 = tpu.memref_slice %arg15[%dma_start3A_75] : memref<3200xi32, #tpu.memory_space<vmem>> -> memref<3200xi32, #tpu.memory_space<vmem>>
        %dma_start3A_77 = arith.constant 0 : i32
        %dma_start3A_78 = tpu.memref_slice %arg13[%dma_start3A_77] : memref<100000xf32, #tpu.memory_space<vmem_shared>> -> memref<100000xf32, #tpu.memory_space<vmem_shared>>
        tpu.enqueue_indirect_dma source(%dma_start3A_78 : memref<100000xf32, #tpu.memory_space<vmem_shared>>) target(%dma_start3A_74 : memref<3200xf32, #tpu.memory_space<vmem>>) offsets(%dma_start3A_76 : memref<3200xi32, #tpu.memory_space<vmem>>) semaphore(%arg41 : memref<!tpu.dma_semaphore, #tpu.memory_space<semaphore_mem>>)
        %dma_start3A_79 = arith.constant 0 : i32
        %dma_start3A_80 = tpu.memref_slice %arg21[%dma_start3A_79] : memref<3200xf32, #tpu.memory_space<vmem>> -> memref<3200xf32, #tpu.memory_space<vmem>>
        %dma_start3A_81 = arith.constant 0 : i32
        %dma_start3A_82 = tpu.memref_slice %arg16[%dma_start3A_81] : memref<3200xi32, #tpu.memory_space<vmem>> -> memref<3200xi32, #tpu.memory_space<vmem>>
        %dma_start3A_83 = arith.constant 0 : i32
        %dma_start3A_84 = tpu.memref_slice %arg13[%dma_start3A_83] : memref<100000xf32, #tpu.memory_space<vmem_shared>> -> memref<100000xf32, #tpu.memory_space<vmem_shared>>
        tpu.enqueue_indirect_dma source(%dma_start3A_84 : memref<100000xf32, #tpu.memory_space<vmem_shared>>) target(%dma_start3A_80 : memref<3200xf32, #tpu.memory_space<vmem>>) offsets(%dma_start3A_82 : memref<3200xi32, #tpu.memory_space<vmem>>) semaphore(%arg41 : memref<!tpu.dma_semaphore, #tpu.memory_space<semaphore_mem>>)
        %dma_start3A_85 = arith.constant 0 : i32
        %dma_start3A_86 = tpu.memref_slice %arg19[%dma_start3A_85] : memref<3200xf32, #tpu.memory_space<vmem>> -> memref<3200xf32, #tpu.memory_space<vmem>>
        %dma_start3A_87 = arith.constant 0 : i32
        %dma_start3A_88 = tpu.memref_slice %arg15[%dma_start3A_87] : memref<3200xi32, #tpu.memory_space<vmem>> -> memref<3200xi32, #tpu.memory_space<vmem>>
        %dma_start3A_89 = arith.constant 0 : i32
        %dma_start3A_90 = tpu.memref_slice %arg14[%dma_start3A_89] : memref<100000xf32, #tpu.memory_space<vmem_shared>> -> memref<100000xf32, #tpu.memory_space<vmem_shared>>
        tpu.enqueue_indirect_dma source(%dma_start3A_90 : memref<100000xf32, #tpu.memory_space<vmem_shared>>) target(%dma_start3A_86 : memref<3200xf32, #tpu.memory_space<vmem>>) offsets(%dma_start3A_88 : memref<3200xi32, #tpu.memory_space<vmem>>) semaphore(%arg41 : memref<!tpu.dma_semaphore, #tpu.memory_space<semaphore_mem>>)
        %dma_start3A_91 = arith.constant 0 : i32
        %dma_start3A_92 = tpu.memref_slice %arg22[%dma_start3A_91] : memref<3200xf32, #tpu.memory_space<vmem>> -> memref<3200xf32, #tpu.memory_space<vmem>>
        %dma_start3A_93 = arith.constant 0 : i32
        %dma_start3A_94 = tpu.memref_slice %arg16[%dma_start3A_93] : memref<3200xi32, #tpu.memory_space<vmem>> -> memref<3200xi32, #tpu.memory_space<vmem>>
        %dma_start3A_95 = arith.constant 0 : i32
        %dma_start3A_96 = tpu.memref_slice %arg14[%dma_start3A_95] : memref<100000xf32, #tpu.memory_space<vmem_shared>> -> memref<100000xf32, #tpu.memory_space<vmem_shared>>
        tpu.enqueue_indirect_dma source(%dma_start3A_96 : memref<100000xf32, #tpu.memory_space<vmem_shared>>) target(%dma_start3A_92 : memref<3200xf32, #tpu.memory_space<vmem>>) offsets(%dma_start3A_94 : memref<3200xi32, #tpu.memory_space<vmem>>) semaphore(%arg41 : memref<!tpu.dma_semaphore, #tpu.memory_space<semaphore_mem>>)
      } else {
      }
      %ge3A_28 = arith.constant 1 : i32
      %ge3A_29 = arith.cmpi sge, %mul3A_17, %ge3A_28 : i32
      %le3A_30 = arith.cmpi sle, %mul3A_17, %add3A_6 : i32
      %and3A_31 = arith.andi %ge3A_29, %le3A_30 : i1
      %convert_element_type3A_32 = arith.extui %and3A_31 : i1 to i32
      %cond3A_33 = arith.constant 0 : i32
      %cond3A_34 = arith.cmpi ne, %convert_element_type3A_32, %cond3A_33 : i32
      scf.if %cond3A_34 {
        %dma_wait3A = arith.constant 0 : i32
        %dma_wait3A_59 = tpu.memref_slice %arg5[%dma_wait3A] : memref<6400000xi32, #tpu.memory_space<hbm>> -> memref<3200xi32, #tpu.memory_space<hbm>>
        %dma_wait3A_60 = arith.constant 0 : i32
        %dma_wait3A_61 = tpu.memref_slice %arg5[%dma_wait3A_60] : memref<6400000xi32, #tpu.memory_space<hbm>> -> memref<3200xi32, #tpu.memory_space<hbm>>
        tpu.wait_dma2 semaphore(%arg42 : memref<!tpu.dma_semaphore, #tpu.memory_space<semaphore_mem>>) src(%dma_wait3A_61 : memref<3200xi32, #tpu.memory_space<hbm>>) dst(%arg25 : memref<3200xf32, #tpu.memory_space<vmem>>)
        %dma_wait3A_62 = arith.constant 0 : i32
        %dma_wait3A_63 = tpu.memref_slice %arg5[%dma_wait3A_62] : memref<6400000xi32, #tpu.memory_space<hbm>> -> memref<3200xi32, #tpu.memory_space<hbm>>
        %dma_wait3A_64 = arith.constant 0 : i32
        %dma_wait3A_65 = tpu.memref_slice %arg5[%dma_wait3A_64] : memref<6400000xi32, #tpu.memory_space<hbm>> -> memref<3200xi32, #tpu.memory_space<hbm>>
        tpu.wait_dma2 semaphore(%arg42 : memref<!tpu.dma_semaphore, #tpu.memory_space<semaphore_mem>>) src(%dma_wait3A_65 : memref<3200xi32, #tpu.memory_space<hbm>>) dst(%arg26 : memref<3200xf32, #tpu.memory_space<vmem>>)
        %dma_wait3A_66 = arith.constant 0 : i32
        %dma_wait3A_67 = tpu.memref_slice %arg5[%dma_wait3A_66] : memref<6400000xi32, #tpu.memory_space<hbm>> -> memref<3200xi32, #tpu.memory_space<hbm>>
        %dma_wait3A_68 = arith.constant 0 : i32
        %dma_wait3A_69 = tpu.memref_slice %arg5[%dma_wait3A_68] : memref<6400000xi32, #tpu.memory_space<hbm>> -> memref<3200xi32, #tpu.memory_space<hbm>>
        tpu.wait_dma2 semaphore(%arg42 : memref<!tpu.dma_semaphore, #tpu.memory_space<semaphore_mem>>) src(%dma_wait3A_69 : memref<3200xi32, #tpu.memory_space<hbm>>) dst(%arg27 : memref<3200xf32, #tpu.memory_space<vmem>>)
        %dma_wait3A_70 = arith.constant 0 : i32
        %dma_wait3A_71 = tpu.memref_slice %arg5[%dma_wait3A_70] : memref<6400000xi32, #tpu.memory_space<hbm>> -> memref<3200xi32, #tpu.memory_space<hbm>>
        %dma_wait3A_72 = arith.constant 0 : i32
        %dma_wait3A_73 = tpu.memref_slice %arg5[%dma_wait3A_72] : memref<6400000xi32, #tpu.memory_space<hbm>> -> memref<3200xi32, #tpu.memory_space<hbm>>
        tpu.wait_dma2 semaphore(%arg42 : memref<!tpu.dma_semaphore, #tpu.memory_space<semaphore_mem>>) src(%dma_wait3A_73 : memref<3200xi32, #tpu.memory_space<hbm>>) dst(%arg28 : memref<3200xf32, #tpu.memory_space<vmem>>)
        %dma_wait3A_74 = arith.constant 0 : i32
        %dma_wait3A_75 = tpu.memref_slice %arg5[%dma_wait3A_74] : memref<6400000xi32, #tpu.memory_space<hbm>> -> memref<3200xi32, #tpu.memory_space<hbm>>
        %dma_wait3A_76 = arith.constant 0 : i32
        %dma_wait3A_77 = tpu.memref_slice %arg5[%dma_wait3A_76] : memref<6400000xi32, #tpu.memory_space<hbm>> -> memref<3200xi32, #tpu.memory_space<hbm>>
        tpu.wait_dma2 semaphore(%arg42 : memref<!tpu.dma_semaphore, #tpu.memory_space<semaphore_mem>>) src(%dma_wait3A_77 : memref<3200xi32, #tpu.memory_space<hbm>>) dst(%arg29 : memref<3200xf32, #tpu.memory_space<vmem>>)
        %dma_wait3A_78 = arith.constant 0 : i32
        %dma_wait3A_79 = tpu.memref_slice %arg5[%dma_wait3A_78] : memref<6400000xi32, #tpu.memory_space<hbm>> -> memref<3200xi32, #tpu.memory_space<hbm>>
        %dma_wait3A_80 = arith.constant 0 : i32
        %dma_wait3A_81 = tpu.memref_slice %arg5[%dma_wait3A_80] : memref<6400000xi32, #tpu.memory_space<hbm>> -> memref<3200xi32, #tpu.memory_space<hbm>>
        tpu.wait_dma2 semaphore(%arg42 : memref<!tpu.dma_semaphore, #tpu.memory_space<semaphore_mem>>) src(%dma_wait3A_81 : memref<3200xi32, #tpu.memory_space<hbm>>) dst(%arg30 : memref<3200xf32, #tpu.memory_space<vmem>>)
        %sub3A = arith.constant 1 : i32
        %sub3A_82 = arith.subi %mul3A_17, %sub3A : i32
        %scan3A_83 = arith.constant 0 : i32
        %scan3A_84 = arith.constant 200 : i32
        %scan3A_85 = arith.addi %scan3A_83, %scan3A_84 : i32
        %scan3A_86 = arith.constant 8 : i32
        scf.for %scan3A_100 = %scan3A_83 to %scan3A_85 step %scan3A_86  : i32 {
          %mul3A_101 = arith.constant 16 : i32
          %mul3A_102 = arith.muli %scan3A_100, %mul3A_101 : i32
          %get3A = arith.index_cast %mul3A_102 : i32 to index
          %get3A_103 = tpu.vector_load %arg28[%get3A] {strides = array<i32>} : memref<3200xf32, #tpu.memory_space<vmem>>, vector<16xf32>,
          %get3A_104 = arith.index_cast %mul3A_102 : i32 to index
          %get3A_105 = tpu.vector_load %arg25[%get3A_104] {strides = array<i32>} : memref<3200xf32, #tpu.memory_space<vmem>>, vector<16xf32>,
          %sub3A_106 = arith.subf %get3A_103, %get3A_105 : vector<16xf32>
          %get3A_107 = arith.index_cast %mul3A_102 : i32 to index
          %get3A_108 = tpu.vector_load %arg29[%get3A_107] {strides = array<i32>} : memref<3200xf32, #tpu.memory_space<vmem>>, vector<16xf32>,
          %get3A_109 = arith.index_cast %mul3A_102 : i32 to index
          %get3A_110 = tpu.vector_load %arg26[%get3A_109] {strides = array<i32>} : memref<3200xf32, #tpu.memory_space<vmem>>, vector<16xf32>,
          %sub3A_111 = arith.subf %get3A_108, %get3A_110 : vector<16xf32>
          %get3A_112 = arith.index_cast %mul3A_102 : i32 to index
          %get3A_113 = tpu.vector_load %arg30[%get3A_112] {strides = array<i32>} : memref<3200xf32, #tpu.memory_space<vmem>>, vector<16xf32>,
          %get3A_114 = arith.index_cast %mul3A_102 : i32 to index
          %get3A_115 = tpu.vector_load %arg27[%get3A_114] {strides = array<i32>} : memref<3200xf32, #tpu.memory_space<vmem>>, vector<16xf32>,
          %sub3A_116 = arith.subf %get3A_113, %get3A_115 : vector<16xf32>
          %mul3A_117 = arith.mulf %sub3A_106, %sub3A_106 : vector<16xf32>
          %mul3A_118 = arith.mulf %sub3A_111, %sub3A_111 : vector<16xf32>
          %add3A_119 = arith.addf %mul3A_117, %mul3A_118 : vector<16xf32>
          %mul3A_120 = arith.mulf %sub3A_116, %sub3A_116 : vector<16xf32>
          %add3A_121 = arith.addf %add3A_119, %mul3A_120 : vector<16xf32>
          %max3A = arith.constant 9.99999996E-13 : f32
          %max3A_122 = vector.broadcast %max3A : f32 to vector<16xf32>
          %max3A_123 = arith.maximumf %add3A_121, %max3A_122 : vector<16xf32>
          %bitcast_convert_type3A = tpu.bitcast %max3A_123 : vector<16xf32> -> vector<16xi32>
          %shift_right_arithmetic3A = arith.constant 1 : i32
          %shift_right_arithmetic3A_124 = vector.broadcast %shift_right_arithmetic3A : i32 to vector<16xi32>
          %shift_right_arithmetic3A_125 = arith.shrsi %bitcast_convert_type3A, %shift_right_arithmetic3A_124 : vector<16xi32>
          %sub3A_126 = arith.constant 1597463007 : i32
          %sub3A_127 = vector.broadcast %sub3A_126 : i32 to vector<16xi32>
          %sub3A_128 = arith.subi %sub3A_127, %shift_right_arithmetic3A_125 : vector<16xi32>
          %bitcast_convert_type3A_129 = tpu.bitcast %sub3A_128 : vector<16xi32> -> vector<16xf32>
          %mul3A_130 = arith.constant 5.000000e-01 : f32
          %mul3A_131 = vector.broadcast %mul3A_130 : f32 to vector<16xf32>
          %mul3A_132 = arith.mulf %mul3A_131, %max3A_123 : vector<16xf32>
          %mul3A_133 = arith.mulf %mul3A_132, %bitcast_convert_type3A_129 : vector<16xf32>
          %mul3A_134 = arith.mulf %mul3A_133, %bitcast_convert_type3A_129 : vector<16xf32>
          %sub3A_135 = arith.constant 1.500000e+00 : f32
          %sub3A_136 = vector.broadcast %sub3A_135 : f32 to vector<16xf32>
          %sub3A_137 = arith.subf %sub3A_136, %mul3A_134 : vector<16xf32>
          %mul3A_138 = arith.mulf %bitcast_convert_type3A_129, %sub3A_137 : vector<16xf32>
          %mul3A_139 = arith.constant 5.000000e-01 : f32
          %mul3A_140 = vector.broadcast %mul3A_139 : f32 to vector<16xf32>
          %mul3A_141 = arith.mulf %mul3A_140, %max3A_123 : vector<16xf32>
          %mul3A_142 = arith.mulf %mul3A_141, %mul3A_138 : vector<16xf32>
          %mul3A_143 = arith.mulf %mul3A_142, %mul3A_138 : vector<16xf32>
          %sub3A_144 = arith.constant 1.500000e+00 : f32
          %sub3A_145 = vector.broadcast %sub3A_144 : f32 to vector<16xf32>
          %sub3A_146 = arith.subf %sub3A_145, %mul3A_143 : vector<16xf32>
          %mul3A_147 = arith.mulf %mul3A_138, %sub3A_146 : vector<16xf32>
          %mul3A_148 = arith.mulf %max3A_123, %mul3A_147 : vector<16xf32>
          %mul3A_149 = arith.constant 4.000000e-02 : f32
          %mul3A_150 = vector.broadcast %mul3A_149 : f32 to vector<16xf32>
          %mul3A_151 = arith.mulf %add3A_121, %mul3A_150 : vector<16xf32>
          %min3A_152 = arith.constant 1.000000e+00 : f32
          %min3A_153 = vector.broadcast %min3A_152 : f32 to vector<16xf32>
          %min3A_154 = arith.minimumf %mul3A_151, %min3A_153 : vector<16xf32>
          %broadcast_in_dim3A = arith.constant -0.010287134 : f32
          %broadcast_in_dim3A_155 = vector.broadcast %broadcast_in_dim3A : f32 to vector<16xf32>
          %mul3A_156 = arith.mulf %broadcast_in_dim3A_155, %min3A_154 : vector<16xf32>
          %add3A_157 = arith.constant 0.114794284 : f32
          %add3A_158 = vector.broadcast %add3A_157 : f32 to vector<16xf32>
          %add3A_159 = arith.addf %mul3A_156, %add3A_158 : vector<16xf32>
          %mul3A_160 = arith.mulf %add3A_159, %min3A_154 : vector<16xf32>
          %add3A_161 = arith.constant -0.666126847 : f32
          %add3A_162 = vector.broadcast %add3A_161 : f32 to vector<16xf32>
          %add3A_163 = arith.addf %mul3A_160, %add3A_162 : vector<16xf32>
          %mul3A_164 = arith.mulf %add3A_163, %min3A_154 : vector<16xf32>
          %add3A_165 = arith.constant 2.02898383 : f32
          %add3A_166 = vector.broadcast %add3A_165 : f32 to vector<16xf32>
          %add3A_167 = arith.addf %mul3A_164, %add3A_166 : vector<16xf32>
          %mul3A_168 = arith.mulf %add3A_167, %min3A_154 : vector<16xf32>
          %add3A_169 = arith.constant -2.46736407 : f32
          %add3A_170 = vector.broadcast %add3A_169 : f32 to vector<16xf32>
          %add3A_171 = arith.addf %mul3A_168, %add3A_170 : vector<16xf32>
          %mul3A_172 = arith.mulf %add3A_171, %min3A_154 : vector<16xf32>
          %add3A_173 = arith.constant 0.999999105 : f32
          %add3A_174 = vector.broadcast %add3A_173 : f32 to vector<16xf32>
          %add3A_175 = arith.addf %mul3A_172, %add3A_174 : vector<16xf32>
          %swap3A = arith.index_cast %mul3A_102 : i32 to index
          %swap3A_176 = tpu.vector_load %arg36[%swap3A] {strides = array<i32>} : memref<3200xf32, #tpu.memory_space<vmem>>, vector<16xf32>,
          tpu.vector_store %arg36[%swap3A], %sub3A_106 {strides = array<i32>} : memref<3200xf32, #tpu.memory_space<vmem>>, vector<16xf32>,
          %swap3A_177 = arith.index_cast %mul3A_102 : i32 to index
          %swap3A_178 = tpu.vector_load %arg37[%swap3A_177] {strides = array<i32>} : memref<3200xf32, #tpu.memory_space<vmem>>, vector<16xf32>,
          tpu.vector_store %arg37[%swap3A_177], %sub3A_111 {strides = array<i32>} : memref<3200xf32, #tpu.memory_space<vmem>>, vector<16xf32>,
          %swap3A_179 = arith.index_cast %mul3A_102 : i32 to index
          %swap3A_180 = tpu.vector_load %arg38[%swap3A_179] {strides = array<i32>} : memref<3200xf32, #tpu.memory_space<vmem>>, vector<16xf32>,
          tpu.vector_store %arg38[%swap3A_179], %sub3A_116 {strides = array<i32>} : memref<3200xf32, #tpu.memory_space<vmem>>, vector<16xf32>,
          %swap3A_181 = arith.index_cast %mul3A_102 : i32 to index
          %swap3A_182 = tpu.vector_load %arg39[%swap3A_181] {strides = array<i32>} : memref<3200xf32, #tpu.memory_space<vmem>>, vector<16xf32>,
          tpu.vector_store %arg39[%swap3A_181], %mul3A_148 {strides = array<i32>} : memref<3200xf32, #tpu.memory_space<vmem>>, vector<16xf32>,
          %swap3A_183 = arith.index_cast %mul3A_102 : i32 to index
          %swap3A_184 = tpu.vector_load %arg40[%swap3A_183] {strides = array<i32>} : memref<3200xf32, #tpu.memory_space<vmem>>, vector<16xf32>,
          tpu.vector_store %arg40[%swap3A_183], %add3A_175 {strides = array<i32>} : memref<3200xf32, #tpu.memory_space<vmem>>, vector<16xf32>,
          %scan3A_185 = arith.constant 1 : i32
          %scan3A_186 = arith.addi %scan3A_100, %scan3A_185 : i32
          %mul3A_187 = arith.constant 16 : i32
          %mul3A_188 = arith.muli %scan3A_186, %mul3A_187 : i32
          %get3A_189 = arith.index_cast %mul3A_188 : i32 to index
          %get3A_190 = tpu.vector_load %arg28[%get3A_189] {strides = array<i32>} : memref<3200xf32, #tpu.memory_space<vmem>>, vector<16xf32>,
          %get3A_191 = arith.index_cast %mul3A_188 : i32 to index
          %get3A_192 = tpu.vector_load %arg25[%get3A_191] {strides = array<i32>} : memref<3200xf32, #tpu.memory_space<vmem>>, vector<16xf32>,
          %sub3A_193 = arith.subf %get3A_190, %get3A_192 : vector<16xf32>
          %get3A_194 = arith.index_cast %mul3A_188 : i32 to index
          %get3A_195 = tpu.vector_load %arg29[%get3A_194] {strides = array<i32>} : memref<3200xf32, #tpu.memory_space<vmem>>, vector<16xf32>,
          %get3A_196 = arith.index_cast %mul3A_188 : i32 to index
          %get3A_197 = tpu.vector_load %arg26[%get3A_196] {strides = array<i32>} : memref<3200xf32, #tpu.memory_space<vmem>>, vector<16xf32>,
          %sub3A_198 = arith.subf %get3A_195, %get3A_197 : vector<16xf32>
          %get3A_199 = arith.index_cast %mul3A_188 : i32 to index
          %get3A_200 = tpu.vector_load %arg30[%get3A_199] {strides = array<i32>} : memref<3200xf32, #tpu.memory_space<vmem>>, vector<16xf32>,
          %get3A_201 = arith.index_cast %mul3A_188 : i32 to index
          %get3A_202 = tpu.vector_load %arg27[%get3A_201] {strides = array<i32>} : memref<3200xf32, #tpu.memory_space<vmem>>, vector<16xf32>,
          %sub3A_203 = arith.subf %get3A_200, %get3A_202 : vector<16xf32>
          %mul3A_204 = arith.mulf %sub3A_193, %sub3A_193 : vector<16xf32>
          %mul3A_205 = arith.mulf %sub3A_198, %sub3A_198 : vector<16xf32>
          %add3A_206 = arith.addf %mul3A_204, %mul3A_205 : vector<16xf32>
          %mul3A_207 = arith.mulf %sub3A_203, %sub3A_203 : vector<16xf32>
          %add3A_208 = arith.addf %add3A_206, %mul3A_207 : vector<16xf32>
          %max3A_209 = arith.constant 9.99999996E-13 : f32
          %max3A_210 = vector.broadcast %max3A_209 : f32 to vector<16xf32>
          %max3A_211 = arith.maximumf %add3A_208, %max3A_210 : vector<16xf32>
          %bitcast_convert_type3A_212 = tpu.bitcast %max3A_211 : vector<16xf32> -> vector<16xi32>
          %shift_right_arithmetic3A_213 = arith.constant 1 : i32
          %shift_right_arithmetic3A_214 = vector.broadcast %shift_right_arithmetic3A_213 : i32 to vector<16xi32>
          %shift_right_arithmetic3A_215 = arith.shrsi %bitcast_convert_type3A_212, %shift_right_arithmetic3A_214 : vector<16xi32>
          %sub3A_216 = arith.constant 1597463007 : i32
          %sub3A_217 = vector.broadcast %sub3A_216 : i32 to vector<16xi32>
          %sub3A_218 = arith.subi %sub3A_217, %shift_right_arithmetic3A_215 : vector<16xi32>
          %bitcast_convert_type3A_219 = tpu.bitcast %sub3A_218 : vector<16xi32> -> vector<16xf32>
          %mul3A_220 = arith.constant 5.000000e-01 : f32
          %mul3A_221 = vector.broadcast %mul3A_220 : f32 to vector<16xf32>
          %mul3A_222 = arith.mulf %mul3A_221, %max3A_211 : vector<16xf32>
          %mul3A_223 = arith.mulf %mul3A_222, %bitcast_convert_type3A_219 : vector<16xf32>
          %mul3A_224 = arith.mulf %mul3A_223, %bitcast_convert_type3A_219 : vector<16xf32>
          %sub3A_225 = arith.constant 1.500000e+00 : f32
          %sub3A_226 = vector.broadcast %sub3A_225 : f32 to vector<16xf32>
          %sub3A_227 = arith.subf %sub3A_226, %mul3A_224 : vector<16xf32>
          %mul3A_228 = arith.mulf %bitcast_convert_type3A_219, %sub3A_227 : vector<16xf32>
          %mul3A_229 = arith.constant 5.000000e-01 : f32
          %mul3A_230 = vector.broadcast %mul3A_229 : f32 to vector<16xf32>
          %mul3A_231 = arith.mulf %mul3A_230, %max3A_211 : vector<16xf32>
          %mul3A_232 = arith.mulf %mul3A_231, %mul3A_228 : vector<16xf32>
          %mul3A_233 = arith.mulf %mul3A_232, %mul3A_228 : vector<16xf32>
          %sub3A_234 = arith.constant 1.500000e+00 : f32
          %sub3A_235 = vector.broadcast %sub3A_234 : f32 to vector<16xf32>
          %sub3A_236 = arith.subf %sub3A_235, %mul3A_233 : vector<16xf32>
          %mul3A_237 = arith.mulf %mul3A_228, %sub3A_236 : vector<16xf32>
          %mul3A_238 = arith.mulf %max3A_211, %mul3A_237 : vector<16xf32>
          %mul3A_239 = arith.constant 4.000000e-02 : f32
          %mul3A_240 = vector.broadcast %mul3A_239 : f32 to vector<16xf32>
          %mul3A_241 = arith.mulf %add3A_208, %mul3A_240 : vector<16xf32>
          %min3A_242 = arith.constant 1.000000e+00 : f32
          %min3A_243 = vector.broadcast %min3A_242 : f32 to vector<16xf32>
          %min3A_244 = arith.minimumf %mul3A_241, %min3A_243 : vector<16xf32>
          %broadcast_in_dim3A_245 = arith.constant -0.010287134 : f32
          %broadcast_in_dim3A_246 = vector.broadcast %broadcast_in_dim3A_245 : f32 to vector<16xf32>
          %mul3A_247 = arith.mulf %broadcast_in_dim3A_246, %min3A_244 : vector<16xf32>
          %add3A_248 = arith.constant 0.114794284 : f32
          %add3A_249 = vector.broadcast %add3A_248 : f32 to vector<16xf32>
          %add3A_250 = arith.addf %mul3A_247, %add3A_249 : vector<16xf32>
          %mul3A_251 = arith.mulf %add3A_250, %min3A_244 : vector<16xf32>
          %add3A_252 = arith.constant -0.666126847 : f32
          %add3A_253 = vector.broadcast %add3A_252 : f32 to vector<16xf32>
          %add3A_254 = arith.addf %mul3A_251, %add3A_253 : vector<16xf32>
          %mul3A_255 = arith.mulf %add3A_254, %min3A_244 : vector<16xf32>
          %add3A_256 = arith.constant 2.02898383 : f32
          %add3A_257 = vector.broadcast %add3A_256 : f32 to vector<16xf32>
          %add3A_258 = arith.addf %mul3A_255, %add3A_257 : vector<16xf32>
          %mul3A_259 = arith.mulf %add3A_258, %min3A_244 : vector<16xf32>
          %add3A_260 = arith.constant -2.46736407 : f32
          %add3A_261 = vector.broadcast %add3A_260 : f32 to vector<16xf32>
          %add3A_262 = arith.addf %mul3A_259, %add3A_261 : vector<16xf32>
          %mul3A_263 = arith.mulf %add3A_262, %min3A_244 : vector<16xf32>
          %add3A_264 = arith.constant 0.999999105 : f32
          %add3A_265 = vector.broadcast %add3A_264 : f32 to vector<16xf32>
          %add3A_266 = arith.addf %mul3A_263, %add3A_265 : vector<16xf32>
          %swap3A_267 = arith.index_cast %mul3A_188 : i32 to index
          %swap3A_268 = tpu.vector_load %arg36[%swap3A_267] {strides = array<i32>} : memref<3200xf32, #tpu.memory_space<vmem>>, vector<16xf32>,
          tpu.vector_store %arg36[%swap3A_267], %sub3A_193 {strides = array<i32>} : memref<3200xf32, #tpu.memory_space<vmem>>, vector<16xf32>,
          %swap3A_269 = arith.index_cast %mul3A_188 : i32 to index
          %swap3A_270 = tpu.vector_load %arg37[%swap3A_269] {strides = array<i32>} : memref<3200xf32, #tpu.memory_space<vmem>>, vector<16xf32>,
          tpu.vector_store %arg37[%swap3A_269], %sub3A_198 {strides = array<i32>} : memref<3200xf32, #tpu.memory_space<vmem>>, vector<16xf32>,
          %swap3A_271 = arith.index_cast %mul3A_188 : i32 to index
          %swap3A_272 = tpu.vector_load %arg38[%swap3A_271] {strides = array<i32>} : memref<3200xf32, #tpu.memory_space<vmem>>, vector<16xf32>,
          tpu.vector_store %arg38[%swap3A_271], %sub3A_203 {strides = array<i32>} : memref<3200xf32, #tpu.memory_space<vmem>>, vector<16xf32>,
          %swap3A_273 = arith.index_cast %mul3A_188 : i32 to index
          %swap3A_274 = tpu.vector_load %arg39[%swap3A_273] {strides = array<i32>} : memref<3200xf32, #tpu.memory_space<vmem>>, vector<16xf32>,
          tpu.vector_store %arg39[%swap3A_273], %mul3A_238 {strides = array<i32>} : memref<3200xf32, #tpu.memory_space<vmem>>, vector<16xf32>,
          %swap3A_275 = arith.index_cast %mul3A_188 : i32 to index
          %swap3A_276 = tpu.vector_load %arg40[%swap3A_275] {strides = array<i32>} : memref<3200xf32, #tpu.memory_space<vmem>>, vector<16xf32>,
          tpu.vector_store %arg40[%swap3A_275], %add3A_266 {strides = array<i32>} : memref<3200xf32, #tpu.memory_space<vmem>>, vector<16xf32>,
          %scan3A_277 = arith.constant 2 : i32
          %scan3A_278 = arith.addi %scan3A_100, %scan3A_277 : i32
          %mul3A_279 = arith.constant 16 : i32
          %mul3A_280 = arith.muli %scan3A_278, %mul3A_279 : i32
          %get3A_281 = arith.index_cast %mul3A_280 : i32 to index
          %get3A_282 = tpu.vector_load %arg28[%get3A_281] {strides = array<i32>} : memref<3200xf32, #tpu.memory_space<vmem>>, vector<16xf32>,
          %get3A_283 = arith.index_cast %mul3A_280 : i32 to index
          %get3A_284 = tpu.vector_load %arg25[%get3A_283] {strides = array<i32>} : memref<3200xf32, #tpu.memory_space<vmem>>, vector<16xf32>,
          %sub3A_285 = arith.subf %get3A_282, %get3A_284 : vector<16xf32>
          %get3A_286 = arith.index_cast %mul3A_280 : i32 to index
          %get3A_287 = tpu.vector_load %arg29[%get3A_286] {strides = array<i32>} : memref<3200xf32, #tpu.memory_space<vmem>>, vector<16xf32>,
          %get3A_288 = arith.index_cast %mul3A_280 : i32 to index
          %get3A_289 = tpu.vector_load %arg26[%get3A_288] {strides = array<i32>} : memref<3200xf32, #tpu.memory_space<vmem>>, vector<16xf32>,
          %sub3A_290 = arith.subf %get3A_287, %get3A_289 : vector<16xf32>
          %get3A_291 = arith.index_cast %mul3A_280 : i32 to index
          %get3A_292 = tpu.vector_load %arg30[%get3A_291] {strides = array<i32>} : memref<3200xf32, #tpu.memory_space<vmem>>, vector<16xf32>,
          %get3A_293 = arith.index_cast %mul3A_280 : i32 to index
          %get3A_294 = tpu.vector_load %arg27[%get3A_293] {strides = array<i32>} : memref<3200xf32, #tpu.memory_space<vmem>>, vector<16xf32>,
          %sub3A_295 = arith.subf %get3A_292, %get3A_294 : vector<16xf32>
          %mul3A_296 = arith.mulf %sub3A_285, %sub3A_285 : vector<16xf32>
          %mul3A_297 = arith.mulf %sub3A_290, %sub3A_290 : vector<16xf32>
          %add3A_298 = arith.addf %mul3A_296, %mul3A_297 : vector<16xf32>
          %mul3A_299 = arith.mulf %sub3A_295, %sub3A_295 : vector<16xf32>
          %add3A_300 = arith.addf %add3A_298, %mul3A_299 : vector<16xf32>
          %max3A_301 = arith.constant 9.99999996E-13 : f32
          %max3A_302 = vector.broadcast %max3A_301 : f32 to vector<16xf32>
          %max3A_303 = arith.maximumf %add3A_300, %max3A_302 : vector<16xf32>
          %bitcast_convert_type3A_304 = tpu.bitcast %max3A_303 : vector<16xf32> -> vector<16xi32>
          %shift_right_arithmetic3A_305 = arith.constant 1 : i32
          %shift_right_arithmetic3A_306 = vector.broadcast %shift_right_arithmetic3A_305 : i32 to vector<16xi32>
          %shift_right_arithmetic3A_307 = arith.shrsi %bitcast_convert_type3A_304, %shift_right_arithmetic3A_306 : vector<16xi32>
          %sub3A_308 = arith.constant 1597463007 : i32
          %sub3A_309 = vector.broadcast %sub3A_308 : i32 to vector<16xi32>
          %sub3A_310 = arith.subi %sub3A_309, %shift_right_arithmetic3A_307 : vector<16xi32>
          %bitcast_convert_type3A_311 = tpu.bitcast %sub3A_310 : vector<16xi32> -> vector<16xf32>
          %mul3A_312 = arith.constant 5.000000e-01 : f32
          %mul3A_313 = vector.broadcast %mul3A_312 : f32 to vector<16xf32>
          %mul3A_314 = arith.mulf %mul3A_313, %max3A_303 : vector<16xf32>
          %mul3A_315 = arith.mulf %mul3A_314, %bitcast_convert_type3A_311 : vector<16xf32>
          %mul3A_316 = arith.mulf %mul3A_315, %bitcast_convert_type3A_311 : vector<16xf32>
          %sub3A_317 = arith.constant 1.500000e+00 : f32
          %sub3A_318 = vector.broadcast %sub3A_317 : f32 to vector<16xf32>
          %sub3A_319 = arith.subf %sub3A_318, %mul3A_316 : vector<16xf32>
          %mul3A_320 = arith.mulf %bitcast_convert_type3A_311, %sub3A_319 : vector<16xf32>
          %mul3A_321 = arith.constant 5.000000e-01 : f32
          %mul3A_322 = vector.broadcast %mul3A_321 : f32 to vector<16xf32>
          %mul3A_323 = arith.mulf %mul3A_322, %max3A_303 : vector<16xf32>
          %mul3A_324 = arith.mulf %mul3A_323, %mul3A_320 : vector<16xf32>
          %mul3A_325 = arith.mulf %mul3A_324, %mul3A_320 : vector<16xf32>
          %sub3A_326 = arith.constant 1.500000e+00 : f32
          %sub3A_327 = vector.broadcast %sub3A_326 : f32 to vector<16xf32>
          %sub3A_328 = arith.subf %sub3A_327, %mul3A_325 : vector<16xf32>
          %mul3A_329 = arith.mulf %mul3A_320, %sub3A_328 : vector<16xf32>
          %mul3A_330 = arith.mulf %max3A_303, %mul3A_329 : vector<16xf32>
          %mul3A_331 = arith.constant 4.000000e-02 : f32
          %mul3A_332 = vector.broadcast %mul3A_331 : f32 to vector<16xf32>
          %mul3A_333 = arith.mulf %add3A_300, %mul3A_332 : vector<16xf32>
          %min3A_334 = arith.constant 1.000000e+00 : f32
          %min3A_335 = vector.broadcast %min3A_334 : f32 to vector<16xf32>
          %min3A_336 = arith.minimumf %mul3A_333, %min3A_335 : vector<16xf32>
          %broadcast_in_dim3A_337 = arith.constant -0.010287134 : f32
          %broadcast_in_dim3A_338 = vector.broadcast %broadcast_in_dim3A_337 : f32 to vector<16xf32>
          %mul3A_339 = arith.mulf %broadcast_in_dim3A_338, %min3A_336 : vector<16xf32>
          %add3A_340 = arith.constant 0.114794284 : f32
          %add3A_341 = vector.broadcast %add3A_340 : f32 to vector<16xf32>
          %add3A_342 = arith.addf %mul3A_339, %add3A_341 : vector<16xf32>
          %mul3A_343 = arith.mulf %add3A_342, %min3A_336 : vector<16xf32>
          %add3A_344 = arith.constant -0.666126847 : f32
          %add3A_345 = vector.broadcast %add3A_344 : f32 to vector<16xf32>
          %add3A_346 = arith.addf %mul3A_343, %add3A_345 : vector<16xf32>
          %mul3A_347 = arith.mulf %add3A_346, %min3A_336 : vector<16xf32>
          %add3A_348 = arith.constant 2.02898383 : f32
          %add3A_349 = vector.broadcast %add3A_348 : f32 to vector<16xf32>
          %add3A_350 = arith.addf %mul3A_347, %add3A_349 : vector<16xf32>
          %mul3A_351 = arith.mulf %add3A_350, %min3A_336 : vector<16xf32>
          %add3A_352 = arith.constant -2.46736407 : f32
          %add3A_353 = vector.broadcast %add3A_352 : f32 to vector<16xf32>
          %add3A_354 = arith.addf %mul3A_351, %add3A_353 : vector<16xf32>
          %mul3A_355 = arith.mulf %add3A_354, %min3A_336 : vector<16xf32>
          %add3A_356 = arith.constant 0.999999105 : f32
          %add3A_357 = vector.broadcast %add3A_356 : f32 to vector<16xf32>
          %add3A_358 = arith.addf %mul3A_355, %add3A_357 : vector<16xf32>
          %swap3A_359 = arith.index_cast %mul3A_280 : i32 to index
          %swap3A_360 = tpu.vector_load %arg36[%swap3A_359] {strides = array<i32>} : memref<3200xf32, #tpu.memory_space<vmem>>, vector<16xf32>,
          tpu.vector_store %arg36[%swap3A_359], %sub3A_285 {strides = array<i32>} : memref<3200xf32, #tpu.memory_space<vmem>>, vector<16xf32>,
          %swap3A_361 = arith.index_cast %mul3A_280 : i32 to index
          %swap3A_362 = tpu.vector_load %arg37[%swap3A_361] {strides = array<i32>} : memref<3200xf32, #tpu.memory_space<vmem>>, vector<16xf32>,
          tpu.vector_store %arg37[%swap3A_361], %sub3A_290 {strides = array<i32>} : memref<3200xf32, #tpu.memory_space<vmem>>, vector<16xf32>,
          %swap3A_363 = arith.index_cast %mul3A_280 : i32 to index
          %swap3A_364 = tpu.vector_load %arg38[%swap3A_363] {strides = array<i32>} : memref<3200xf32, #tpu.memory_space<vmem>>, vector<16xf32>,
          tpu.vector_store %arg38[%swap3A_363], %sub3A_295 {strides = array<i32>} : memref<3200xf32, #tpu.memory_space<vmem>>, vector<16xf32>,
          %swap3A_365 = arith.index_cast %mul3A_280 : i32 to index
          %swap3A_366 = tpu.vector_load %arg39[%swap3A_365] {strides = array<i32>} : memref<3200xf32, #tpu.memory_space<vmem>>, vector<16xf32>,
          tpu.vector_store %arg39[%swap3A_365], %mul3A_330 {strides = array<i32>} : memref<3200xf32, #tpu.memory_space<vmem>>, vector<16xf32>,
          %swap3A_367 = arith.index_cast %mul3A_280 : i32 to index
          %swap3A_368 = tpu.vector_load %arg40[%swap3A_367] {strides = array<i32>} : memref<3200xf32, #tpu.memory_space<vmem>>, vector<16xf32>,
          tpu.vector_store %arg40[%swap3A_367], %add3A_358 {strides = array<i32>} : memref<3200xf32, #tpu.memory_space<vmem>>, vector<16xf32>,
          %scan3A_369 = arith.constant 3 : i32
          %scan3A_370 = arith.addi %scan3A_100, %scan3A_369 : i32
          %mul3A_371 = arith.constant 16 : i32
          %mul3A_372 = arith.muli %scan3A_370, %mul3A_371 : i32
          %get3A_373 = arith.index_cast %mul3A_372 : i32 to index
          %get3A_374 = tpu.vector_load %arg28[%get3A_373] {strides = array<i32>} : memref<3200xf32, #tpu.memory_space<vmem>>, vector<16xf32>,
          %get3A_375 = arith.index_cast %mul3A_372 : i32 to index
          %get3A_376 = tpu.vector_load %arg25[%get3A_375] {strides = array<i32>} : memref<3200xf32, #tpu.memory_space<vmem>>, vector<16xf32>,
          %sub3A_377 = arith.subf %get3A_374, %get3A_376 : vector<16xf32>
          %get3A_378 = arith.index_cast %mul3A_372 : i32 to index
          %get3A_379 = tpu.vector_load %arg29[%get3A_378] {strides = array<i32>} : memref<3200xf32, #tpu.memory_space<vmem>>, vector<16xf32>,
          %get3A_380 = arith.index_cast %mul3A_372 : i32 to index
          %get3A_381 = tpu.vector_load %arg26[%get3A_380] {strides = array<i32>} : memref<3200xf32, #tpu.memory_space<vmem>>, vector<16xf32>,
          %sub3A_382 = arith.subf %get3A_379, %get3A_381 : vector<16xf32>
          %get3A_383 = arith.index_cast %mul3A_372 : i32 to index
          %get3A_384 = tpu.vector_load %arg30[%get3A_383] {strides = array<i32>} : memref<3200xf32, #tpu.memory_space<vmem>>, vector<16xf32>,
          %get3A_385 = arith.index_cast %mul3A_372 : i32 to index
          %get3A_386 = tpu.vector_load %arg27[%get3A_385] {strides = array<i32>} : memref<3200xf32, #tpu.memory_space<vmem>>, vector<16xf32>,
          %sub3A_387 = arith.subf %get3A_384, %get3A_386 : vector<16xf32>
          %mul3A_388 = arith.mulf %sub3A_377, %sub3A_377 : vector<16xf32>
          %mul3A_389 = arith.mulf %sub3A_382, %sub3A_382 : vector<16xf32>
          %add3A_390 = arith.addf %mul3A_388, %mul3A_389 : vector<16xf32>
          %mul3A_391 = arith.mulf %sub3A_387, %sub3A_387 : vector<16xf32>
          %add3A_392 = arith.addf %add3A_390, %mul3A_391 : vector<16xf32>
          %max3A_393 = arith.constant 9.99999996E-13 : f32
          %max3A_394 = vector.broadcast %max3A_393 : f32 to vector<16xf32>
          %max3A_395 = arith.maximumf %add3A_392, %max3A_394 : vector<16xf32>
          %bitcast_convert_type3A_396 = tpu.bitcast %max3A_395 : vector<16xf32> -> vector<16xi32>
          %shift_right_arithmetic3A_397 = arith.constant 1 : i32
          %shift_right_arithmetic3A_398 = vector.broadcast %shift_right_arithmetic3A_397 : i32 to vector<16xi32>
          %shift_right_arithmetic3A_399 = arith.shrsi %bitcast_convert_type3A_396, %shift_right_arithmetic3A_398 : vector<16xi32>
          %sub3A_400 = arith.constant 1597463007 : i32
          %sub3A_401 = vector.broadcast %sub3A_400 : i32 to vector<16xi32>
          %sub3A_402 = arith.subi %sub3A_401, %shift_right_arithmetic3A_399 : vector<16xi32>
          %bitcast_convert_type3A_403 = tpu.bitcast %sub3A_402 : vector<16xi32> -> vector<16xf32>
          %mul3A_404 = arith.constant 5.000000e-01 : f32
          %mul3A_405 = vector.broadcast %mul3A_404 : f32 to vector<16xf32>
          %mul3A_406 = arith.mulf %mul3A_405, %max3A_395 : vector<16xf32>
          %mul3A_407 = arith.mulf %mul3A_406, %bitcast_convert_type3A_403 : vector<16xf32>
          %mul3A_408 = arith.mulf %mul3A_407, %bitcast_convert_type3A_403 : vector<16xf32>
          %sub3A_409 = arith.constant 1.500000e+00 : f32
          %sub3A_410 = vector.broadcast %sub3A_409 : f32 to vector<16xf32>
          %sub3A_411 = arith.subf %sub3A_410, %mul3A_408 : vector<16xf32>
          %mul3A_412 = arith.mulf %bitcast_convert_type3A_403, %sub3A_411 : vector<16xf32>
          %mul3A_413 = arith.constant 5.000000e-01 : f32
          %mul3A_414 = vector.broadcast %mul3A_413 : f32 to vector<16xf32>
          %mul3A_415 = arith.mulf %mul3A_414, %max3A_395 : vector<16xf32>
          %mul3A_416 = arith.mulf %mul3A_415, %mul3A_412 : vector<16xf32>
          %mul3A_417 = arith.mulf %mul3A_416, %mul3A_412 : vector<16xf32>
          %sub3A_418 = arith.constant 1.500000e+00 : f32
          %sub3A_419 = vector.broadcast %sub3A_418 : f32 to vector<16xf32>
          %sub3A_420 = arith.subf %sub3A_419, %mul3A_417 : vector<16xf32>
          %mul3A_421 = arith.mulf %mul3A_412, %sub3A_420 : vector<16xf32>
          %mul3A_422 = arith.mulf %max3A_395, %mul3A_421 : vector<16xf32>
          %mul3A_423 = arith.constant 4.000000e-02 : f32
          %mul3A_424 = vector.broadcast %mul3A_423 : f32 to vector<16xf32>
          %mul3A_425 = arith.mulf %add3A_392, %mul3A_424 : vector<16xf32>
          %min3A_426 = arith.constant 1.000000e+00 : f32
          %min3A_427 = vector.broadcast %min3A_426 : f32 to vector<16xf32>
          %min3A_428 = arith.minimumf %mul3A_425, %min3A_427 : vector<16xf32>
          %broadcast_in_dim3A_429 = arith.constant -0.010287134 : f32
          %broadcast_in_dim3A_430 = vector.broadcast %broadcast_in_dim3A_429 : f32 to vector<16xf32>
          %mul3A_431 = arith.mulf %broadcast_in_dim3A_430, %min3A_428 : vector<16xf32>
          %add3A_432 = arith.constant 0.114794284 : f32
          %add3A_433 = vector.broadcast %add3A_432 : f32 to vector<16xf32>
          %add3A_434 = arith.addf %mul3A_431, %add3A_433 : vector<16xf32>
          %mul3A_435 = arith.mulf %add3A_434, %min3A_428 : vector<16xf32>
          %add3A_436 = arith.constant -0.666126847 : f32
          %add3A_437 = vector.broadcast %add3A_436 : f32 to vector<16xf32>
          %add3A_438 = arith.addf %mul3A_435, %add3A_437 : vector<16xf32>
          %mul3A_439 = arith.mulf %add3A_438, %min3A_428 : vector<16xf32>
          %add3A_440 = arith.constant 2.02898383 : f32
          %add3A_441 = vector.broadcast %add3A_440 : f32 to vector<16xf32>
          %add3A_442 = arith.addf %mul3A_439, %add3A_441 : vector<16xf32>
          %mul3A_443 = arith.mulf %add3A_442, %min3A_428 : vector<16xf32>
          %add3A_444 = arith.constant -2.46736407 : f32
          %add3A_445 = vector.broadcast %add3A_444 : f32 to vector<16xf32>
          %add3A_446 = arith.addf %mul3A_443, %add3A_445 : vector<16xf32>
          %mul3A_447 = arith.mulf %add3A_446, %min3A_428 : vector<16xf32>
          %add3A_448 = arith.constant 0.999999105 : f32
          %add3A_449 = vector.broadcast %add3A_448 : f32 to vector<16xf32>
          %add3A_450 = arith.addf %mul3A_447, %add3A_449 : vector<16xf32>
          %swap3A_451 = arith.index_cast %mul3A_372 : i32 to index
          %swap3A_452 = tpu.vector_load %arg36[%swap3A_451] {strides = array<i32>} : memref<3200xf32, #tpu.memory_space<vmem>>, vector<16xf32>,
          tpu.vector_store %arg36[%swap3A_451], %sub3A_377 {strides = array<i32>} : memref<3200xf32, #tpu.memory_space<vmem>>, vector<16xf32>,
          %swap3A_453 = arith.index_cast %mul3A_372 : i32 to index
          %swap3A_454 = tpu.vector_load %arg37[%swap3A_453] {strides = array<i32>} : memref<3200xf32, #tpu.memory_space<vmem>>, vector<16xf32>,
          tpu.vector_store %arg37[%swap3A_453], %sub3A_382 {strides = array<i32>} : memref<3200xf32, #tpu.memory_space<vmem>>, vector<16xf32>,
          %swap3A_455 = arith.index_cast %mul3A_372 : i32 to index
          %swap3A_456 = tpu.vector_load %arg38[%swap3A_455] {strides = array<i32>} : memref<3200xf32, #tpu.memory_space<vmem>>, vector<16xf32>,
          tpu.vector_store %arg38[%swap3A_455], %sub3A_387 {strides = array<i32>} : memref<3200xf32, #tpu.memory_space<vmem>>, vector<16xf32>,
          %swap3A_457 = arith.index_cast %mul3A_372 : i32 to index
          %swap3A_458 = tpu.vector_load %arg39[%swap3A_457] {strides = array<i32>} : memref<3200xf32, #tpu.memory_space<vmem>>, vector<16xf32>,
          tpu.vector_store %arg39[%swap3A_457], %mul3A_422 {strides = array<i32>} : memref<3200xf32, #tpu.memory_space<vmem>>, vector<16xf32>,
          %swap3A_459 = arith.index_cast %mul3A_372 : i32 to index
          %swap3A_460 = tpu.vector_load %arg40[%swap3A_459] {strides = array<i32>} : memref<3200xf32, #tpu.memory_space<vmem>>, vector<16xf32>,
          tpu.vector_store %arg40[%swap3A_459], %add3A_450 {strides = array<i32>} : memref<3200xf32, #tpu.memory_space<vmem>>, vector<16xf32>,
          %scan3A_461 = arith.constant 4 : i32
          %scan3A_462 = arith.addi %scan3A_100, %scan3A_461 : i32
          %mul3A_463 = arith.constant 16 : i32
          %mul3A_464 = arith.muli %scan3A_462, %mul3A_463 : i32
          %get3A_465 = arith.index_cast %mul3A_464 : i32 to index
          %get3A_466 = tpu.vector_load %arg28[%get3A_465] {strides = array<i32>} : memref<3200xf32, #tpu.memory_space<vmem>>, vector<16xf32>,
          %get3A_467 = arith.index_cast %mul3A_464 : i32 to index
          %get3A_468 = tpu.vector_load %arg25[%get3A_467] {strides = array<i32>} : memref<3200xf32, #tpu.memory_space<vmem>>, vector<16xf32>,
          %sub3A_469 = arith.subf %get3A_466, %get3A_468 : vector<16xf32>
          %get3A_470 = arith.index_cast %mul3A_464 : i32 to index
          %get3A_471 = tpu.vector_load %arg29[%get3A_470] {strides = array<i32>} : memref<3200xf32, #tpu.memory_space<vmem>>, vector<16xf32>,
          %get3A_472 = arith.index_cast %mul3A_464 : i32 to index
          %get3A_473 = tpu.vector_load %arg26[%get3A_472] {strides = array<i32>} : memref<3200xf32, #tpu.memory_space<vmem>>, vector<16xf32>,
          %sub3A_474 = arith.subf %get3A_471, %get3A_473 : vector<16xf32>
          %get3A_475 = arith.index_cast %mul3A_464 : i32 to index
          %get3A_476 = tpu.vector_load %arg30[%get3A_475] {strides = array<i32>} : memref<3200xf32, #tpu.memory_space<vmem>>, vector<16xf32>,
          %get3A_477 = arith.index_cast %mul3A_464 : i32 to index
          %get3A_478 = tpu.vector_load %arg27[%get3A_477] {strides = array<i32>} : memref<3200xf32, #tpu.memory_space<vmem>>, vector<16xf32>,
          %sub3A_479 = arith.subf %get3A_476, %get3A_478 : vector<16xf32>
          %mul3A_480 = arith.mulf %sub3A_469, %sub3A_469 : vector<16xf32>
          %mul3A_481 = arith.mulf %sub3A_474, %sub3A_474 : vector<16xf32>
          %add3A_482 = arith.addf %mul3A_480, %mul3A_481 : vector<16xf32>
          %mul3A_483 = arith.mulf %sub3A_479, %sub3A_479 : vector<16xf32>
          %add3A_484 = arith.addf %add3A_482, %mul3A_483 : vector<16xf32>
          %max3A_485 = arith.constant 9.99999996E-13 : f32
          %max3A_486 = vector.broadcast %max3A_485 : f32 to vector<16xf32>
          %max3A_487 = arith.maximumf %add3A_484, %max3A_486 : vector<16xf32>
          %bitcast_convert_type3A_488 = tpu.bitcast %max3A_487 : vector<16xf32> -> vector<16xi32>
          %shift_right_arithmetic3A_489 = arith.constant 1 : i32
          %shift_right_arithmetic3A_490 = vector.broadcast %shift_right_arithmetic3A_489 : i32 to vector<16xi32>
          %shift_right_arithmetic3A_491 = arith.shrsi %bitcast_convert_type3A_488, %shift_right_arithmetic3A_490 : vector<16xi32>
          %sub3A_492 = arith.constant 1597463007 : i32
          %sub3A_493 = vector.broadcast %sub3A_492 : i32 to vector<16xi32>
          %sub3A_494 = arith.subi %sub3A_493, %shift_right_arithmetic3A_491 : vector<16xi32>
          %bitcast_convert_type3A_495 = tpu.bitcast %sub3A_494 : vector<16xi32> -> vector<16xf32>
          %mul3A_496 = arith.constant 5.000000e-01 : f32
          %mul3A_497 = vector.broadcast %mul3A_496 : f32 to vector<16xf32>
          %mul3A_498 = arith.mulf %mul3A_497, %max3A_487 : vector<16xf32>
          %mul3A_499 = arith.mulf %mul3A_498, %bitcast_convert_type3A_495 : vector<16xf32>
          %mul3A_500 = arith.mulf %mul3A_499, %bitcast_convert_type3A_495 : vector<16xf32>
          %sub3A_501 = arith.constant 1.500000e+00 : f32
          %sub3A_502 = vector.broadcast %sub3A_501 : f32 to vector<16xf32>
          %sub3A_503 = arith.subf %sub3A_502, %mul3A_500 : vector<16xf32>
          %mul3A_504 = arith.mulf %bitcast_convert_type3A_495, %sub3A_503 : vector<16xf32>
          %mul3A_505 = arith.constant 5.000000e-01 : f32
          %mul3A_506 = vector.broadcast %mul3A_505 : f32 to vector<16xf32>
          %mul3A_507 = arith.mulf %mul3A_506, %max3A_487 : vector<16xf32>
          %mul3A_508 = arith.mulf %mul3A_507, %mul3A_504 : vector<16xf32>
          %mul3A_509 = arith.mulf %mul3A_508, %mul3A_504 : vector<16xf32>
          %sub3A_510 = arith.constant 1.500000e+00 : f32
          %sub3A_511 = vector.broadcast %sub3A_510 : f32 to vector<16xf32>
          %sub3A_512 = arith.subf %sub3A_511, %mul3A_509 : vector<16xf32>
          %mul3A_513 = arith.mulf %mul3A_504, %sub3A_512 : vector<16xf32>
          %mul3A_514 = arith.mulf %max3A_487, %mul3A_513 : vector<16xf32>
          %mul3A_515 = arith.constant 4.000000e-02 : f32
          %mul3A_516 = vector.broadcast %mul3A_515 : f32 to vector<16xf32>
          %mul3A_517 = arith.mulf %add3A_484, %mul3A_516 : vector<16xf32>
          %min3A_518 = arith.constant 1.000000e+00 : f32
          %min3A_519 = vector.broadcast %min3A_518 : f32 to vector<16xf32>
          %min3A_520 = arith.minimumf %mul3A_517, %min3A_519 : vector<16xf32>
          %broadcast_in_dim3A_521 = arith.constant -0.010287134 : f32
          %broadcast_in_dim3A_522 = vector.broadcast %broadcast_in_dim3A_521 : f32 to vector<16xf32>
          %mul3A_523 = arith.mulf %broadcast_in_dim3A_522, %min3A_520 : vector<16xf32>
          %add3A_524 = arith.constant 0.114794284 : f32
          %add3A_525 = vector.broadcast %add3A_524 : f32 to vector<16xf32>
          %add3A_526 = arith.addf %mul3A_523, %add3A_525 : vector<16xf32>
          %mul3A_527 = arith.mulf %add3A_526, %min3A_520 : vector<16xf32>
          %add3A_528 = arith.constant -0.666126847 : f32
          %add3A_529 = vector.broadcast %add3A_528 : f32 to vector<16xf32>
          %add3A_530 = arith.addf %mul3A_527, %add3A_529 : vector<16xf32>
          %mul3A_531 = arith.mulf %add3A_530, %min3A_520 : vector<16xf32>
          %add3A_532 = arith.constant 2.02898383 : f32
          %add3A_533 = vector.broadcast %add3A_532 : f32 to vector<16xf32>
          %add3A_534 = arith.addf %mul3A_531, %add3A_533 : vector<16xf32>
          %mul3A_535 = arith.mulf %add3A_534, %min3A_520 : vector<16xf32>
          %add3A_536 = arith.constant -2.46736407 : f32
          %add3A_537 = vector.broadcast %add3A_536 : f32 to vector<16xf32>
          %add3A_538 = arith.addf %mul3A_535, %add3A_537 : vector<16xf32>
          %mul3A_539 = arith.mulf %add3A_538, %min3A_520 : vector<16xf32>
          %add3A_540 = arith.constant 0.999999105 : f32
          %add3A_541 = vector.broadcast %add3A_540 : f32 to vector<16xf32>
          %add3A_542 = arith.addf %mul3A_539, %add3A_541 : vector<16xf32>
          %swap3A_543 = arith.index_cast %mul3A_464 : i32 to index
          %swap3A_544 = tpu.vector_load %arg36[%swap3A_543] {strides = array<i32>} : memref<3200xf32, #tpu.memory_space<vmem>>, vector<16xf32>,
          tpu.vector_store %arg36[%swap3A_543], %sub3A_469 {strides = array<i32>} : memref<3200xf32, #tpu.memory_space<vmem>>, vector<16xf32>,
          %swap3A_545 = arith.index_cast %mul3A_464 : i32 to index
          %swap3A_546 = tpu.vector_load %arg37[%swap3A_545] {strides = array<i32>} : memref<3200xf32, #tpu.memory_space<vmem>>, vector<16xf32>,
          tpu.vector_store %arg37[%swap3A_545], %sub3A_474 {strides = array<i32>} : memref<3200xf32, #tpu.memory_space<vmem>>, vector<16xf32>,
          %swap3A_547 = arith.index_cast %mul3A_464 : i32 to index
          %swap3A_548 = tpu.vector_load %arg38[%swap3A_547] {strides = array<i32>} : memref<3200xf32, #tpu.memory_space<vmem>>, vector<16xf32>,
          tpu.vector_store %arg38[%swap3A_547], %sub3A_479 {strides = array<i32>} : memref<3200xf32, #tpu.memory_space<vmem>>, vector<16xf32>,
          %swap3A_549 = arith.index_cast %mul3A_464 : i32 to index
          %swap3A_550 = tpu.vector_load %arg39[%swap3A_549] {strides = array<i32>} : memref<3200xf32, #tpu.memory_space<vmem>>, vector<16xf32>,
          tpu.vector_store %arg39[%swap3A_549], %mul3A_514 {strides = array<i32>} : memref<3200xf32, #tpu.memory_space<vmem>>, vector<16xf32>,
          %swap3A_551 = arith.index_cast %mul3A_464 : i32 to index
          %swap3A_552 = tpu.vector_load %arg40[%swap3A_551] {strides = array<i32>} : memref<3200xf32, #tpu.memory_space<vmem>>, vector<16xf32>,
          tpu.vector_store %arg40[%swap3A_551], %add3A_542 {strides = array<i32>} : memref<3200xf32, #tpu.memory_space<vmem>>, vector<16xf32>,
          %scan3A_553 = arith.constant 5 : i32
          %scan3A_554 = arith.addi %scan3A_100, %scan3A_553 : i32
          %mul3A_555 = arith.constant 16 : i32
          %mul3A_556 = arith.muli %scan3A_554, %mul3A_555 : i32
          %get3A_557 = arith.index_cast %mul3A_556 : i32 to index
          %get3A_558 = tpu.vector_load %arg28[%get3A_557] {strides = array<i32>} : memref<3200xf32, #tpu.memory_space<vmem>>, vector<16xf32>,
          %get3A_559 = arith.index_cast %mul3A_556 : i32 to index
          %get3A_560 = tpu.vector_load %arg25[%get3A_559] {strides = array<i32>} : memref<3200xf32, #tpu.memory_space<vmem>>, vector<16xf32>,
          %sub3A_561 = arith.subf %get3A_558, %get3A_560 : vector<16xf32>
          %get3A_562 = arith.index_cast %mul3A_556 : i32 to index
          %get3A_563 = tpu.vector_load %arg29[%get3A_562] {strides = array<i32>} : memref<3200xf32, #tpu.memory_space<vmem>>, vector<16xf32>,
          %get3A_564 = arith.index_cast %mul3A_556 : i32 to index
          %get3A_565 = tpu.vector_load %arg26[%get3A_564] {strides = array<i32>} : memref<3200xf32, #tpu.memory_space<vmem>>, vector<16xf32>,
          %sub3A_566 = arith.subf %get3A_563, %get3A_565 : vector<16xf32>
          %get3A_567 = arith.index_cast %mul3A_556 : i32 to index
          %get3A_568 = tpu.vector_load %arg30[%get3A_567] {strides = array<i32>} : memref<3200xf32, #tpu.memory_space<vmem>>, vector<16xf32>,
          %get3A_569 = arith.index_cast %mul3A_556 : i32 to index
          %get3A_570 = tpu.vector_load %arg27[%get3A_569] {strides = array<i32>} : memref<3200xf32, #tpu.memory_space<vmem>>, vector<16xf32>,
          %sub3A_571 = arith.subf %get3A_568, %get3A_570 : vector<16xf32>
          %mul3A_572 = arith.mulf %sub3A_561, %sub3A_561 : vector<16xf32>
          %mul3A_573 = arith.mulf %sub3A_566, %sub3A_566 : vector<16xf32>
          %add3A_574 = arith.addf %mul3A_572, %mul3A_573 : vector<16xf32>
          %mul3A_575 = arith.mulf %sub3A_571, %sub3A_571 : vector<16xf32>
          %add3A_576 = arith.addf %add3A_574, %mul3A_575 : vector<16xf32>
          %max3A_577 = arith.constant 9.99999996E-13 : f32
          %max3A_578 = vector.broadcast %max3A_577 : f32 to vector<16xf32>
          %max3A_579 = arith.maximumf %add3A_576, %max3A_578 : vector<16xf32>
          %bitcast_convert_type3A_580 = tpu.bitcast %max3A_579 : vector<16xf32> -> vector<16xi32>
          %shift_right_arithmetic3A_581 = arith.constant 1 : i32
          %shift_right_arithmetic3A_582 = vector.broadcast %shift_right_arithmetic3A_581 : i32 to vector<16xi32>
          %shift_right_arithmetic3A_583 = arith.shrsi %bitcast_convert_type3A_580, %shift_right_arithmetic3A_582 : vector<16xi32>
          %sub3A_584 = arith.constant 1597463007 : i32
          %sub3A_585 = vector.broadcast %sub3A_584 : i32 to vector<16xi32>
          %sub3A_586 = arith.subi %sub3A_585, %shift_right_arithmetic3A_583 : vector<16xi32>
          %bitcast_convert_type3A_587 = tpu.bitcast %sub3A_586 : vector<16xi32> -> vector<16xf32>
          %mul3A_588 = arith.constant 5.000000e-01 : f32
          %mul3A_589 = vector.broadcast %mul3A_588 : f32 to vector<16xf32>
          %mul3A_590 = arith.mulf %mul3A_589, %max3A_579 : vector<16xf32>
          %mul3A_591 = arith.mulf %mul3A_590, %bitcast_convert_type3A_587 : vector<16xf32>
          %mul3A_592 = arith.mulf %mul3A_591, %bitcast_convert_type3A_587 : vector<16xf32>
          %sub3A_593 = arith.constant 1.500000e+00 : f32
          %sub3A_594 = vector.broadcast %sub3A_593 : f32 to vector<16xf32>
          %sub3A_595 = arith.subf %sub3A_594, %mul3A_592 : vector<16xf32>
          %mul3A_596 = arith.mulf %bitcast_convert_type3A_587, %sub3A_595 : vector<16xf32>
          %mul3A_597 = arith.constant 5.000000e-01 : f32
          %mul3A_598 = vector.broadcast %mul3A_597 : f32 to vector<16xf32>
          %mul3A_599 = arith.mulf %mul3A_598, %max3A_579 : vector<16xf32>
          %mul3A_600 = arith.mulf %mul3A_599, %mul3A_596 : vector<16xf32>
          %mul3A_601 = arith.mulf %mul3A_600, %mul3A_596 : vector<16xf32>
          %sub3A_602 = arith.constant 1.500000e+00 : f32
          %sub3A_603 = vector.broadcast %sub3A_602 : f32 to vector<16xf32>
          %sub3A_604 = arith.subf %sub3A_603, %mul3A_601 : vector<16xf32>
          %mul3A_605 = arith.mulf %mul3A_596, %sub3A_604 : vector<16xf32>
          %mul3A_606 = arith.mulf %max3A_579, %mul3A_605 : vector<16xf32>
          %mul3A_607 = arith.constant 4.000000e-02 : f32
          %mul3A_608 = vector.broadcast %mul3A_607 : f32 to vector<16xf32>
          %mul3A_609 = arith.mulf %add3A_576, %mul3A_608 : vector<16xf32>
          %min3A_610 = arith.constant 1.000000e+00 : f32
          %min3A_611 = vector.broadcast %min3A_610 : f32 to vector<16xf32>
          %min3A_612 = arith.minimumf %mul3A_609, %min3A_611 : vector<16xf32>
          %broadcast_in_dim3A_613 = arith.constant -0.010287134 : f32
          %broadcast_in_dim3A_614 = vector.broadcast %broadcast_in_dim3A_613 : f32 to vector<16xf32>
          %mul3A_615 = arith.mulf %broadcast_in_dim3A_614, %min3A_612 : vector<16xf32>
          %add3A_616 = arith.constant 0.114794284 : f32
          %add3A_617 = vector.broadcast %add3A_616 : f32 to vector<16xf32>
          %add3A_618 = arith.addf %mul3A_615, %add3A_617 : vector<16xf32>
          %mul3A_619 = arith.mulf %add3A_618, %min3A_612 : vector<16xf32>
          %add3A_620 = arith.constant -0.666126847 : f32
          %add3A_621 = vector.broadcast %add3A_620 : f32 to vector<16xf32>
          %add3A_622 = arith.addf %mul3A_619, %add3A_621 : vector<16xf32>
          %mul3A_623 = arith.mulf %add3A_622, %min3A_612 : vector<16xf32>
          %add3A_624 = arith.constant 2.02898383 : f32
          %add3A_625 = vector.broadcast %add3A_624 : f32 to vector<16xf32>
          %add3A_626 = arith.addf %mul3A_623, %add3A_625 : vector<16xf32>
          %mul3A_627 = arith.mulf %add3A_626, %min3A_612 : vector<16xf32>
          %add3A_628 = arith.constant -2.46736407 : f32
          %add3A_629 = vector.broadcast %add3A_628 : f32 to vector<16xf32>
          %add3A_630 = arith.addf %mul3A_627, %add3A_629 : vector<16xf32>
          %mul3A_631 = arith.mulf %add3A_630, %min3A_612 : vector<16xf32>
          %add3A_632 = arith.constant 0.999999105 : f32
          %add3A_633 = vector.broadcast %add3A_632 : f32 to vector<16xf32>
          %add3A_634 = arith.addf %mul3A_631, %add3A_633 : vector<16xf32>
          %swap3A_635 = arith.index_cast %mul3A_556 : i32 to index
          %swap3A_636 = tpu.vector_load %arg36[%swap3A_635] {strides = array<i32>} : memref<3200xf32, #tpu.memory_space<vmem>>, vector<16xf32>,
          tpu.vector_store %arg36[%swap3A_635], %sub3A_561 {strides = array<i32>} : memref<3200xf32, #tpu.memory_space<vmem>>, vector<16xf32>,
          %swap3A_637 = arith.index_cast %mul3A_556 : i32 to index
          %swap3A_638 = tpu.vector_load %arg37[%swap3A_637] {strides = array<i32>} : memref<3200xf32, #tpu.memory_space<vmem>>, vector<16xf32>,
          tpu.vector_store %arg37[%swap3A_637], %sub3A_566 {strides = array<i32>} : memref<3200xf32, #tpu.memory_space<vmem>>, vector<16xf32>,
          %swap3A_639 = arith.index_cast %mul3A_556 : i32 to index
          %swap3A_640 = tpu.vector_load %arg38[%swap3A_639] {strides = array<i32>} : memref<3200xf32, #tpu.memory_space<vmem>>, vector<16xf32>,
          tpu.vector_store %arg38[%swap3A_639], %sub3A_571 {strides = array<i32>} : memref<3200xf32, #tpu.memory_space<vmem>>, vector<16xf32>,
          %swap3A_641 = arith.index_cast %mul3A_556 : i32 to index
          %swap3A_642 = tpu.vector_load %arg39[%swap3A_641] {strides = array<i32>} : memref<3200xf32, #tpu.memory_space<vmem>>, vector<16xf32>,
          tpu.vector_store %arg39[%swap3A_641], %mul3A_606 {strides = array<i32>} : memref<3200xf32, #tpu.memory_space<vmem>>, vector<16xf32>,
          %swap3A_643 = arith.index_cast %mul3A_556 : i32 to index
          %swap3A_644 = tpu.vector_load %arg40[%swap3A_643] {strides = array<i32>} : memref<3200xf32, #tpu.memory_space<vmem>>, vector<16xf32>,
          tpu.vector_store %arg40[%swap3A_643], %add3A_634 {strides = array<i32>} : memref<3200xf32, #tpu.memory_space<vmem>>, vector<16xf32>,
          %scan3A_645 = arith.constant 6 : i32
          %scan3A_646 = arith.addi %scan3A_100, %scan3A_645 : i32
          %mul3A_647 = arith.constant 16 : i32
          %mul3A_648 = arith.muli %scan3A_646, %mul3A_647 : i32
          %get3A_649 = arith.index_cast %mul3A_648 : i32 to index
          %get3A_650 = tpu.vector_load %arg28[%get3A_649] {strides = array<i32>} : memref<3200xf32, #tpu.memory_space<vmem>>, vector<16xf32>,
          %get3A_651 = arith.index_cast %mul3A_648 : i32 to index
          %get3A_652 = tpu.vector_load %arg25[%get3A_651] {strides = array<i32>} : memref<3200xf32, #tpu.memory_space<vmem>>, vector<16xf32>,
          %sub3A_653 = arith.subf %get3A_650, %get3A_652 : vector<16xf32>
          %get3A_654 = arith.index_cast %mul3A_648 : i32 to index
          %get3A_655 = tpu.vector_load %arg29[%get3A_654] {strides = array<i32>} : memref<3200xf32, #tpu.memory_space<vmem>>, vector<16xf32>,
          %get3A_656 = arith.index_cast %mul3A_648 : i32 to index
          %get3A_657 = tpu.vector_load %arg26[%get3A_656] {strides = array<i32>} : memref<3200xf32, #tpu.memory_space<vmem>>, vector<16xf32>,
          %sub3A_658 = arith.subf %get3A_655, %get3A_657 : vector<16xf32>
          %get3A_659 = arith.index_cast %mul3A_648 : i32 to index
          %get3A_660 = tpu.vector_load %arg30[%get3A_659] {strides = array<i32>} : memref<3200xf32, #tpu.memory_space<vmem>>, vector<16xf32>,
          %get3A_661 = arith.index_cast %mul3A_648 : i32 to index
          %get3A_662 = tpu.vector_load %arg27[%get3A_661] {strides = array<i32>} : memref<3200xf32, #tpu.memory_space<vmem>>, vector<16xf32>,
          %sub3A_663 = arith.subf %get3A_660, %get3A_662 : vector<16xf32>
          %mul3A_664 = arith.mulf %sub3A_653, %sub3A_653 : vector<16xf32>
          %mul3A_665 = arith.mulf %sub3A_658, %sub3A_658 : vector<16xf32>
          %add3A_666 = arith.addf %mul3A_664, %mul3A_665 : vector<16xf32>
          %mul3A_667 = arith.mulf %sub3A_663, %sub3A_663 : vector<16xf32>
          %add3A_668 = arith.addf %add3A_666, %mul3A_667 : vector<16xf32>
          %max3A_669 = arith.constant 9.99999996E-13 : f32
          %max3A_670 = vector.broadcast %max3A_669 : f32 to vector<16xf32>
          %max3A_671 = arith.maximumf %add3A_668, %max3A_670 : vector<16xf32>
          %bitcast_convert_type3A_672 = tpu.bitcast %max3A_671 : vector<16xf32> -> vector<16xi32>
          %shift_right_arithmetic3A_673 = arith.constant 1 : i32
          %shift_right_arithmetic3A_674 = vector.broadcast %shift_right_arithmetic3A_673 : i32 to vector<16xi32>
          %shift_right_arithmetic3A_675 = arith.shrsi %bitcast_convert_type3A_672, %shift_right_arithmetic3A_674 : vector<16xi32>
          %sub3A_676 = arith.constant 1597463007 : i32
          %sub3A_677 = vector.broadcast %sub3A_676 : i32 to vector<16xi32>
          %sub3A_678 = arith.subi %sub3A_677, %shift_right_arithmetic3A_675 : vector<16xi32>
          %bitcast_convert_type3A_679 = tpu.bitcast %sub3A_678 : vector<16xi32> -> vector<16xf32>
          %mul3A_680 = arith.constant 5.000000e-01 : f32
          %mul3A_681 = vector.broadcast %mul3A_680 : f32 to vector<16xf32>
          %mul3A_682 = arith.mulf %mul3A_681, %max3A_671 : vector<16xf32>
          %mul3A_683 = arith.mulf %mul3A_682, %bitcast_convert_type3A_679 : vector<16xf32>
          %mul3A_684 = arith.mulf %mul3A_683, %bitcast_convert_type3A_679 : vector<16xf32>
          %sub3A_685 = arith.constant 1.500000e+00 : f32
          %sub3A_686 = vector.broadcast %sub3A_685 : f32 to vector<16xf32>
          %sub3A_687 = arith.subf %sub3A_686, %mul3A_684 : vector<16xf32>
          %mul3A_688 = arith.mulf %bitcast_convert_type3A_679, %sub3A_687 : vector<16xf32>
          %mul3A_689 = arith.constant 5.000000e-01 : f32
          %mul3A_690 = vector.broadcast %mul3A_689 : f32 to vector<16xf32>
          %mul3A_691 = arith.mulf %mul3A_690, %max3A_671 : vector<16xf32>
          %mul3A_692 = arith.mulf %mul3A_691, %mul3A_688 : vector<16xf32>
          %mul3A_693 = arith.mulf %mul3A_692, %mul3A_688 : vector<16xf32>
          %sub3A_694 = arith.constant 1.500000e+00 : f32
          %sub3A_695 = vector.broadcast %sub3A_694 : f32 to vector<16xf32>
          %sub3A_696 = arith.subf %sub3A_695, %mul3A_693 : vector<16xf32>
          %mul3A_697 = arith.mulf %mul3A_688, %sub3A_696 : vector<16xf32>
          %mul3A_698 = arith.mulf %max3A_671, %mul3A_697 : vector<16xf32>
          %mul3A_699 = arith.constant 4.000000e-02 : f32
          %mul3A_700 = vector.broadcast %mul3A_699 : f32 to vector<16xf32>
          %mul3A_701 = arith.mulf %add3A_668, %mul3A_700 : vector<16xf32>
          %min3A_702 = arith.constant 1.000000e+00 : f32
          %min3A_703 = vector.broadcast %min3A_702 : f32 to vector<16xf32>
          %min3A_704 = arith.minimumf %mul3A_701, %min3A_703 : vector<16xf32>
          %broadcast_in_dim3A_705 = arith.constant -0.010287134 : f32
          %broadcast_in_dim3A_706 = vector.broadcast %broadcast_in_dim3A_705 : f32 to vector<16xf32>
          %mul3A_707 = arith.mulf %broadcast_in_dim3A_706, %min3A_704 : vector<16xf32>
          %add3A_708 = arith.constant 0.114794284 : f32
          %add3A_709 = vector.broadcast %add3A_708 : f32 to vector<16xf32>
          %add3A_710 = arith.addf %mul3A_707, %add3A_709 : vector<16xf32>
          %mul3A_711 = arith.mulf %add3A_710, %min3A_704 : vector<16xf32>
          %add3A_712 = arith.constant -0.666126847 : f32
          %add3A_713 = vector.broadcast %add3A_712 : f32 to vector<16xf32>
          %add3A_714 = arith.addf %mul3A_711, %add3A_713 : vector<16xf32>
          %mul3A_715 = arith.mulf %add3A_714, %min3A_704 : vector<16xf32>
          %add3A_716 = arith.constant 2.02898383 : f32
          %add3A_717 = vector.broadcast %add3A_716 : f32 to vector<16xf32>
          %add3A_718 = arith.addf %mul3A_715, %add3A_717 : vector<16xf32>
          %mul3A_719 = arith.mulf %add3A_718, %min3A_704 : vector<16xf32>
          %add3A_720 = arith.constant -2.46736407 : f32
          %add3A_721 = vector.broadcast %add3A_720 : f32 to vector<16xf32>
          %add3A_722 = arith.addf %mul3A_719, %add3A_721 : vector<16xf32>
          %mul3A_723 = arith.mulf %add3A_722, %min3A_704 : vector<16xf32>
          %add3A_724 = arith.constant 0.999999105 : f32
          %add3A_725 = vector.broadcast %add3A_724 : f32 to vector<16xf32>
          %add3A_726 = arith.addf %mul3A_723, %add3A_725 : vector<16xf32>
          %swap3A_727 = arith.index_cast %mul3A_648 : i32 to index
          %swap3A_728 = tpu.vector_load %arg36[%swap3A_727] {strides = array<i32>} : memref<3200xf32, #tpu.memory_space<vmem>>, vector<16xf32>,
          tpu.vector_store %arg36[%swap3A_727], %sub3A_653 {strides = array<i32>} : memref<3200xf32, #tpu.memory_space<vmem>>, vector<16xf32>,
          %swap3A_729 = arith.index_cast %mul3A_648 : i32 to index
          %swap3A_730 = tpu.vector_load %arg37[%swap3A_729] {strides = array<i32>} : memref<3200xf32, #tpu.memory_space<vmem>>, vector<16xf32>,
          tpu.vector_store %arg37[%swap3A_729], %sub3A_658 {strides = array<i32>} : memref<3200xf32, #tpu.memory_space<vmem>>, vector<16xf32>,
          %swap3A_731 = arith.index_cast %mul3A_648 : i32 to index
          %swap3A_732 = tpu.vector_load %arg38[%swap3A_731] {strides = array<i32>} : memref<3200xf32, #tpu.memory_space<vmem>>, vector<16xf32>,
          tpu.vector_store %arg38[%swap3A_731], %sub3A_663 {strides = array<i32>} : memref<3200xf32, #tpu.memory_space<vmem>>, vector<16xf32>,
          %swap3A_733 = arith.index_cast %mul3A_648 : i32 to index
          %swap3A_734 = tpu.vector_load %arg39[%swap3A_733] {strides = array<i32>} : memref<3200xf32, #tpu.memory_space<vmem>>, vector<16xf32>,
          tpu.vector_store %arg39[%swap3A_733], %mul3A_698 {strides = array<i32>} : memref<3200xf32, #tpu.memory_space<vmem>>, vector<16xf32>,
          %swap3A_735 = arith.index_cast %mul3A_648 : i32 to index
          %swap3A_736 = tpu.vector_load %arg40[%swap3A_735] {strides = array<i32>} : memref<3200xf32, #tpu.memory_space<vmem>>, vector<16xf32>,
          tpu.vector_store %arg40[%swap3A_735], %add3A_726 {strides = array<i32>} : memref<3200xf32, #tpu.memory_space<vmem>>, vector<16xf32>,
          %scan3A_737 = arith.constant 7 : i32
          %scan3A_738 = arith.addi %scan3A_100, %scan3A_737 : i32
          %mul3A_739 = arith.constant 16 : i32
          %mul3A_740 = arith.muli %scan3A_738, %mul3A_739 : i32
          %get3A_741 = arith.index_cast %mul3A_740 : i32 to index
          %get3A_742 = tpu.vector_load %arg28[%get3A_741] {strides = array<i32>} : memref<3200xf32, #tpu.memory_space<vmem>>, vector<16xf32>,
          %get3A_743 = arith.index_cast %mul3A_740 : i32 to index
          %get3A_744 = tpu.vector_load %arg25[%get3A_743] {strides = array<i32>} : memref<3200xf32, #tpu.memory_space<vmem>>, vector<16xf32>,
          %sub3A_745 = arith.subf %get3A_742, %get3A_744 : vector<16xf32>
          %get3A_746 = arith.index_cast %mul3A_740 : i32 to index
          %get3A_747 = tpu.vector_load %arg29[%get3A_746] {strides = array<i32>} : memref<3200xf32, #tpu.memory_space<vmem>>, vector<16xf32>,
          %get3A_748 = arith.index_cast %mul3A_740 : i32 to index
          %get3A_749 = tpu.vector_load %arg26[%get3A_748] {strides = array<i32>} : memref<3200xf32, #tpu.memory_space<vmem>>, vector<16xf32>,
          %sub3A_750 = arith.subf %get3A_747, %get3A_749 : vector<16xf32>
          %get3A_751 = arith.index_cast %mul3A_740 : i32 to index
          %get3A_752 = tpu.vector_load %arg30[%get3A_751] {strides = array<i32>} : memref<3200xf32, #tpu.memory_space<vmem>>, vector<16xf32>,
          %get3A_753 = arith.index_cast %mul3A_740 : i32 to index
          %get3A_754 = tpu.vector_load %arg27[%get3A_753] {strides = array<i32>} : memref<3200xf32, #tpu.memory_space<vmem>>, vector<16xf32>,
          %sub3A_755 = arith.subf %get3A_752, %get3A_754 : vector<16xf32>
          %mul3A_756 = arith.mulf %sub3A_745, %sub3A_745 : vector<16xf32>
          %mul3A_757 = arith.mulf %sub3A_750, %sub3A_750 : vector<16xf32>
          %add3A_758 = arith.addf %mul3A_756, %mul3A_757 : vector<16xf32>
          %mul3A_759 = arith.mulf %sub3A_755, %sub3A_755 : vector<16xf32>
          %add3A_760 = arith.addf %add3A_758, %mul3A_759 : vector<16xf32>
          %max3A_761 = arith.constant 9.99999996E-13 : f32
          %max3A_762 = vector.broadcast %max3A_761 : f32 to vector<16xf32>
          %max3A_763 = arith.maximumf %add3A_760, %max3A_762 : vector<16xf32>
          %bitcast_convert_type3A_764 = tpu.bitcast %max3A_763 : vector<16xf32> -> vector<16xi32>
          %shift_right_arithmetic3A_765 = arith.constant 1 : i32
          %shift_right_arithmetic3A_766 = vector.broadcast %shift_right_arithmetic3A_765 : i32 to vector<16xi32>
          %shift_right_arithmetic3A_767 = arith.shrsi %bitcast_convert_type3A_764, %shift_right_arithmetic3A_766 : vector<16xi32>
          %sub3A_768 = arith.constant 1597463007 : i32
          %sub3A_769 = vector.broadcast %sub3A_768 : i32 to vector<16xi32>
          %sub3A_770 = arith.subi %sub3A_769, %shift_right_arithmetic3A_767 : vector<16xi32>
          %bitcast_convert_type3A_771 = tpu.bitcast %sub3A_770 : vector<16xi32> -> vector<16xf32>
          %mul3A_772 = arith.constant 5.000000e-01 : f32
          %mul3A_773 = vector.broadcast %mul3A_772 : f32 to vector<16xf32>
          %mul3A_774 = arith.mulf %mul3A_773, %max3A_763 : vector<16xf32>
          %mul3A_775 = arith.mulf %mul3A_774, %bitcast_convert_type3A_771 : vector<16xf32>
          %mul3A_776 = arith.mulf %mul3A_775, %bitcast_convert_type3A_771 : vector<16xf32>
          %sub3A_777 = arith.constant 1.500000e+00 : f32
          %sub3A_778 = vector.broadcast %sub3A_777 : f32 to vector<16xf32>
          %sub3A_779 = arith.subf %sub3A_778, %mul3A_776 : vector<16xf32>
          %mul3A_780 = arith.mulf %bitcast_convert_type3A_771, %sub3A_779 : vector<16xf32>
          %mul3A_781 = arith.constant 5.000000e-01 : f32
          %mul3A_782 = vector.broadcast %mul3A_781 : f32 to vector<16xf32>
          %mul3A_783 = arith.mulf %mul3A_782, %max3A_763 : vector<16xf32>
          %mul3A_784 = arith.mulf %mul3A_783, %mul3A_780 : vector<16xf32>
          %mul3A_785 = arith.mulf %mul3A_784, %mul3A_780 : vector<16xf32>
          %sub3A_786 = arith.constant 1.500000e+00 : f32
          %sub3A_787 = vector.broadcast %sub3A_786 : f32 to vector<16xf32>
          %sub3A_788 = arith.subf %sub3A_787, %mul3A_785 : vector<16xf32>
          %mul3A_789 = arith.mulf %mul3A_780, %sub3A_788 : vector<16xf32>
          %mul3A_790 = arith.mulf %max3A_763, %mul3A_789 : vector<16xf32>
          %mul3A_791 = arith.constant 4.000000e-02 : f32
          %mul3A_792 = vector.broadcast %mul3A_791 : f32 to vector<16xf32>
          %mul3A_793 = arith.mulf %add3A_760, %mul3A_792 : vector<16xf32>
          %min3A_794 = arith.constant 1.000000e+00 : f32
          %min3A_795 = vector.broadcast %min3A_794 : f32 to vector<16xf32>
          %min3A_796 = arith.minimumf %mul3A_793, %min3A_795 : vector<16xf32>
          %broadcast_in_dim3A_797 = arith.constant -0.010287134 : f32
          %broadcast_in_dim3A_798 = vector.broadcast %broadcast_in_dim3A_797 : f32 to vector<16xf32>
          %mul3A_799 = arith.mulf %broadcast_in_dim3A_798, %min3A_796 : vector<16xf32>
          %add3A_800 = arith.constant 0.114794284 : f32
          %add3A_801 = vector.broadcast %add3A_800 : f32 to vector<16xf32>
          %add3A_802 = arith.addf %mul3A_799, %add3A_801 : vector<16xf32>
          %mul3A_803 = arith.mulf %add3A_802, %min3A_796 : vector<16xf32>
          %add3A_804 = arith.constant -0.666126847 : f32
          %add3A_805 = vector.broadcast %add3A_804 : f32 to vector<16xf32>
          %add3A_806 = arith.addf %mul3A_803, %add3A_805 : vector<16xf32>
          %mul3A_807 = arith.mulf %add3A_806, %min3A_796 : vector<16xf32>
          %add3A_808 = arith.constant 2.02898383 : f32
          %add3A_809 = vector.broadcast %add3A_808 : f32 to vector<16xf32>
          %add3A_810 = arith.addf %mul3A_807, %add3A_809 : vector<16xf32>
          %mul3A_811 = arith.mulf %add3A_810, %min3A_796 : vector<16xf32>
          %add3A_812 = arith.constant -2.46736407 : f32
          %add3A_813 = vector.broadcast %add3A_812 : f32 to vector<16xf32>
          %add3A_814 = arith.addf %mul3A_811, %add3A_813 : vector<16xf32>
          %mul3A_815 = arith.mulf %add3A_814, %min3A_796 : vector<16xf32>
          %add3A_816 = arith.constant 0.999999105 : f32
          %add3A_817 = vector.broadcast %add3A_816 : f32 to vector<16xf32>
          %add3A_818 = arith.addf %mul3A_815, %add3A_817 : vector<16xf32>
          %swap3A_819 = arith.index_cast %mul3A_740 : i32 to index
          %swap3A_820 = tpu.vector_load %arg36[%swap3A_819] {strides = array<i32>} : memref<3200xf32, #tpu.memory_space<vmem>>, vector<16xf32>,
          tpu.vector_store %arg36[%swap3A_819], %sub3A_745 {strides = array<i32>} : memref<3200xf32, #tpu.memory_space<vmem>>, vector<16xf32>,
          %swap3A_821 = arith.index_cast %mul3A_740 : i32 to index
          %swap3A_822 = tpu.vector_load %arg37[%swap3A_821] {strides = array<i32>} : memref<3200xf32, #tpu.memory_space<vmem>>, vector<16xf32>,
          tpu.vector_store %arg37[%swap3A_821], %sub3A_750 {strides = array<i32>} : memref<3200xf32, #tpu.memory_space<vmem>>, vector<16xf32>,
          %swap3A_823 = arith.index_cast %mul3A_740 : i32 to index
          %swap3A_824 = tpu.vector_load %arg38[%swap3A_823] {strides = array<i32>} : memref<3200xf32, #tpu.memory_space<vmem>>, vector<16xf32>,
          tpu.vector_store %arg38[%swap3A_823], %sub3A_755 {strides = array<i32>} : memref<3200xf32, #tpu.memory_space<vmem>>, vector<16xf32>,
          %swap3A_825 = arith.index_cast %mul3A_740 : i32 to index
          %swap3A_826 = tpu.vector_load %arg39[%swap3A_825] {strides = array<i32>} : memref<3200xf32, #tpu.memory_space<vmem>>, vector<16xf32>,
          tpu.vector_store %arg39[%swap3A_825], %mul3A_790 {strides = array<i32>} : memref<3200xf32, #tpu.memory_space<vmem>>, vector<16xf32>,
          %swap3A_827 = arith.index_cast %mul3A_740 : i32 to index
          %swap3A_828 = tpu.vector_load %arg40[%swap3A_827] {strides = array<i32>} : memref<3200xf32, #tpu.memory_space<vmem>>, vector<16xf32>,
          tpu.vector_store %arg40[%swap3A_827], %add3A_818 {strides = array<i32>} : memref<3200xf32, #tpu.memory_space<vmem>>, vector<16xf32>,
        }
        %scan3A_87 = arith.constant 200 : i32
        %add3A_88 = arith.addi %add3A_10, %sub3A_82 : i32
        %mul3A_89 = arith.constant 3200 : i32
        %mul3A_90 = arith.muli %add3A_88, %mul3A_89 : i32
        %dma_start3A = tpu.memref_slice %arg7[%mul3A_90] : memref<6400000xf32, #tpu.memory_space<hbm>> -> memref<3200xf32, #tpu.memory_space<hbm>>
        %dma_start3A_91 = tpu.memref_slice %arg7[%mul3A_90] : memref<6400000xf32, #tpu.memory_space<hbm>> -> memref<3200xf32, #tpu.memory_space<hbm>>
        tpu.enqueue_dma source(%arg36 : memref<3200xf32, #tpu.memory_space<vmem>>) target(%dma_start3A_91 : memref<3200xf32, #tpu.memory_space<hbm>>) target_semaphore(%arg44 : memref<!tpu.dma_semaphore, #tpu.memory_space<semaphore_mem>>)
        %dma_start3A_92 = tpu.memref_slice %arg8[%mul3A_90] : memref<6400000xf32, #tpu.memory_space<hbm>> -> memref<3200xf32, #tpu.memory_space<hbm>>
        %dma_start3A_93 = tpu.memref_slice %arg8[%mul3A_90] : memref<6400000xf32, #tpu.memory_space<hbm>> -> memref<3200xf32, #tpu.memory_space<hbm>>
        tpu.enqueue_dma source(%arg37 : memref<3200xf32, #tpu.memory_space<vmem>>) target(%dma_start3A_93 : memref<3200xf32, #tpu.memory_space<hbm>>) target_semaphore(%arg44 : memref<!tpu.dma_semaphore, #tpu.memory_space<semaphore_mem>>)
        %dma_start3A_94 = tpu.memref_slice %arg9[%mul3A_90] : memref<6400000xf32, #tpu.memory_space<hbm>> -> memref<3200xf32, #tpu.memory_space<hbm>>
        %dma_start3A_95 = tpu.memref_slice %arg9[%mul3A_90] : memref<6400000xf32, #tpu.memory_space<hbm>> -> memref<3200xf32, #tpu.memory_space<hbm>>
        tpu.enqueue_dma source(%arg38 : memref<3200xf32, #tpu.memory_space<vmem>>) target(%dma_start3A_95 : memref<3200xf32, #tpu.memory_space<hbm>>) target_semaphore(%arg44 : memref<!tpu.dma_semaphore, #tpu.memory_space<semaphore_mem>>)
        %dma_start3A_96 = tpu.memref_slice %arg10[%mul3A_90] : memref<6400000xf32, #tpu.memory_space<hbm>> -> memref<3200xf32, #tpu.memory_space<hbm>>
        %dma_start3A_97 = tpu.memref_slice %arg10[%mul3A_90] : memref<6400000xf32, #tpu.memory_space<hbm>> -> memref<3200xf32, #tpu.memory_space<hbm>>
        tpu.enqueue_dma source(%arg39 : memref<3200xf32, #tpu.memory_space<vmem>>) target(%dma_start3A_97 : memref<3200xf32, #tpu.memory_space<hbm>>) target_semaphore(%arg44 : memref<!tpu.dma_semaphore, #tpu.memory_space<semaphore_mem>>)
        %dma_start3A_98 = tpu.memref_slice %arg11[%mul3A_90] : memref<6400000xf32, #tpu.memory_space<hbm>> -> memref<3200xf32, #tpu.memory_space<hbm>>
        %dma_start3A_99 = tpu.memref_slice %arg11[%mul3A_90] : memref<6400000xf32, #tpu.memory_space<hbm>> -> memref<3200xf32, #tpu.memory_space<hbm>>
        tpu.enqueue_dma source(%arg40 : memref<3200xf32, #tpu.memory_space<vmem>>) target(%dma_start3A_99 : memref<3200xf32, #tpu.memory_space<hbm>>) target_semaphore(%arg44 : memref<!tpu.dma_semaphore, #tpu.memory_space<semaphore_mem>>)
      } else {
      }
      %mul3A_35 = arith.constant 2 : i32
      %mul3A_36 = arith.muli %scan3A_15, %mul3A_35 : i32
      %add3A_37 = arith.constant 1 : i32
      %add3A_38 = arith.addi %mul3A_36, %add3A_37 : i32
      %ge3A_39 = arith.constant 2 : i32
      %ge3A_40 = arith.cmpi sge, %add3A_38, %ge3A_39 : i32
      %add3A_41 = arith.constant 1 : i32
      %add3A_42 = arith.addi %add3A_6, %add3A_41 : i32
      %le3A_43 = arith.cmpi sle, %add3A_38, %add3A_42 : i32
      %and3A_44 = arith.andi %ge3A_40, %le3A_43 : i1
      %convert_element_type3A_45 = arith.extui %and3A_44 : i1 to i32
      %cond3A_46 = arith.constant 0 : i32
      %cond3A_47 = arith.cmpi ne, %convert_element_type3A_45, %cond3A_46 : i32
      scf.if %cond3A_47 {
        %dma_wait3A = arith.constant 0 : i32
        %dma_wait3A_59 = tpu.memref_slice %arg7[%dma_wait3A] : memref<6400000xf32, #tpu.memory_space<hbm>> -> memref<3200xf32, #tpu.memory_space<hbm>>
        %dma_wait3A_60 = arith.constant 0 : i32
        %dma_wait3A_61 = tpu.memref_slice %arg7[%dma_wait3A_60] : memref<6400000xf32, #tpu.memory_space<hbm>> -> memref<3200xf32, #tpu.memory_space<hbm>>
        tpu.wait_dma2 semaphore(%arg44 : memref<!tpu.dma_semaphore, #tpu.memory_space<semaphore_mem>>) src(%arg36 : memref<3200xf32, #tpu.memory_space<vmem>>) dst(%dma_wait3A_61 : memref<3200xf32, #tpu.memory_space<hbm>>)
        %dma_wait3A_62 = arith.constant 0 : i32
        %dma_wait3A_63 = tpu.memref_slice %arg8[%dma_wait3A_62] : memref<6400000xf32, #tpu.memory_space<hbm>> -> memref<3200xf32, #tpu.memory_space<hbm>>
        %dma_wait3A_64 = arith.constant 0 : i32
        %dma_wait3A_65 = tpu.memref_slice %arg8[%dma_wait3A_64] : memref<6400000xf32, #tpu.memory_space<hbm>> -> memref<3200xf32, #tpu.memory_space<hbm>>
        tpu.wait_dma2 semaphore(%arg44 : memref<!tpu.dma_semaphore, #tpu.memory_space<semaphore_mem>>) src(%arg37 : memref<3200xf32, #tpu.memory_space<vmem>>) dst(%dma_wait3A_65 : memref<3200xf32, #tpu.memory_space<hbm>>)
        %dma_wait3A_66 = arith.constant 0 : i32
        %dma_wait3A_67 = tpu.memref_slice %arg9[%dma_wait3A_66] : memref<6400000xf32, #tpu.memory_space<hbm>> -> memref<3200xf32, #tpu.memory_space<hbm>>
        %dma_wait3A_68 = arith.constant 0 : i32
        %dma_wait3A_69 = tpu.memref_slice %arg9[%dma_wait3A_68] : memref<6400000xf32, #tpu.memory_space<hbm>> -> memref<3200xf32, #tpu.memory_space<hbm>>
        tpu.wait_dma2 semaphore(%arg44 : memref<!tpu.dma_semaphore, #tpu.memory_space<semaphore_mem>>) src(%arg38 : memref<3200xf32, #tpu.memory_space<vmem>>) dst(%dma_wait3A_69 : memref<3200xf32, #tpu.memory_space<hbm>>)
        %dma_wait3A_70 = arith.constant 0 : i32
        %dma_wait3A_71 = tpu.memref_slice %arg10[%dma_wait3A_70] : memref<6400000xf32, #tpu.memory_space<hbm>> -> memref<3200xf32, #tpu.memory_space<hbm>>
        %dma_wait3A_72 = arith.constant 0 : i32
        %dma_wait3A_73 = tpu.memref_slice %arg10[%dma_wait3A_72] : memref<6400000xf32, #tpu.memory_space<hbm>> -> memref<3200xf32, #tpu.memory_space<hbm>>
        tpu.wait_dma2 semaphore(%arg44 : memref<!tpu.dma_semaphore, #tpu.memory_space<semaphore_mem>>) src(%arg39 : memref<3200xf32, #tpu.memory_space<vmem>>) dst(%dma_wait3A_73 : memref<3200xf32, #tpu.memory_space<hbm>>)
        %dma_wait3A_74 = arith.constant 0 : i32
        %dma_wait3A_75 = tpu.memref_slice %arg11[%dma_wait3A_74] : memref<6400000xf32, #tpu.memory_space<hbm>> -> memref<3200xf32, #tpu.memory_space<hbm>>
        %dma_wait3A_76 = arith.constant 0 : i32
        %dma_wait3A_77 = tpu.memref_slice %arg11[%dma_wait3A_76] : memref<6400000xf32, #tpu.memory_space<hbm>> -> memref<3200xf32, #tpu.memory_space<hbm>>
        tpu.wait_dma2 semaphore(%arg44 : memref<!tpu.dma_semaphore, #tpu.memory_space<semaphore_mem>>) src(%arg40 : memref<3200xf32, #tpu.memory_space<vmem>>) dst(%dma_wait3A_77 : memref<3200xf32, #tpu.memory_space<hbm>>)
      } else {
      }
      %lt3A_48 = arith.cmpi slt, %add3A_38, %add3A_6 : i32
      %convert_element_type3A_49 = arith.extui %lt3A_48 : i1 to i32
      %cond3A_50 = arith.constant 0 : i32
      %cond3A_51 = arith.cmpi ne, %convert_element_type3A_49, %cond3A_50 : i32
      scf.if %cond3A_51 {
        %add3A_59 = arith.addi %add3A_10, %add3A_38 : i32
        %mul3A_60 = arith.constant 3200 : i32
        %mul3A_61 = arith.muli %add3A_59, %mul3A_60 : i32
        "tpu.region"() ({
          %run_scoped3A = tpu.sem_alloc : memref<!tpu.dma_semaphore, #tpu.memory_space<semaphore_mem>>
          %dma_start3A_97 = tpu.memref_slice %arg5[%mul3A_61] : memref<6400000xi32, #tpu.memory_space<hbm>> -> memref<3200xi32, #tpu.memory_space<hbm>>
          %dma_start3A_98 = tpu.memref_slice %arg5[%mul3A_61] : memref<6400000xi32, #tpu.memory_space<hbm>> -> memref<3200xi32, #tpu.memory_space<hbm>>
          tpu.enqueue_dma source(%dma_start3A_98 : memref<3200xi32, #tpu.memory_space<hbm>>) target(%arg23 : memref<3200xi32, #tpu.memory_space<vmem>>) target_semaphore(%run_scoped3A : memref<!tpu.dma_semaphore, #tpu.memory_space<semaphore_mem>>)
          %dma_wait3A = tpu.memref_slice %arg5[%mul3A_61] : memref<6400000xi32, #tpu.memory_space<hbm>> -> memref<3200xi32, #tpu.memory_space<hbm>>
          %dma_wait3A_99 = tpu.memref_slice %arg5[%mul3A_61] : memref<6400000xi32, #tpu.memory_space<hbm>> -> memref<3200xi32, #tpu.memory_space<hbm>>
          tpu.wait_dma2 semaphore(%run_scoped3A : memref<!tpu.dma_semaphore, #tpu.memory_space<semaphore_mem>>) src(%dma_wait3A_99 : memref<3200xi32, #tpu.memory_space<hbm>>) dst(%arg23 : memref<3200xi32, #tpu.memory_space<vmem>>)
          tpu.yield
        }) : () -> ()
        "tpu.region"() ({
          %run_scoped3A = tpu.sem_alloc : memref<!tpu.dma_semaphore, #tpu.memory_space<semaphore_mem>>
          %dma_start3A_97 = tpu.memref_slice %arg6[%mul3A_61] : memref<6400000xi32, #tpu.memory_space<hbm>> -> memref<3200xi32, #tpu.memory_space<hbm>>
          %dma_start3A_98 = tpu.memref_slice %arg6[%mul3A_61] : memref<6400000xi32, #tpu.memory_space<hbm>> -> memref<3200xi32, #tpu.memory_space<hbm>>
          tpu.enqueue_dma source(%dma_start3A_98 : memref<3200xi32, #tpu.memory_space<hbm>>) target(%arg24 : memref<3200xi32, #tpu.memory_space<vmem>>) target_semaphore(%run_scoped3A : memref<!tpu.dma_semaphore, #tpu.memory_space<semaphore_mem>>)
          %dma_wait3A = tpu.memref_slice %arg6[%mul3A_61] : memref<6400000xi32, #tpu.memory_space<hbm>> -> memref<3200xi32, #tpu.memory_space<hbm>>
          %dma_wait3A_99 = tpu.memref_slice %arg6[%mul3A_61] : memref<6400000xi32, #tpu.memory_space<hbm>> -> memref<3200xi32, #tpu.memory_space<hbm>>
          tpu.wait_dma2 semaphore(%run_scoped3A : memref<!tpu.dma_semaphore, #tpu.memory_space<semaphore_mem>>) src(%dma_wait3A_99 : memref<3200xi32, #tpu.memory_space<hbm>>) dst(%arg24 : memref<3200xi32, #tpu.memory_space<vmem>>)
          tpu.yield
        }) : () -> ()
        %dma_start3A = arith.constant 0 : i32
        %dma_start3A_62 = tpu.memref_slice %arg25[%dma_start3A] : memref<3200xf32, #tpu.memory_space<vmem>> -> memref<3200xf32, #tpu.memory_space<vmem>>
        %dma_start3A_63 = arith.constant 0 : i32
        %dma_start3A_64 = tpu.memref_slice %arg23[%dma_start3A_63] : memref<3200xi32, #tpu.memory_space<vmem>> -> memref<3200xi32, #tpu.memory_space<vmem>>
        %dma_start3A_65 = arith.constant 0 : i32
        %dma_start3A_66 = tpu.memref_slice %arg12[%dma_start3A_65] : memref<100000xf32, #tpu.memory_space<vmem_shared>> -> memref<100000xf32, #tpu.memory_space<vmem_shared>>
        tpu.enqueue_indirect_dma source(%dma_start3A_66 : memref<100000xf32, #tpu.memory_space<vmem_shared>>) target(%dma_start3A_62 : memref<3200xf32, #tpu.memory_space<vmem>>) offsets(%dma_start3A_64 : memref<3200xi32, #tpu.memory_space<vmem>>) semaphore(%arg42 : memref<!tpu.dma_semaphore, #tpu.memory_space<semaphore_mem>>)
        %dma_start3A_67 = arith.constant 0 : i32
        %dma_start3A_68 = tpu.memref_slice %arg28[%dma_start3A_67] : memref<3200xf32, #tpu.memory_space<vmem>> -> memref<3200xf32, #tpu.memory_space<vmem>>
        %dma_start3A_69 = arith.constant 0 : i32
        %dma_start3A_70 = tpu.memref_slice %arg24[%dma_start3A_69] : memref<3200xi32, #tpu.memory_space<vmem>> -> memref<3200xi32, #tpu.memory_space<vmem>>
        %dma_start3A_71 = arith.constant 0 : i32
        %dma_start3A_72 = tpu.memref_slice %arg12[%dma_start3A_71] : memref<100000xf32, #tpu.memory_space<vmem_shared>> -> memref<100000xf32, #tpu.memory_space<vmem_shared>>
        tpu.enqueue_indirect_dma source(%dma_start3A_72 : memref<100000xf32, #tpu.memory_space<vmem_shared>>) target(%dma_start3A_68 : memref<3200xf32, #tpu.memory_space<vmem>>) offsets(%dma_start3A_70 : memref<3200xi32, #tpu.memory_space<vmem>>) semaphore(%arg42 : memref<!tpu.dma_semaphore, #tpu.memory_space<semaphore_mem>>)
        %dma_start3A_73 = arith.constant 0 : i32
        %dma_start3A_74 = tpu.memref_slice %arg26[%dma_start3A_73] : memref<3200xf32, #tpu.memory_space<vmem>> -> memref<3200xf32, #tpu.memory_space<vmem>>
        %dma_start3A_75 = arith.constant 0 : i32
        %dma_start3A_76 = tpu.memref_slice %arg23[%dma_start3A_75] : memref<3200xi32, #tpu.memory_space<vmem>> -> memref<3200xi32, #tpu.memory_space<vmem>>
        %dma_start3A_77 = arith.constant 0 : i32
        %dma_start3A_78 = tpu.memref_slice %arg13[%dma_start3A_77] : memref<100000xf32, #tpu.memory_space<vmem_shared>> -> memref<100000xf32, #tpu.memory_space<vmem_shared>>
        tpu.enqueue_indirect_dma source(%dma_start3A_78 : memref<100000xf32, #tpu.memory_space<vmem_shared>>) target(%dma_start3A_74 : memref<3200xf32, #tpu.memory_space<vmem>>) offsets(%dma_start3A_76 : memref<3200xi32, #tpu.memory_space<vmem>>) semaphore(%arg42 : memref<!tpu.dma_semaphore, #tpu.memory_space<semaphore_mem>>)
        %dma_start3A_79 = arith.constant 0 : i32
        %dma_start3A_80 = tpu.memref_slice %arg29[%dma_start3A_79] : memref<3200xf32, #tpu.memory_space<vmem>> -> memref<3200xf32, #tpu.memory_space<vmem>>
        %dma_start3A_81 = arith.constant 0 : i32
        %dma_start3A_82 = tpu.memref_slice %arg24[%dma_start3A_81] : memref<3200xi32, #tpu.memory_space<vmem>> -> memref<3200xi32, #tpu.memory_space<vmem>>
        %dma_start3A_83 = arith.constant 0 : i32
        %dma_start3A_84 = tpu.memref_slice %arg13[%dma_start3A_83] : memref<100000xf32, #tpu.memory_space<vmem_shared>> -> memref<100000xf32, #tpu.memory_space<vmem_shared>>
        tpu.enqueue_indirect_dma source(%dma_start3A_84 : memref<100000xf32, #tpu.memory_space<vmem_shared>>) target(%dma_start3A_80 : memref<3200xf32, #tpu.memory_space<vmem>>) offsets(%dma_start3A_82 : memref<3200xi32, #tpu.memory_space<vmem>>) semaphore(%arg42 : memref<!tpu.dma_semaphore, #tpu.memory_space<semaphore_mem>>)
        %dma_start3A_85 = arith.constant 0 : i32
        %dma_start3A_86 = tpu.memref_slice %arg27[%dma_start3A_85] : memref<3200xf32, #tpu.memory_space<vmem>> -> memref<3200xf32, #tpu.memory_space<vmem>>
        %dma_start3A_87 = arith.constant 0 : i32
        %dma_start3A_88 = tpu.memref_slice %arg23[%dma_start3A_87] : memref<3200xi32, #tpu.memory_space<vmem>> -> memref<3200xi32, #tpu.memory_space<vmem>>
        %dma_start3A_89 = arith.constant 0 : i32
        %dma_start3A_90 = tpu.memref_slice %arg14[%dma_start3A_89] : memref<100000xf32, #tpu.memory_space<vmem_shared>> -> memref<100000xf32, #tpu.memory_space<vmem_shared>>
        tpu.enqueue_indirect_dma source(%dma_start3A_90 : memref<100000xf32, #tpu.memory_space<vmem_shared>>) target(%dma_start3A_86 : memref<3200xf32, #tpu.memory_space<vmem>>) offsets(%dma_start3A_88 : memref<3200xi32, #tpu.memory_space<vmem>>) semaphore(%arg42 : memref<!tpu.dma_semaphore, #tpu.memory_space<semaphore_mem>>)
        %dma_start3A_91 = arith.constant 0 : i32
        %dma_start3A_92 = tpu.memref_slice %arg30[%dma_start3A_91] : memref<3200xf32, #tpu.memory_space<vmem>> -> memref<3200xf32, #tpu.memory_space<vmem>>
        %dma_start3A_93 = arith.constant 0 : i32
        %dma_start3A_94 = tpu.memref_slice %arg24[%dma_start3A_93] : memref<3200xi32, #tpu.memory_space<vmem>> -> memref<3200xi32, #tpu.memory_space<vmem>>
        %dma_start3A_95 = arith.constant 0 : i32
        %dma_start3A_96 = tpu.memref_slice %arg14[%dma_start3A_95] : memref<100000xf32, #tpu.memory_space<vmem_shared>> -> memref<100000xf32, #tpu.memory_space<vmem_shared>>
        tpu.enqueue_indirect_dma source(%dma_start3A_96 : memref<100000xf32, #tpu.memory_space<vmem_shared>>) target(%dma_start3A_92 : memref<3200xf32, #tpu.memory_space<vmem>>) offsets(%dma_start3A_94 : memref<3200xi32, #tpu.memory_space<vmem>>) semaphore(%arg42 : memref<!tpu.dma_semaphore, #tpu.memory_space<semaphore_mem>>)
      } else {
      }
      %ge3A_52 = arith.constant 1 : i32
      %ge3A_53 = arith.cmpi sge, %add3A_38, %ge3A_52 : i32
      %le3A_54 = arith.cmpi sle, %add3A_38, %add3A_6 : i32
      %and3A_55 = arith.andi %ge3A_53, %le3A_54 : i1
      %convert_element_type3A_56 = arith.extui %and3A_55 : i1 to i32
      %cond3A_57 = arith.constant 0 : i32
      %cond3A_58 = arith.cmpi ne, %convert_element_type3A_56, %cond3A_57 : i32
      scf.if %cond3A_58 {
        %dma_wait3A = arith.constant 0 : i32
        %dma_wait3A_59 = tpu.memref_slice %arg5[%dma_wait3A] : memref<6400000xi32, #tpu.memory_space<hbm>> -> memref<3200xi32, #tpu.memory_space<hbm>>
        %dma_wait3A_60 = arith.constant 0 : i32
        %dma_wait3A_61 = tpu.memref_slice %arg5[%dma_wait3A_60] : memref<6400000xi32, #tpu.memory_space<hbm>> -> memref<3200xi32, #tpu.memory_space<hbm>>
        tpu.wait_dma2 semaphore(%arg41 : memref<!tpu.dma_semaphore, #tpu.memory_space<semaphore_mem>>) src(%dma_wait3A_61 : memref<3200xi32, #tpu.memory_space<hbm>>) dst(%arg17 : memref<3200xf32, #tpu.memory_space<vmem>>)
        %dma_wait3A_62 = arith.constant 0 : i32
        %dma_wait3A_63 = tpu.memref_slice %arg5[%dma_wait3A_62] : memref<6400000xi32, #tpu.memory_space<hbm>> -> memref<3200xi32, #tpu.memory_space<hbm>>
        %dma_wait3A_64 = arith.constant 0 : i32
        %dma_wait3A_65 = tpu.memref_slice %arg5[%dma_wait3A_64] : memref<6400000xi32, #tpu.memory_space<hbm>> -> memref<3200xi32, #tpu.memory_space<hbm>>
        tpu.wait_dma2 semaphore(%arg41 : memref<!tpu.dma_semaphore, #tpu.memory_space<semaphore_mem>>) src(%dma_wait3A_65 : memref<3200xi32, #tpu.memory_space<hbm>>) dst(%arg18 : memref<3200xf32, #tpu.memory_space<vmem>>)
        %dma_wait3A_66 = arith.constant 0 : i32
        %dma_wait3A_67 = tpu.memref_slice %arg5[%dma_wait3A_66] : memref<6400000xi32, #tpu.memory_space<hbm>> -> memref<3200xi32, #tpu.memory_space<hbm>>
        %dma_wait3A_68 = arith.constant 0 : i32
        %dma_wait3A_69 = tpu.memref_slice %arg5[%dma_wait3A_68] : memref<6400000xi32, #tpu.memory_space<hbm>> -> memref<3200xi32, #tpu.memory_space<hbm>>
        tpu.wait_dma2 semaphore(%arg41 : memref<!tpu.dma_semaphore, #tpu.memory_space<semaphore_mem>>) src(%dma_wait3A_69 : memref<3200xi32, #tpu.memory_space<hbm>>) dst(%arg19 : memref<3200xf32, #tpu.memory_space<vmem>>)
        %dma_wait3A_70 = arith.constant 0 : i32
        %dma_wait3A_71 = tpu.memref_slice %arg5[%dma_wait3A_70] : memref<6400000xi32, #tpu.memory_space<hbm>> -> memref<3200xi32, #tpu.memory_space<hbm>>
        %dma_wait3A_72 = arith.constant 0 : i32
        %dma_wait3A_73 = tpu.memref_slice %arg5[%dma_wait3A_72] : memref<6400000xi32, #tpu.memory_space<hbm>> -> memref<3200xi32, #tpu.memory_space<hbm>>
        tpu.wait_dma2 semaphore(%arg41 : memref<!tpu.dma_semaphore, #tpu.memory_space<semaphore_mem>>) src(%dma_wait3A_73 : memref<3200xi32, #tpu.memory_space<hbm>>) dst(%arg20 : memref<3200xf32, #tpu.memory_space<vmem>>)
        %dma_wait3A_74 = arith.constant 0 : i32
        %dma_wait3A_75 = tpu.memref_slice %arg5[%dma_wait3A_74] : memref<6400000xi32, #tpu.memory_space<hbm>> -> memref<3200xi32, #tpu.memory_space<hbm>>
        %dma_wait3A_76 = arith.constant 0 : i32
        %dma_wait3A_77 = tpu.memref_slice %arg5[%dma_wait3A_76] : memref<6400000xi32, #tpu.memory_space<hbm>> -> memref<3200xi32, #tpu.memory_space<hbm>>
        tpu.wait_dma2 semaphore(%arg41 : memref<!tpu.dma_semaphore, #tpu.memory_space<semaphore_mem>>) src(%dma_wait3A_77 : memref<3200xi32, #tpu.memory_space<hbm>>) dst(%arg21 : memref<3200xf32, #tpu.memory_space<vmem>>)
        %dma_wait3A_78 = arith.constant 0 : i32
        %dma_wait3A_79 = tpu.memref_slice %arg5[%dma_wait3A_78] : memref<6400000xi32, #tpu.memory_space<hbm>> -> memref<3200xi32, #tpu.memory_space<hbm>>
        %dma_wait3A_80 = arith.constant 0 : i32
        %dma_wait3A_81 = tpu.memref_slice %arg5[%dma_wait3A_80] : memref<6400000xi32, #tpu.memory_space<hbm>> -> memref<3200xi32, #tpu.memory_space<hbm>>
        tpu.wait_dma2 semaphore(%arg41 : memref<!tpu.dma_semaphore, #tpu.memory_space<semaphore_mem>>) src(%dma_wait3A_81 : memref<3200xi32, #tpu.memory_space<hbm>>) dst(%arg22 : memref<3200xf32, #tpu.memory_space<vmem>>)
        %sub3A = arith.constant 1 : i32
        %sub3A_82 = arith.subi %add3A_38, %sub3A : i32
        %scan3A_83 = arith.constant 0 : i32
        %scan3A_84 = arith.constant 200 : i32
        %scan3A_85 = arith.addi %scan3A_83, %scan3A_84 : i32
        %scan3A_86 = arith.constant 8 : i32
        scf.for %scan3A_100 = %scan3A_83 to %scan3A_85 step %scan3A_86  : i32 {
          %mul3A_101 = arith.constant 16 : i32
          %mul3A_102 = arith.muli %scan3A_100, %mul3A_101 : i32
          %get3A = arith.index_cast %mul3A_102 : i32 to index
          %get3A_103 = tpu.vector_load %arg20[%get3A] {strides = array<i32>} : memref<3200xf32, #tpu.memory_space<vmem>>, vector<16xf32>,
          %get3A_104 = arith.index_cast %mul3A_102 : i32 to index
          %get3A_105 = tpu.vector_load %arg17[%get3A_104] {strides = array<i32>} : memref<3200xf32, #tpu.memory_space<vmem>>, vector<16xf32>,
          %sub3A_106 = arith.subf %get3A_103, %get3A_105 : vector<16xf32>
          %get3A_107 = arith.index_cast %mul3A_102 : i32 to index
          %get3A_108 = tpu.vector_load %arg21[%get3A_107] {strides = array<i32>} : memref<3200xf32, #tpu.memory_space<vmem>>, vector<16xf32>,
          %get3A_109 = arith.index_cast %mul3A_102 : i32 to index
          %get3A_110 = tpu.vector_load %arg18[%get3A_109] {strides = array<i32>} : memref<3200xf32, #tpu.memory_space<vmem>>, vector<16xf32>,
          %sub3A_111 = arith.subf %get3A_108, %get3A_110 : vector<16xf32>
          %get3A_112 = arith.index_cast %mul3A_102 : i32 to index
          %get3A_113 = tpu.vector_load %arg22[%get3A_112] {strides = array<i32>} : memref<3200xf32, #tpu.memory_space<vmem>>, vector<16xf32>,
          %get3A_114 = arith.index_cast %mul3A_102 : i32 to index
          %get3A_115 = tpu.vector_load %arg19[%get3A_114] {strides = array<i32>} : memref<3200xf32, #tpu.memory_space<vmem>>, vector<16xf32>,
          %sub3A_116 = arith.subf %get3A_113, %get3A_115 : vector<16xf32>
          %mul3A_117 = arith.mulf %sub3A_106, %sub3A_106 : vector<16xf32>
          %mul3A_118 = arith.mulf %sub3A_111, %sub3A_111 : vector<16xf32>
          %add3A_119 = arith.addf %mul3A_117, %mul3A_118 : vector<16xf32>
          %mul3A_120 = arith.mulf %sub3A_116, %sub3A_116 : vector<16xf32>
          %add3A_121 = arith.addf %add3A_119, %mul3A_120 : vector<16xf32>
          %max3A = arith.constant 9.99999996E-13 : f32
          %max3A_122 = vector.broadcast %max3A : f32 to vector<16xf32>
          %max3A_123 = arith.maximumf %add3A_121, %max3A_122 : vector<16xf32>
          %bitcast_convert_type3A = tpu.bitcast %max3A_123 : vector<16xf32> -> vector<16xi32>
          %shift_right_arithmetic3A = arith.constant 1 : i32
          %shift_right_arithmetic3A_124 = vector.broadcast %shift_right_arithmetic3A : i32 to vector<16xi32>
          %shift_right_arithmetic3A_125 = arith.shrsi %bitcast_convert_type3A, %shift_right_arithmetic3A_124 : vector<16xi32>
          %sub3A_126 = arith.constant 1597463007 : i32
          %sub3A_127 = vector.broadcast %sub3A_126 : i32 to vector<16xi32>
          %sub3A_128 = arith.subi %sub3A_127, %shift_right_arithmetic3A_125 : vector<16xi32>
          %bitcast_convert_type3A_129 = tpu.bitcast %sub3A_128 : vector<16xi32> -> vector<16xf32>
          %mul3A_130 = arith.constant 5.000000e-01 : f32
          %mul3A_131 = vector.broadcast %mul3A_130 : f32 to vector<16xf32>
          %mul3A_132 = arith.mulf %mul3A_131, %max3A_123 : vector<16xf32>
          %mul3A_133 = arith.mulf %mul3A_132, %bitcast_convert_type3A_129 : vector<16xf32>
          %mul3A_134 = arith.mulf %mul3A_133, %bitcast_convert_type3A_129 : vector<16xf32>
          %sub3A_135 = arith.constant 1.500000e+00 : f32
          %sub3A_136 = vector.broadcast %sub3A_135 : f32 to vector<16xf32>
          %sub3A_137 = arith.subf %sub3A_136, %mul3A_134 : vector<16xf32>
          %mul3A_138 = arith.mulf %bitcast_convert_type3A_129, %sub3A_137 : vector<16xf32>
          %mul3A_139 = arith.constant 5.000000e-01 : f32
          %mul3A_140 = vector.broadcast %mul3A_139 : f32 to vector<16xf32>
          %mul3A_141 = arith.mulf %mul3A_140, %max3A_123 : vector<16xf32>
          %mul3A_142 = arith.mulf %mul3A_141, %mul3A_138 : vector<16xf32>
          %mul3A_143 = arith.mulf %mul3A_142, %mul3A_138 : vector<16xf32>
          %sub3A_144 = arith.constant 1.500000e+00 : f32
          %sub3A_145 = vector.broadcast %sub3A_144 : f32 to vector<16xf32>
          %sub3A_146 = arith.subf %sub3A_145, %mul3A_143 : vector<16xf32>
          %mul3A_147 = arith.mulf %mul3A_138, %sub3A_146 : vector<16xf32>
          %mul3A_148 = arith.mulf %max3A_123, %mul3A_147 : vector<16xf32>
          %mul3A_149 = arith.constant 4.000000e-02 : f32
          %mul3A_150 = vector.broadcast %mul3A_149 : f32 to vector<16xf32>
          %mul3A_151 = arith.mulf %add3A_121, %mul3A_150 : vector<16xf32>
          %min3A_152 = arith.constant 1.000000e+00 : f32
          %min3A_153 = vector.broadcast %min3A_152 : f32 to vector<16xf32>
          %min3A_154 = arith.minimumf %mul3A_151, %min3A_153 : vector<16xf32>
          %broadcast_in_dim3A = arith.constant -0.010287134 : f32
          %broadcast_in_dim3A_155 = vector.broadcast %broadcast_in_dim3A : f32 to vector<16xf32>
          %mul3A_156 = arith.mulf %broadcast_in_dim3A_155, %min3A_154 : vector<16xf32>
          %add3A_157 = arith.constant 0.114794284 : f32
          %add3A_158 = vector.broadcast %add3A_157 : f32 to vector<16xf32>
          %add3A_159 = arith.addf %mul3A_156, %add3A_158 : vector<16xf32>
          %mul3A_160 = arith.mulf %add3A_159, %min3A_154 : vector<16xf32>
          %add3A_161 = arith.constant -0.666126847 : f32
          %add3A_162 = vector.broadcast %add3A_161 : f32 to vector<16xf32>
          %add3A_163 = arith.addf %mul3A_160, %add3A_162 : vector<16xf32>
          %mul3A_164 = arith.mulf %add3A_163, %min3A_154 : vector<16xf32>
          %add3A_165 = arith.constant 2.02898383 : f32
          %add3A_166 = vector.broadcast %add3A_165 : f32 to vector<16xf32>
          %add3A_167 = arith.addf %mul3A_164, %add3A_166 : vector<16xf32>
          %mul3A_168 = arith.mulf %add3A_167, %min3A_154 : vector<16xf32>
          %add3A_169 = arith.constant -2.46736407 : f32
          %add3A_170 = vector.broadcast %add3A_169 : f32 to vector<16xf32>
          %add3A_171 = arith.addf %mul3A_168, %add3A_170 : vector<16xf32>
          %mul3A_172 = arith.mulf %add3A_171, %min3A_154 : vector<16xf32>
          %add3A_173 = arith.constant 0.999999105 : f32
          %add3A_174 = vector.broadcast %add3A_173 : f32 to vector<16xf32>
          %add3A_175 = arith.addf %mul3A_172, %add3A_174 : vector<16xf32>
          %swap3A = arith.index_cast %mul3A_102 : i32 to index
          %swap3A_176 = tpu.vector_load %arg31[%swap3A] {strides = array<i32>} : memref<3200xf32, #tpu.memory_space<vmem>>, vector<16xf32>,
          tpu.vector_store %arg31[%swap3A], %sub3A_106 {strides = array<i32>} : memref<3200xf32, #tpu.memory_space<vmem>>, vector<16xf32>,
          %swap3A_177 = arith.index_cast %mul3A_102 : i32 to index
          %swap3A_178 = tpu.vector_load %arg32[%swap3A_177] {strides = array<i32>} : memref<3200xf32, #tpu.memory_space<vmem>>, vector<16xf32>,
          tpu.vector_store %arg32[%swap3A_177], %sub3A_111 {strides = array<i32>} : memref<3200xf32, #tpu.memory_space<vmem>>, vector<16xf32>,
          %swap3A_179 = arith.index_cast %mul3A_102 : i32 to index
          %swap3A_180 = tpu.vector_load %arg33[%swap3A_179] {strides = array<i32>} : memref<3200xf32, #tpu.memory_space<vmem>>, vector<16xf32>,
          tpu.vector_store %arg33[%swap3A_179], %sub3A_116 {strides = array<i32>} : memref<3200xf32, #tpu.memory_space<vmem>>, vector<16xf32>,
          %swap3A_181 = arith.index_cast %mul3A_102 : i32 to index
          %swap3A_182 = tpu.vector_load %arg34[%swap3A_181] {strides = array<i32>} : memref<3200xf32, #tpu.memory_space<vmem>>, vector<16xf32>,
          tpu.vector_store %arg34[%swap3A_181], %mul3A_148 {strides = array<i32>} : memref<3200xf32, #tpu.memory_space<vmem>>, vector<16xf32>,
          %swap3A_183 = arith.index_cast %mul3A_102 : i32 to index
          %swap3A_184 = tpu.vector_load %arg35[%swap3A_183] {strides = array<i32>} : memref<3200xf32, #tpu.memory_space<vmem>>, vector<16xf32>,
          tpu.vector_store %arg35[%swap3A_183], %add3A_175 {strides = array<i32>} : memref<3200xf32, #tpu.memory_space<vmem>>, vector<16xf32>,
          %scan3A_185 = arith.constant 1 : i32
          %scan3A_186 = arith.addi %scan3A_100, %scan3A_185 : i32
          %mul3A_187 = arith.constant 16 : i32
          %mul3A_188 = arith.muli %scan3A_186, %mul3A_187 : i32
          %get3A_189 = arith.index_cast %mul3A_188 : i32 to index
          %get3A_190 = tpu.vector_load %arg20[%get3A_189] {strides = array<i32>} : memref<3200xf32, #tpu.memory_space<vmem>>, vector<16xf32>,
          %get3A_191 = arith.index_cast %mul3A_188 : i32 to index
          %get3A_192 = tpu.vector_load %arg17[%get3A_191] {strides = array<i32>} : memref<3200xf32, #tpu.memory_space<vmem>>, vector<16xf32>,
          %sub3A_193 = arith.subf %get3A_190, %get3A_192 : vector<16xf32>
          %get3A_194 = arith.index_cast %mul3A_188 : i32 to index
          %get3A_195 = tpu.vector_load %arg21[%get3A_194] {strides = array<i32>} : memref<3200xf32, #tpu.memory_space<vmem>>, vector<16xf32>,
          %get3A_196 = arith.index_cast %mul3A_188 : i32 to index
          %get3A_197 = tpu.vector_load %arg18[%get3A_196] {strides = array<i32>} : memref<3200xf32, #tpu.memory_space<vmem>>, vector<16xf32>,
          %sub3A_198 = arith.subf %get3A_195, %get3A_197 : vector<16xf32>
          %get3A_199 = arith.index_cast %mul3A_188 : i32 to index
          %get3A_200 = tpu.vector_load %arg22[%get3A_199] {strides = array<i32>} : memref<3200xf32, #tpu.memory_space<vmem>>, vector<16xf32>,
          %get3A_201 = arith.index_cast %mul3A_188 : i32 to index
          %get3A_202 = tpu.vector_load %arg19[%get3A_201] {strides = array<i32>} : memref<3200xf32, #tpu.memory_space<vmem>>, vector<16xf32>,
          %sub3A_203 = arith.subf %get3A_200, %get3A_202 : vector<16xf32>
          %mul3A_204 = arith.mulf %sub3A_193, %sub3A_193 : vector<16xf32>
          %mul3A_205 = arith.mulf %sub3A_198, %sub3A_198 : vector<16xf32>
          %add3A_206 = arith.addf %mul3A_204, %mul3A_205 : vector<16xf32>
          %mul3A_207 = arith.mulf %sub3A_203, %sub3A_203 : vector<16xf32>
          %add3A_208 = arith.addf %add3A_206, %mul3A_207 : vector<16xf32>
          %max3A_209 = arith.constant 9.99999996E-13 : f32
          %max3A_210 = vector.broadcast %max3A_209 : f32 to vector<16xf32>
          %max3A_211 = arith.maximumf %add3A_208, %max3A_210 : vector<16xf32>
          %bitcast_convert_type3A_212 = tpu.bitcast %max3A_211 : vector<16xf32> -> vector<16xi32>
          %shift_right_arithmetic3A_213 = arith.constant 1 : i32
          %shift_right_arithmetic3A_214 = vector.broadcast %shift_right_arithmetic3A_213 : i32 to vector<16xi32>
          %shift_right_arithmetic3A_215 = arith.shrsi %bitcast_convert_type3A_212, %shift_right_arithmetic3A_214 : vector<16xi32>
          %sub3A_216 = arith.constant 1597463007 : i32
          %sub3A_217 = vector.broadcast %sub3A_216 : i32 to vector<16xi32>
          %sub3A_218 = arith.subi %sub3A_217, %shift_right_arithmetic3A_215 : vector<16xi32>
          %bitcast_convert_type3A_219 = tpu.bitcast %sub3A_218 : vector<16xi32> -> vector<16xf32>
          %mul3A_220 = arith.constant 5.000000e-01 : f32
          %mul3A_221 = vector.broadcast %mul3A_220 : f32 to vector<16xf32>
          %mul3A_222 = arith.mulf %mul3A_221, %max3A_211 : vector<16xf32>
          %mul3A_223 = arith.mulf %mul3A_222, %bitcast_convert_type3A_219 : vector<16xf32>
          %mul3A_224 = arith.mulf %mul3A_223, %bitcast_convert_type3A_219 : vector<16xf32>
          %sub3A_225 = arith.constant 1.500000e+00 : f32
          %sub3A_226 = vector.broadcast %sub3A_225 : f32 to vector<16xf32>
          %sub3A_227 = arith.subf %sub3A_226, %mul3A_224 : vector<16xf32>
          %mul3A_228 = arith.mulf %bitcast_convert_type3A_219, %sub3A_227 : vector<16xf32>
          %mul3A_229 = arith.constant 5.000000e-01 : f32
          %mul3A_230 = vector.broadcast %mul3A_229 : f32 to vector<16xf32>
          %mul3A_231 = arith.mulf %mul3A_230, %max3A_211 : vector<16xf32>
          %mul3A_232 = arith.mulf %mul3A_231, %mul3A_228 : vector<16xf32>
          %mul3A_233 = arith.mulf %mul3A_232, %mul3A_228 : vector<16xf32>
          %sub3A_234 = arith.constant 1.500000e+00 : f32
          %sub3A_235 = vector.broadcast %sub3A_234 : f32 to vector<16xf32>
          %sub3A_236 = arith.subf %sub3A_235, %mul3A_233 : vector<16xf32>
          %mul3A_237 = arith.mulf %mul3A_228, %sub3A_236 : vector<16xf32>
          %mul3A_238 = arith.mulf %max3A_211, %mul3A_237 : vector<16xf32>
          %mul3A_239 = arith.constant 4.000000e-02 : f32
          %mul3A_240 = vector.broadcast %mul3A_239 : f32 to vector<16xf32>
          %mul3A_241 = arith.mulf %add3A_208, %mul3A_240 : vector<16xf32>
          %min3A_242 = arith.constant 1.000000e+00 : f32
          %min3A_243 = vector.broadcast %min3A_242 : f32 to vector<16xf32>
          %min3A_244 = arith.minimumf %mul3A_241, %min3A_243 : vector<16xf32>
          %broadcast_in_dim3A_245 = arith.constant -0.010287134 : f32
          %broadcast_in_dim3A_246 = vector.broadcast %broadcast_in_dim3A_245 : f32 to vector<16xf32>
          %mul3A_247 = arith.mulf %broadcast_in_dim3A_246, %min3A_244 : vector<16xf32>
          %add3A_248 = arith.constant 0.114794284 : f32
          %add3A_249 = vector.broadcast %add3A_248 : f32 to vector<16xf32>
          %add3A_250 = arith.addf %mul3A_247, %add3A_249 : vector<16xf32>
          %mul3A_251 = arith.mulf %add3A_250, %min3A_244 : vector<16xf32>
          %add3A_252 = arith.constant -0.666126847 : f32
          %add3A_253 = vector.broadcast %add3A_252 : f32 to vector<16xf32>
          %add3A_254 = arith.addf %mul3A_251, %add3A_253 : vector<16xf32>
          %mul3A_255 = arith.mulf %add3A_254, %min3A_244 : vector<16xf32>
          %add3A_256 = arith.constant 2.02898383 : f32
          %add3A_257 = vector.broadcast %add3A_256 : f32 to vector<16xf32>
          %add3A_258 = arith.addf %mul3A_255, %add3A_257 : vector<16xf32>
          %mul3A_259 = arith.mulf %add3A_258, %min3A_244 : vector<16xf32>
          %add3A_260 = arith.constant -2.46736407 : f32
          %add3A_261 = vector.broadcast %add3A_260 : f32 to vector<16xf32>
          %add3A_262 = arith.addf %mul3A_259, %add3A_261 : vector<16xf32>
          %mul3A_263 = arith.mulf %add3A_262, %min3A_244 : vector<16xf32>
          %add3A_264 = arith.constant 0.999999105 : f32
          %add3A_265 = vector.broadcast %add3A_264 : f32 to vector<16xf32>
          %add3A_266 = arith.addf %mul3A_263, %add3A_265 : vector<16xf32>
          %swap3A_267 = arith.index_cast %mul3A_188 : i32 to index
          %swap3A_268 = tpu.vector_load %arg31[%swap3A_267] {strides = array<i32>} : memref<3200xf32, #tpu.memory_space<vmem>>, vector<16xf32>,
          tpu.vector_store %arg31[%swap3A_267], %sub3A_193 {strides = array<i32>} : memref<3200xf32, #tpu.memory_space<vmem>>, vector<16xf32>,
          %swap3A_269 = arith.index_cast %mul3A_188 : i32 to index
          %swap3A_270 = tpu.vector_load %arg32[%swap3A_269] {strides = array<i32>} : memref<3200xf32, #tpu.memory_space<vmem>>, vector<16xf32>,
          tpu.vector_store %arg32[%swap3A_269], %sub3A_198 {strides = array<i32>} : memref<3200xf32, #tpu.memory_space<vmem>>, vector<16xf32>,
          %swap3A_271 = arith.index_cast %mul3A_188 : i32 to index
          %swap3A_272 = tpu.vector_load %arg33[%swap3A_271] {strides = array<i32>} : memref<3200xf32, #tpu.memory_space<vmem>>, vector<16xf32>,
          tpu.vector_store %arg33[%swap3A_271], %sub3A_203 {strides = array<i32>} : memref<3200xf32, #tpu.memory_space<vmem>>, vector<16xf32>,
          %swap3A_273 = arith.index_cast %mul3A_188 : i32 to index
          %swap3A_274 = tpu.vector_load %arg34[%swap3A_273] {strides = array<i32>} : memref<3200xf32, #tpu.memory_space<vmem>>, vector<16xf32>,
          tpu.vector_store %arg34[%swap3A_273], %mul3A_238 {strides = array<i32>} : memref<3200xf32, #tpu.memory_space<vmem>>, vector<16xf32>,
          %swap3A_275 = arith.index_cast %mul3A_188 : i32 to index
          %swap3A_276 = tpu.vector_load %arg35[%swap3A_275] {strides = array<i32>} : memref<3200xf32, #tpu.memory_space<vmem>>, vector<16xf32>,
          tpu.vector_store %arg35[%swap3A_275], %add3A_266 {strides = array<i32>} : memref<3200xf32, #tpu.memory_space<vmem>>, vector<16xf32>,
          %scan3A_277 = arith.constant 2 : i32
          %scan3A_278 = arith.addi %scan3A_100, %scan3A_277 : i32
          %mul3A_279 = arith.constant 16 : i32
          %mul3A_280 = arith.muli %scan3A_278, %mul3A_279 : i32
          %get3A_281 = arith.index_cast %mul3A_280 : i32 to index
          %get3A_282 = tpu.vector_load %arg20[%get3A_281] {strides = array<i32>} : memref<3200xf32, #tpu.memory_space<vmem>>, vector<16xf32>,
          %get3A_283 = arith.index_cast %mul3A_280 : i32 to index
          %get3A_284 = tpu.vector_load %arg17[%get3A_283] {strides = array<i32>} : memref<3200xf32, #tpu.memory_space<vmem>>, vector<16xf32>,
          %sub3A_285 = arith.subf %get3A_282, %get3A_284 : vector<16xf32>
          %get3A_286 = arith.index_cast %mul3A_280 : i32 to index
          %get3A_287 = tpu.vector_load %arg21[%get3A_286] {strides = array<i32>} : memref<3200xf32, #tpu.memory_space<vmem>>, vector<16xf32>,
          %get3A_288 = arith.index_cast %mul3A_280 : i32 to index
          %get3A_289 = tpu.vector_load %arg18[%get3A_288] {strides = array<i32>} : memref<3200xf32, #tpu.memory_space<vmem>>, vector<16xf32>,
          %sub3A_290 = arith.subf %get3A_287, %get3A_289 : vector<16xf32>
          %get3A_291 = arith.index_cast %mul3A_280 : i32 to index
          %get3A_292 = tpu.vector_load %arg22[%get3A_291] {strides = array<i32>} : memref<3200xf32, #tpu.memory_space<vmem>>, vector<16xf32>,
          %get3A_293 = arith.index_cast %mul3A_280 : i32 to index
          %get3A_294 = tpu.vector_load %arg19[%get3A_293] {strides = array<i32>} : memref<3200xf32, #tpu.memory_space<vmem>>, vector<16xf32>,
          %sub3A_295 = arith.subf %get3A_292, %get3A_294 : vector<16xf32>
          %mul3A_296 = arith.mulf %sub3A_285, %sub3A_285 : vector<16xf32>
          %mul3A_297 = arith.mulf %sub3A_290, %sub3A_290 : vector<16xf32>
          %add3A_298 = arith.addf %mul3A_296, %mul3A_297 : vector<16xf32>
          %mul3A_299 = arith.mulf %sub3A_295, %sub3A_295 : vector<16xf32>
          %add3A_300 = arith.addf %add3A_298, %mul3A_299 : vector<16xf32>
          %max3A_301 = arith.constant 9.99999996E-13 : f32
          %max3A_302 = vector.broadcast %max3A_301 : f32 to vector<16xf32>
          %max3A_303 = arith.maximumf %add3A_300, %max3A_302 : vector<16xf32>
          %bitcast_convert_type3A_304 = tpu.bitcast %max3A_303 : vector<16xf32> -> vector<16xi32>
          %shift_right_arithmetic3A_305 = arith.constant 1 : i32
          %shift_right_arithmetic3A_306 = vector.broadcast %shift_right_arithmetic3A_305 : i32 to vector<16xi32>
          %shift_right_arithmetic3A_307 = arith.shrsi %bitcast_convert_type3A_304, %shift_right_arithmetic3A_306 : vector<16xi32>
          %sub3A_308 = arith.constant 1597463007 : i32
          %sub3A_309 = vector.broadcast %sub3A_308 : i32 to vector<16xi32>
          %sub3A_310 = arith.subi %sub3A_309, %shift_right_arithmetic3A_307 : vector<16xi32>
          %bitcast_convert_type3A_311 = tpu.bitcast %sub3A_310 : vector<16xi32> -> vector<16xf32>
          %mul3A_312 = arith.constant 5.000000e-01 : f32
          %mul3A_313 = vector.broadcast %mul3A_312 : f32 to vector<16xf32>
          %mul3A_314 = arith.mulf %mul3A_313, %max3A_303 : vector<16xf32>
          %mul3A_315 = arith.mulf %mul3A_314, %bitcast_convert_type3A_311 : vector<16xf32>
          %mul3A_316 = arith.mulf %mul3A_315, %bitcast_convert_type3A_311 : vector<16xf32>
          %sub3A_317 = arith.constant 1.500000e+00 : f32
          %sub3A_318 = vector.broadcast %sub3A_317 : f32 to vector<16xf32>
          %sub3A_319 = arith.subf %sub3A_318, %mul3A_316 : vector<16xf32>
          %mul3A_320 = arith.mulf %bitcast_convert_type3A_311, %sub3A_319 : vector<16xf32>
          %mul3A_321 = arith.constant 5.000000e-01 : f32
          %mul3A_322 = vector.broadcast %mul3A_321 : f32 to vector<16xf32>
          %mul3A_323 = arith.mulf %mul3A_322, %max3A_303 : vector<16xf32>
          %mul3A_324 = arith.mulf %mul3A_323, %mul3A_320 : vector<16xf32>
          %mul3A_325 = arith.mulf %mul3A_324, %mul3A_320 : vector<16xf32>
          %sub3A_326 = arith.constant 1.500000e+00 : f32
          %sub3A_327 = vector.broadcast %sub3A_326 : f32 to vector<16xf32>
          %sub3A_328 = arith.subf %sub3A_327, %mul3A_325 : vector<16xf32>
          %mul3A_329 = arith.mulf %mul3A_320, %sub3A_328 : vector<16xf32>
          %mul3A_330 = arith.mulf %max3A_303, %mul3A_329 : vector<16xf32>
          %mul3A_331 = arith.constant 4.000000e-02 : f32
          %mul3A_332 = vector.broadcast %mul3A_331 : f32 to vector<16xf32>
          %mul3A_333 = arith.mulf %add3A_300, %mul3A_332 : vector<16xf32>
          %min3A_334 = arith.constant 1.000000e+00 : f32
          %min3A_335 = vector.broadcast %min3A_334 : f32 to vector<16xf32>
          %min3A_336 = arith.minimumf %mul3A_333, %min3A_335 : vector<16xf32>
          %broadcast_in_dim3A_337 = arith.constant -0.010287134 : f32
          %broadcast_in_dim3A_338 = vector.broadcast %broadcast_in_dim3A_337 : f32 to vector<16xf32>
          %mul3A_339 = arith.mulf %broadcast_in_dim3A_338, %min3A_336 : vector<16xf32>
          %add3A_340 = arith.constant 0.114794284 : f32
          %add3A_341 = vector.broadcast %add3A_340 : f32 to vector<16xf32>
          %add3A_342 = arith.addf %mul3A_339, %add3A_341 : vector<16xf32>
          %mul3A_343 = arith.mulf %add3A_342, %min3A_336 : vector<16xf32>
          %add3A_344 = arith.constant -0.666126847 : f32
          %add3A_345 = vector.broadcast %add3A_344 : f32 to vector<16xf32>
          %add3A_346 = arith.addf %mul3A_343, %add3A_345 : vector<16xf32>
          %mul3A_347 = arith.mulf %add3A_346, %min3A_336 : vector<16xf32>
          %add3A_348 = arith.constant 2.02898383 : f32
          %add3A_349 = vector.broadcast %add3A_348 : f32 to vector<16xf32>
          %add3A_350 = arith.addf %mul3A_347, %add3A_349 : vector<16xf32>
          %mul3A_351 = arith.mulf %add3A_350, %min3A_336 : vector<16xf32>
          %add3A_352 = arith.constant -2.46736407 : f32
          %add3A_353 = vector.broadcast %add3A_352 : f32 to vector<16xf32>
          %add3A_354 = arith.addf %mul3A_351, %add3A_353 : vector<16xf32>
          %mul3A_355 = arith.mulf %add3A_354, %min3A_336 : vector<16xf32>
          %add3A_356 = arith.constant 0.999999105 : f32
          %add3A_357 = vector.broadcast %add3A_356 : f32 to vector<16xf32>
          %add3A_358 = arith.addf %mul3A_355, %add3A_357 : vector<16xf32>
          %swap3A_359 = arith.index_cast %mul3A_280 : i32 to index
          %swap3A_360 = tpu.vector_load %arg31[%swap3A_359] {strides = array<i32>} : memref<3200xf32, #tpu.memory_space<vmem>>, vector<16xf32>,
          tpu.vector_store %arg31[%swap3A_359], %sub3A_285 {strides = array<i32>} : memref<3200xf32, #tpu.memory_space<vmem>>, vector<16xf32>,
          %swap3A_361 = arith.index_cast %mul3A_280 : i32 to index
          %swap3A_362 = tpu.vector_load %arg32[%swap3A_361] {strides = array<i32>} : memref<3200xf32, #tpu.memory_space<vmem>>, vector<16xf32>,
          tpu.vector_store %arg32[%swap3A_361], %sub3A_290 {strides = array<i32>} : memref<3200xf32, #tpu.memory_space<vmem>>, vector<16xf32>,
          %swap3A_363 = arith.index_cast %mul3A_280 : i32 to index
          %swap3A_364 = tpu.vector_load %arg33[%swap3A_363] {strides = array<i32>} : memref<3200xf32, #tpu.memory_space<vmem>>, vector<16xf32>,
          tpu.vector_store %arg33[%swap3A_363], %sub3A_295 {strides = array<i32>} : memref<3200xf32, #tpu.memory_space<vmem>>, vector<16xf32>,
          %swap3A_365 = arith.index_cast %mul3A_280 : i32 to index
          %swap3A_366 = tpu.vector_load %arg34[%swap3A_365] {strides = array<i32>} : memref<3200xf32, #tpu.memory_space<vmem>>, vector<16xf32>,
          tpu.vector_store %arg34[%swap3A_365], %mul3A_330 {strides = array<i32>} : memref<3200xf32, #tpu.memory_space<vmem>>, vector<16xf32>,
          %swap3A_367 = arith.index_cast %mul3A_280 : i32 to index
          %swap3A_368 = tpu.vector_load %arg35[%swap3A_367] {strides = array<i32>} : memref<3200xf32, #tpu.memory_space<vmem>>, vector<16xf32>,
          tpu.vector_store %arg35[%swap3A_367], %add3A_358 {strides = array<i32>} : memref<3200xf32, #tpu.memory_space<vmem>>, vector<16xf32>,
          %scan3A_369 = arith.constant 3 : i32
          %scan3A_370 = arith.addi %scan3A_100, %scan3A_369 : i32
          %mul3A_371 = arith.constant 16 : i32
          %mul3A_372 = arith.muli %scan3A_370, %mul3A_371 : i32
          %get3A_373 = arith.index_cast %mul3A_372 : i32 to index
          %get3A_374 = tpu.vector_load %arg20[%get3A_373] {strides = array<i32>} : memref<3200xf32, #tpu.memory_space<vmem>>, vector<16xf32>,
          %get3A_375 = arith.index_cast %mul3A_372 : i32 to index
          %get3A_376 = tpu.vector_load %arg17[%get3A_375] {strides = array<i32>} : memref<3200xf32, #tpu.memory_space<vmem>>, vector<16xf32>,
          %sub3A_377 = arith.subf %get3A_374, %get3A_376 : vector<16xf32>
          %get3A_378 = arith.index_cast %mul3A_372 : i32 to index
          %get3A_379 = tpu.vector_load %arg21[%get3A_378] {strides = array<i32>} : memref<3200xf32, #tpu.memory_space<vmem>>, vector<16xf32>,
          %get3A_380 = arith.index_cast %mul3A_372 : i32 to index
          %get3A_381 = tpu.vector_load %arg18[%get3A_380] {strides = array<i32>} : memref<3200xf32, #tpu.memory_space<vmem>>, vector<16xf32>,
          %sub3A_382 = arith.subf %get3A_379, %get3A_381 : vector<16xf32>
          %get3A_383 = arith.index_cast %mul3A_372 : i32 to index
          %get3A_384 = tpu.vector_load %arg22[%get3A_383] {strides = array<i32>} : memref<3200xf32, #tpu.memory_space<vmem>>, vector<16xf32>,
          %get3A_385 = arith.index_cast %mul3A_372 : i32 to index
          %get3A_386 = tpu.vector_load %arg19[%get3A_385] {strides = array<i32>} : memref<3200xf32, #tpu.memory_space<vmem>>, vector<16xf32>,
          %sub3A_387 = arith.subf %get3A_384, %get3A_386 : vector<16xf32>
          %mul3A_388 = arith.mulf %sub3A_377, %sub3A_377 : vector<16xf32>
          %mul3A_389 = arith.mulf %sub3A_382, %sub3A_382 : vector<16xf32>
          %add3A_390 = arith.addf %mul3A_388, %mul3A_389 : vector<16xf32>
          %mul3A_391 = arith.mulf %sub3A_387, %sub3A_387 : vector<16xf32>
          %add3A_392 = arith.addf %add3A_390, %mul3A_391 : vector<16xf32>
          %max3A_393 = arith.constant 9.99999996E-13 : f32
          %max3A_394 = vector.broadcast %max3A_393 : f32 to vector<16xf32>
          %max3A_395 = arith.maximumf %add3A_392, %max3A_394 : vector<16xf32>
          %bitcast_convert_type3A_396 = tpu.bitcast %max3A_395 : vector<16xf32> -> vector<16xi32>
          %shift_right_arithmetic3A_397 = arith.constant 1 : i32
          %shift_right_arithmetic3A_398 = vector.broadcast %shift_right_arithmetic3A_397 : i32 to vector<16xi32>
          %shift_right_arithmetic3A_399 = arith.shrsi %bitcast_convert_type3A_396, %shift_right_arithmetic3A_398 : vector<16xi32>
          %sub3A_400 = arith.constant 1597463007 : i32
          %sub3A_401 = vector.broadcast %sub3A_400 : i32 to vector<16xi32>
          %sub3A_402 = arith.subi %sub3A_401, %shift_right_arithmetic3A_399 : vector<16xi32>
          %bitcast_convert_type3A_403 = tpu.bitcast %sub3A_402 : vector<16xi32> -> vector<16xf32>
          %mul3A_404 = arith.constant 5.000000e-01 : f32
          %mul3A_405 = vector.broadcast %mul3A_404 : f32 to vector<16xf32>
          %mul3A_406 = arith.mulf %mul3A_405, %max3A_395 : vector<16xf32>
          %mul3A_407 = arith.mulf %mul3A_406, %bitcast_convert_type3A_403 : vector<16xf32>
          %mul3A_408 = arith.mulf %mul3A_407, %bitcast_convert_type3A_403 : vector<16xf32>
          %sub3A_409 = arith.constant 1.500000e+00 : f32
          %sub3A_410 = vector.broadcast %sub3A_409 : f32 to vector<16xf32>
          %sub3A_411 = arith.subf %sub3A_410, %mul3A_408 : vector<16xf32>
          %mul3A_412 = arith.mulf %bitcast_convert_type3A_403, %sub3A_411 : vector<16xf32>
          %mul3A_413 = arith.constant 5.000000e-01 : f32
          %mul3A_414 = vector.broadcast %mul3A_413 : f32 to vector<16xf32>
          %mul3A_415 = arith.mulf %mul3A_414, %max3A_395 : vector<16xf32>
          %mul3A_416 = arith.mulf %mul3A_415, %mul3A_412 : vector<16xf32>
          %mul3A_417 = arith.mulf %mul3A_416, %mul3A_412 : vector<16xf32>
          %sub3A_418 = arith.constant 1.500000e+00 : f32
          %sub3A_419 = vector.broadcast %sub3A_418 : f32 to vector<16xf32>
          %sub3A_420 = arith.subf %sub3A_419, %mul3A_417 : vector<16xf32>
          %mul3A_421 = arith.mulf %mul3A_412, %sub3A_420 : vector<16xf32>
          %mul3A_422 = arith.mulf %max3A_395, %mul3A_421 : vector<16xf32>
          %mul3A_423 = arith.constant 4.000000e-02 : f32
          %mul3A_424 = vector.broadcast %mul3A_423 : f32 to vector<16xf32>
          %mul3A_425 = arith.mulf %add3A_392, %mul3A_424 : vector<16xf32>
          %min3A_426 = arith.constant 1.000000e+00 : f32
          %min3A_427 = vector.broadcast %min3A_426 : f32 to vector<16xf32>
          %min3A_428 = arith.minimumf %mul3A_425, %min3A_427 : vector<16xf32>
          %broadcast_in_dim3A_429 = arith.constant -0.010287134 : f32
          %broadcast_in_dim3A_430 = vector.broadcast %broadcast_in_dim3A_429 : f32 to vector<16xf32>
          %mul3A_431 = arith.mulf %broadcast_in_dim3A_430, %min3A_428 : vector<16xf32>
          %add3A_432 = arith.constant 0.114794284 : f32
          %add3A_433 = vector.broadcast %add3A_432 : f32 to vector<16xf32>
          %add3A_434 = arith.addf %mul3A_431, %add3A_433 : vector<16xf32>
          %mul3A_435 = arith.mulf %add3A_434, %min3A_428 : vector<16xf32>
          %add3A_436 = arith.constant -0.666126847 : f32
          %add3A_437 = vector.broadcast %add3A_436 : f32 to vector<16xf32>
          %add3A_438 = arith.addf %mul3A_435, %add3A_437 : vector<16xf32>
          %mul3A_439 = arith.mulf %add3A_438, %min3A_428 : vector<16xf32>
          %add3A_440 = arith.constant 2.02898383 : f32
          %add3A_441 = vector.broadcast %add3A_440 : f32 to vector<16xf32>
          %add3A_442 = arith.addf %mul3A_439, %add3A_441 : vector<16xf32>
          %mul3A_443 = arith.mulf %add3A_442, %min3A_428 : vector<16xf32>
          %add3A_444 = arith.constant -2.46736407 : f32
          %add3A_445 = vector.broadcast %add3A_444 : f32 to vector<16xf32>
          %add3A_446 = arith.addf %mul3A_443, %add3A_445 : vector<16xf32>
          %mul3A_447 = arith.mulf %add3A_446, %min3A_428 : vector<16xf32>
          %add3A_448 = arith.constant 0.999999105 : f32
          %add3A_449 = vector.broadcast %add3A_448 : f32 to vector<16xf32>
          %add3A_450 = arith.addf %mul3A_447, %add3A_449 : vector<16xf32>
          %swap3A_451 = arith.index_cast %mul3A_372 : i32 to index
          %swap3A_452 = tpu.vector_load %arg31[%swap3A_451] {strides = array<i32>} : memref<3200xf32, #tpu.memory_space<vmem>>, vector<16xf32>,
          tpu.vector_store %arg31[%swap3A_451], %sub3A_377 {strides = array<i32>} : memref<3200xf32, #tpu.memory_space<vmem>>, vector<16xf32>,
          %swap3A_453 = arith.index_cast %mul3A_372 : i32 to index
          %swap3A_454 = tpu.vector_load %arg32[%swap3A_453] {strides = array<i32>} : memref<3200xf32, #tpu.memory_space<vmem>>, vector<16xf32>,
          tpu.vector_store %arg32[%swap3A_453], %sub3A_382 {strides = array<i32>} : memref<3200xf32, #tpu.memory_space<vmem>>, vector<16xf32>,
          %swap3A_455 = arith.index_cast %mul3A_372 : i32 to index
          %swap3A_456 = tpu.vector_load %arg33[%swap3A_455] {strides = array<i32>} : memref<3200xf32, #tpu.memory_space<vmem>>, vector<16xf32>,
          tpu.vector_store %arg33[%swap3A_455], %sub3A_387 {strides = array<i32>} : memref<3200xf32, #tpu.memory_space<vmem>>, vector<16xf32>,
          %swap3A_457 = arith.index_cast %mul3A_372 : i32 to index
          %swap3A_458 = tpu.vector_load %arg34[%swap3A_457] {strides = array<i32>} : memref<3200xf32, #tpu.memory_space<vmem>>, vector<16xf32>,
          tpu.vector_store %arg34[%swap3A_457], %mul3A_422 {strides = array<i32>} : memref<3200xf32, #tpu.memory_space<vmem>>, vector<16xf32>,
          %swap3A_459 = arith.index_cast %mul3A_372 : i32 to index
          %swap3A_460 = tpu.vector_load %arg35[%swap3A_459] {strides = array<i32>} : memref<3200xf32, #tpu.memory_space<vmem>>, vector<16xf32>,
          tpu.vector_store %arg35[%swap3A_459], %add3A_450 {strides = array<i32>} : memref<3200xf32, #tpu.memory_space<vmem>>, vector<16xf32>,
          %scan3A_461 = arith.constant 4 : i32
          %scan3A_462 = arith.addi %scan3A_100, %scan3A_461 : i32
          %mul3A_463 = arith.constant 16 : i32
          %mul3A_464 = arith.muli %scan3A_462, %mul3A_463 : i32
          %get3A_465 = arith.index_cast %mul3A_464 : i32 to index
          %get3A_466 = tpu.vector_load %arg20[%get3A_465] {strides = array<i32>} : memref<3200xf32, #tpu.memory_space<vmem>>, vector<16xf32>,
          %get3A_467 = arith.index_cast %mul3A_464 : i32 to index
          %get3A_468 = tpu.vector_load %arg17[%get3A_467] {strides = array<i32>} : memref<3200xf32, #tpu.memory_space<vmem>>, vector<16xf32>,
          %sub3A_469 = arith.subf %get3A_466, %get3A_468 : vector<16xf32>
          %get3A_470 = arith.index_cast %mul3A_464 : i32 to index
          %get3A_471 = tpu.vector_load %arg21[%get3A_470] {strides = array<i32>} : memref<3200xf32, #tpu.memory_space<vmem>>, vector<16xf32>,
          %get3A_472 = arith.index_cast %mul3A_464 : i32 to index
          %get3A_473 = tpu.vector_load %arg18[%get3A_472] {strides = array<i32>} : memref<3200xf32, #tpu.memory_space<vmem>>, vector<16xf32>,
          %sub3A_474 = arith.subf %get3A_471, %get3A_473 : vector<16xf32>
          %get3A_475 = arith.index_cast %mul3A_464 : i32 to index
          %get3A_476 = tpu.vector_load %arg22[%get3A_475] {strides = array<i32>} : memref<3200xf32, #tpu.memory_space<vmem>>, vector<16xf32>,
          %get3A_477 = arith.index_cast %mul3A_464 : i32 to index
          %get3A_478 = tpu.vector_load %arg19[%get3A_477] {strides = array<i32>} : memref<3200xf32, #tpu.memory_space<vmem>>, vector<16xf32>,
          %sub3A_479 = arith.subf %get3A_476, %get3A_478 : vector<16xf32>
          %mul3A_480 = arith.mulf %sub3A_469, %sub3A_469 : vector<16xf32>
          %mul3A_481 = arith.mulf %sub3A_474, %sub3A_474 : vector<16xf32>
          %add3A_482 = arith.addf %mul3A_480, %mul3A_481 : vector<16xf32>
          %mul3A_483 = arith.mulf %sub3A_479, %sub3A_479 : vector<16xf32>
          %add3A_484 = arith.addf %add3A_482, %mul3A_483 : vector<16xf32>
          %max3A_485 = arith.constant 9.99999996E-13 : f32
          %max3A_486 = vector.broadcast %max3A_485 : f32 to vector<16xf32>
          %max3A_487 = arith.maximumf %add3A_484, %max3A_486 : vector<16xf32>
          %bitcast_convert_type3A_488 = tpu.bitcast %max3A_487 : vector<16xf32> -> vector<16xi32>
          %shift_right_arithmetic3A_489 = arith.constant 1 : i32
          %shift_right_arithmetic3A_490 = vector.broadcast %shift_right_arithmetic3A_489 : i32 to vector<16xi32>
          %shift_right_arithmetic3A_491 = arith.shrsi %bitcast_convert_type3A_488, %shift_right_arithmetic3A_490 : vector<16xi32>
          %sub3A_492 = arith.constant 1597463007 : i32
          %sub3A_493 = vector.broadcast %sub3A_492 : i32 to vector<16xi32>
          %sub3A_494 = arith.subi %sub3A_493, %shift_right_arithmetic3A_491 : vector<16xi32>
          %bitcast_convert_type3A_495 = tpu.bitcast %sub3A_494 : vector<16xi32> -> vector<16xf32>
          %mul3A_496 = arith.constant 5.000000e-01 : f32
          %mul3A_497 = vector.broadcast %mul3A_496 : f32 to vector<16xf32>
          %mul3A_498 = arith.mulf %mul3A_497, %max3A_487 : vector<16xf32>
          %mul3A_499 = arith.mulf %mul3A_498, %bitcast_convert_type3A_495 : vector<16xf32>
          %mul3A_500 = arith.mulf %mul3A_499, %bitcast_convert_type3A_495 : vector<16xf32>
          %sub3A_501 = arith.constant 1.500000e+00 : f32
          %sub3A_502 = vector.broadcast %sub3A_501 : f32 to vector<16xf32>
          %sub3A_503 = arith.subf %sub3A_502, %mul3A_500 : vector<16xf32>
          %mul3A_504 = arith.mulf %bitcast_convert_type3A_495, %sub3A_503 : vector<16xf32>
          %mul3A_505 = arith.constant 5.000000e-01 : f32
          %mul3A_506 = vector.broadcast %mul3A_505 : f32 to vector<16xf32>
          %mul3A_507 = arith.mulf %mul3A_506, %max3A_487 : vector<16xf32>
          %mul3A_508 = arith.mulf %mul3A_507, %mul3A_504 : vector<16xf32>
          %mul3A_509 = arith.mulf %mul3A_508, %mul3A_504 : vector<16xf32>
          %sub3A_510 = arith.constant 1.500000e+00 : f32
          %sub3A_511 = vector.broadcast %sub3A_510 : f32 to vector<16xf32>
          %sub3A_512 = arith.subf %sub3A_511, %mul3A_509 : vector<16xf32>
          %mul3A_513 = arith.mulf %mul3A_504, %sub3A_512 : vector<16xf32>
          %mul3A_514 = arith.mulf %max3A_487, %mul3A_513 : vector<16xf32>
          %mul3A_515 = arith.constant 4.000000e-02 : f32
          %mul3A_516 = vector.broadcast %mul3A_515 : f32 to vector<16xf32>
          %mul3A_517 = arith.mulf %add3A_484, %mul3A_516 : vector<16xf32>
          %min3A_518 = arith.constant 1.000000e+00 : f32
          %min3A_519 = vector.broadcast %min3A_518 : f32 to vector<16xf32>
          %min3A_520 = arith.minimumf %mul3A_517, %min3A_519 : vector<16xf32>
          %broadcast_in_dim3A_521 = arith.constant -0.010287134 : f32
          %broadcast_in_dim3A_522 = vector.broadcast %broadcast_in_dim3A_521 : f32 to vector<16xf32>
          %mul3A_523 = arith.mulf %broadcast_in_dim3A_522, %min3A_520 : vector<16xf32>
          %add3A_524 = arith.constant 0.114794284 : f32
          %add3A_525 = vector.broadcast %add3A_524 : f32 to vector<16xf32>
          %add3A_526 = arith.addf %mul3A_523, %add3A_525 : vector<16xf32>
          %mul3A_527 = arith.mulf %add3A_526, %min3A_520 : vector<16xf32>
          %add3A_528 = arith.constant -0.666126847 : f32
          %add3A_529 = vector.broadcast %add3A_528 : f32 to vector<16xf32>
          %add3A_530 = arith.addf %mul3A_527, %add3A_529 : vector<16xf32>
          %mul3A_531 = arith.mulf %add3A_530, %min3A_520 : vector<16xf32>
          %add3A_532 = arith.constant 2.02898383 : f32
          %add3A_533 = vector.broadcast %add3A_532 : f32 to vector<16xf32>
          %add3A_534 = arith.addf %mul3A_531, %add3A_533 : vector<16xf32>
          %mul3A_535 = arith.mulf %add3A_534, %min3A_520 : vector<16xf32>
          %add3A_536 = arith.constant -2.46736407 : f32
          %add3A_537 = vector.broadcast %add3A_536 : f32 to vector<16xf32>
          %add3A_538 = arith.addf %mul3A_535, %add3A_537 : vector<16xf32>
          %mul3A_539 = arith.mulf %add3A_538, %min3A_520 : vector<16xf32>
          %add3A_540 = arith.constant 0.999999105 : f32
          %add3A_541 = vector.broadcast %add3A_540 : f32 to vector<16xf32>
          %add3A_542 = arith.addf %mul3A_539, %add3A_541 : vector<16xf32>
          %swap3A_543 = arith.index_cast %mul3A_464 : i32 to index
          %swap3A_544 = tpu.vector_load %arg31[%swap3A_543] {strides = array<i32>} : memref<3200xf32, #tpu.memory_space<vmem>>, vector<16xf32>,
          tpu.vector_store %arg31[%swap3A_543], %sub3A_469 {strides = array<i32>} : memref<3200xf32, #tpu.memory_space<vmem>>, vector<16xf32>,
          %swap3A_545 = arith.index_cast %mul3A_464 : i32 to index
          %swap3A_546 = tpu.vector_load %arg32[%swap3A_545] {strides = array<i32>} : memref<3200xf32, #tpu.memory_space<vmem>>, vector<16xf32>,
          tpu.vector_store %arg32[%swap3A_545], %sub3A_474 {strides = array<i32>} : memref<3200xf32, #tpu.memory_space<vmem>>, vector<16xf32>,
          %swap3A_547 = arith.index_cast %mul3A_464 : i32 to index
          %swap3A_548 = tpu.vector_load %arg33[%swap3A_547] {strides = array<i32>} : memref<3200xf32, #tpu.memory_space<vmem>>, vector<16xf32>,
          tpu.vector_store %arg33[%swap3A_547], %sub3A_479 {strides = array<i32>} : memref<3200xf32, #tpu.memory_space<vmem>>, vector<16xf32>,
          %swap3A_549 = arith.index_cast %mul3A_464 : i32 to index
          %swap3A_550 = tpu.vector_load %arg34[%swap3A_549] {strides = array<i32>} : memref<3200xf32, #tpu.memory_space<vmem>>, vector<16xf32>,
          tpu.vector_store %arg34[%swap3A_549], %mul3A_514 {strides = array<i32>} : memref<3200xf32, #tpu.memory_space<vmem>>, vector<16xf32>,
          %swap3A_551 = arith.index_cast %mul3A_464 : i32 to index
          %swap3A_552 = tpu.vector_load %arg35[%swap3A_551] {strides = array<i32>} : memref<3200xf32, #tpu.memory_space<vmem>>, vector<16xf32>,
          tpu.vector_store %arg35[%swap3A_551], %add3A_542 {strides = array<i32>} : memref<3200xf32, #tpu.memory_space<vmem>>, vector<16xf32>,
          %scan3A_553 = arith.constant 5 : i32
          %scan3A_554 = arith.addi %scan3A_100, %scan3A_553 : i32
          %mul3A_555 = arith.constant 16 : i32
          %mul3A_556 = arith.muli %scan3A_554, %mul3A_555 : i32
          %get3A_557 = arith.index_cast %mul3A_556 : i32 to index
          %get3A_558 = tpu.vector_load %arg20[%get3A_557] {strides = array<i32>} : memref<3200xf32, #tpu.memory_space<vmem>>, vector<16xf32>,
          %get3A_559 = arith.index_cast %mul3A_556 : i32 to index
          %get3A_560 = tpu.vector_load %arg17[%get3A_559] {strides = array<i32>} : memref<3200xf32, #tpu.memory_space<vmem>>, vector<16xf32>,
          %sub3A_561 = arith.subf %get3A_558, %get3A_560 : vector<16xf32>
          %get3A_562 = arith.index_cast %mul3A_556 : i32 to index
          %get3A_563 = tpu.vector_load %arg21[%get3A_562] {strides = array<i32>} : memref<3200xf32, #tpu.memory_space<vmem>>, vector<16xf32>,
          %get3A_564 = arith.index_cast %mul3A_556 : i32 to index
          %get3A_565 = tpu.vector_load %arg18[%get3A_564] {strides = array<i32>} : memref<3200xf32, #tpu.memory_space<vmem>>, vector<16xf32>,
          %sub3A_566 = arith.subf %get3A_563, %get3A_565 : vector<16xf32>
          %get3A_567 = arith.index_cast %mul3A_556 : i32 to index
          %get3A_568 = tpu.vector_load %arg22[%get3A_567] {strides = array<i32>} : memref<3200xf32, #tpu.memory_space<vmem>>, vector<16xf32>,
          %get3A_569 = arith.index_cast %mul3A_556 : i32 to index
          %get3A_570 = tpu.vector_load %arg19[%get3A_569] {strides = array<i32>} : memref<3200xf32, #tpu.memory_space<vmem>>, vector<16xf32>,
          %sub3A_571 = arith.subf %get3A_568, %get3A_570 : vector<16xf32>
          %mul3A_572 = arith.mulf %sub3A_561, %sub3A_561 : vector<16xf32>
          %mul3A_573 = arith.mulf %sub3A_566, %sub3A_566 : vector<16xf32>
          %add3A_574 = arith.addf %mul3A_572, %mul3A_573 : vector<16xf32>
          %mul3A_575 = arith.mulf %sub3A_571, %sub3A_571 : vector<16xf32>
          %add3A_576 = arith.addf %add3A_574, %mul3A_575 : vector<16xf32>
          %max3A_577 = arith.constant 9.99999996E-13 : f32
          %max3A_578 = vector.broadcast %max3A_577 : f32 to vector<16xf32>
          %max3A_579 = arith.maximumf %add3A_576, %max3A_578 : vector<16xf32>
          %bitcast_convert_type3A_580 = tpu.bitcast %max3A_579 : vector<16xf32> -> vector<16xi32>
          %shift_right_arithmetic3A_581 = arith.constant 1 : i32
          %shift_right_arithmetic3A_582 = vector.broadcast %shift_right_arithmetic3A_581 : i32 to vector<16xi32>
          %shift_right_arithmetic3A_583 = arith.shrsi %bitcast_convert_type3A_580, %shift_right_arithmetic3A_582 : vector<16xi32>
          %sub3A_584 = arith.constant 1597463007 : i32
          %sub3A_585 = vector.broadcast %sub3A_584 : i32 to vector<16xi32>
          %sub3A_586 = arith.subi %sub3A_585, %shift_right_arithmetic3A_583 : vector<16xi32>
          %bitcast_convert_type3A_587 = tpu.bitcast %sub3A_586 : vector<16xi32> -> vector<16xf32>
          %mul3A_588 = arith.constant 5.000000e-01 : f32
          %mul3A_589 = vector.broadcast %mul3A_588 : f32 to vector<16xf32>
          %mul3A_590 = arith.mulf %mul3A_589, %max3A_579 : vector<16xf32>
          %mul3A_591 = arith.mulf %mul3A_590, %bitcast_convert_type3A_587 : vector<16xf32>
          %mul3A_592 = arith.mulf %mul3A_591, %bitcast_convert_type3A_587 : vector<16xf32>
          %sub3A_593 = arith.constant 1.500000e+00 : f32
          %sub3A_594 = vector.broadcast %sub3A_593 : f32 to vector<16xf32>
          %sub3A_595 = arith.subf %sub3A_594, %mul3A_592 : vector<16xf32>
          %mul3A_596 = arith.mulf %bitcast_convert_type3A_587, %sub3A_595 : vector<16xf32>
          %mul3A_597 = arith.constant 5.000000e-01 : f32
          %mul3A_598 = vector.broadcast %mul3A_597 : f32 to vector<16xf32>
          %mul3A_599 = arith.mulf %mul3A_598, %max3A_579 : vector<16xf32>
          %mul3A_600 = arith.mulf %mul3A_599, %mul3A_596 : vector<16xf32>
          %mul3A_601 = arith.mulf %mul3A_600, %mul3A_596 : vector<16xf32>
          %sub3A_602 = arith.constant 1.500000e+00 : f32
          %sub3A_603 = vector.broadcast %sub3A_602 : f32 to vector<16xf32>
          %sub3A_604 = arith.subf %sub3A_603, %mul3A_601 : vector<16xf32>
          %mul3A_605 = arith.mulf %mul3A_596, %sub3A_604 : vector<16xf32>
          %mul3A_606 = arith.mulf %max3A_579, %mul3A_605 : vector<16xf32>
          %mul3A_607 = arith.constant 4.000000e-02 : f32
          %mul3A_608 = vector.broadcast %mul3A_607 : f32 to vector<16xf32>
          %mul3A_609 = arith.mulf %add3A_576, %mul3A_608 : vector<16xf32>
          %min3A_610 = arith.constant 1.000000e+00 : f32
          %min3A_611 = vector.broadcast %min3A_610 : f32 to vector<16xf32>
          %min3A_612 = arith.minimumf %mul3A_609, %min3A_611 : vector<16xf32>
          %broadcast_in_dim3A_613 = arith.constant -0.010287134 : f32
          %broadcast_in_dim3A_614 = vector.broadcast %broadcast_in_dim3A_613 : f32 to vector<16xf32>
          %mul3A_615 = arith.mulf %broadcast_in_dim3A_614, %min3A_612 : vector<16xf32>
          %add3A_616 = arith.constant 0.114794284 : f32
          %add3A_617 = vector.broadcast %add3A_616 : f32 to vector<16xf32>
          %add3A_618 = arith.addf %mul3A_615, %add3A_617 : vector<16xf32>
          %mul3A_619 = arith.mulf %add3A_618, %min3A_612 : vector<16xf32>
          %add3A_620 = arith.constant -0.666126847 : f32
          %add3A_621 = vector.broadcast %add3A_620 : f32 to vector<16xf32>
          %add3A_622 = arith.addf %mul3A_619, %add3A_621 : vector<16xf32>
          %mul3A_623 = arith.mulf %add3A_622, %min3A_612 : vector<16xf32>
          %add3A_624 = arith.constant 2.02898383 : f32
          %add3A_625 = vector.broadcast %add3A_624 : f32 to vector<16xf32>
          %add3A_626 = arith.addf %mul3A_623, %add3A_625 : vector<16xf32>
          %mul3A_627 = arith.mulf %add3A_626, %min3A_612 : vector<16xf32>
          %add3A_628 = arith.constant -2.46736407 : f32
          %add3A_629 = vector.broadcast %add3A_628 : f32 to vector<16xf32>
          %add3A_630 = arith.addf %mul3A_627, %add3A_629 : vector<16xf32>
          %mul3A_631 = arith.mulf %add3A_630, %min3A_612 : vector<16xf32>
          %add3A_632 = arith.constant 0.999999105 : f32
          %add3A_633 = vector.broadcast %add3A_632 : f32 to vector<16xf32>
          %add3A_634 = arith.addf %mul3A_631, %add3A_633 : vector<16xf32>
          %swap3A_635 = arith.index_cast %mul3A_556 : i32 to index
          %swap3A_636 = tpu.vector_load %arg31[%swap3A_635] {strides = array<i32>} : memref<3200xf32, #tpu.memory_space<vmem>>, vector<16xf32>,
          tpu.vector_store %arg31[%swap3A_635], %sub3A_561 {strides = array<i32>} : memref<3200xf32, #tpu.memory_space<vmem>>, vector<16xf32>,
          %swap3A_637 = arith.index_cast %mul3A_556 : i32 to index
          %swap3A_638 = tpu.vector_load %arg32[%swap3A_637] {strides = array<i32>} : memref<3200xf32, #tpu.memory_space<vmem>>, vector<16xf32>,
          tpu.vector_store %arg32[%swap3A_637], %sub3A_566 {strides = array<i32>} : memref<3200xf32, #tpu.memory_space<vmem>>, vector<16xf32>,
          %swap3A_639 = arith.index_cast %mul3A_556 : i32 to index
          %swap3A_640 = tpu.vector_load %arg33[%swap3A_639] {strides = array<i32>} : memref<3200xf32, #tpu.memory_space<vmem>>, vector<16xf32>,
          tpu.vector_store %arg33[%swap3A_639], %sub3A_571 {strides = array<i32>} : memref<3200xf32, #tpu.memory_space<vmem>>, vector<16xf32>,
          %swap3A_641 = arith.index_cast %mul3A_556 : i32 to index
          %swap3A_642 = tpu.vector_load %arg34[%swap3A_641] {strides = array<i32>} : memref<3200xf32, #tpu.memory_space<vmem>>, vector<16xf32>,
          tpu.vector_store %arg34[%swap3A_641], %mul3A_606 {strides = array<i32>} : memref<3200xf32, #tpu.memory_space<vmem>>, vector<16xf32>,
          %swap3A_643 = arith.index_cast %mul3A_556 : i32 to index
          %swap3A_644 = tpu.vector_load %arg35[%swap3A_643] {strides = array<i32>} : memref<3200xf32, #tpu.memory_space<vmem>>, vector<16xf32>,
          tpu.vector_store %arg35[%swap3A_643], %add3A_634 {strides = array<i32>} : memref<3200xf32, #tpu.memory_space<vmem>>, vector<16xf32>,
          %scan3A_645 = arith.constant 6 : i32
          %scan3A_646 = arith.addi %scan3A_100, %scan3A_645 : i32
          %mul3A_647 = arith.constant 16 : i32
          %mul3A_648 = arith.muli %scan3A_646, %mul3A_647 : i32
          %get3A_649 = arith.index_cast %mul3A_648 : i32 to index
          %get3A_650 = tpu.vector_load %arg20[%get3A_649] {strides = array<i32>} : memref<3200xf32, #tpu.memory_space<vmem>>, vector<16xf32>,
          %get3A_651 = arith.index_cast %mul3A_648 : i32 to index
          %get3A_652 = tpu.vector_load %arg17[%get3A_651] {strides = array<i32>} : memref<3200xf32, #tpu.memory_space<vmem>>, vector<16xf32>,
          %sub3A_653 = arith.subf %get3A_650, %get3A_652 : vector<16xf32>
          %get3A_654 = arith.index_cast %mul3A_648 : i32 to index
          %get3A_655 = tpu.vector_load %arg21[%get3A_654] {strides = array<i32>} : memref<3200xf32, #tpu.memory_space<vmem>>, vector<16xf32>,
          %get3A_656 = arith.index_cast %mul3A_648 : i32 to index
          %get3A_657 = tpu.vector_load %arg18[%get3A_656] {strides = array<i32>} : memref<3200xf32, #tpu.memory_space<vmem>>, vector<16xf32>,
          %sub3A_658 = arith.subf %get3A_655, %get3A_657 : vector<16xf32>
          %get3A_659 = arith.index_cast %mul3A_648 : i32 to index
          %get3A_660 = tpu.vector_load %arg22[%get3A_659] {strides = array<i32>} : memref<3200xf32, #tpu.memory_space<vmem>>, vector<16xf32>,
          %get3A_661 = arith.index_cast %mul3A_648 : i32 to index
          %get3A_662 = tpu.vector_load %arg19[%get3A_661] {strides = array<i32>} : memref<3200xf32, #tpu.memory_space<vmem>>, vector<16xf32>,
          %sub3A_663 = arith.subf %get3A_660, %get3A_662 : vector<16xf32>
          %mul3A_664 = arith.mulf %sub3A_653, %sub3A_653 : vector<16xf32>
          %mul3A_665 = arith.mulf %sub3A_658, %sub3A_658 : vector<16xf32>
          %add3A_666 = arith.addf %mul3A_664, %mul3A_665 : vector<16xf32>
          %mul3A_667 = arith.mulf %sub3A_663, %sub3A_663 : vector<16xf32>
          %add3A_668 = arith.addf %add3A_666, %mul3A_667 : vector<16xf32>
          %max3A_669 = arith.constant 9.99999996E-13 : f32
          %max3A_670 = vector.broadcast %max3A_669 : f32 to vector<16xf32>
          %max3A_671 = arith.maximumf %add3A_668, %max3A_670 : vector<16xf32>
          %bitcast_convert_type3A_672 = tpu.bitcast %max3A_671 : vector<16xf32> -> vector<16xi32>
          %shift_right_arithmetic3A_673 = arith.constant 1 : i32
          %shift_right_arithmetic3A_674 = vector.broadcast %shift_right_arithmetic3A_673 : i32 to vector<16xi32>
          %shift_right_arithmetic3A_675 = arith.shrsi %bitcast_convert_type3A_672, %shift_right_arithmetic3A_674 : vector<16xi32>
          %sub3A_676 = arith.constant 1597463007 : i32
          %sub3A_677 = vector.broadcast %sub3A_676 : i32 to vector<16xi32>
          %sub3A_678 = arith.subi %sub3A_677, %shift_right_arithmetic3A_675 : vector<16xi32>
          %bitcast_convert_type3A_679 = tpu.bitcast %sub3A_678 : vector<16xi32> -> vector<16xf32>
          %mul3A_680 = arith.constant 5.000000e-01 : f32
          %mul3A_681 = vector.broadcast %mul3A_680 : f32 to vector<16xf32>
          %mul3A_682 = arith.mulf %mul3A_681, %max3A_671 : vector<16xf32>
          %mul3A_683 = arith.mulf %mul3A_682, %bitcast_convert_type3A_679 : vector<16xf32>
          %mul3A_684 = arith.mulf %mul3A_683, %bitcast_convert_type3A_679 : vector<16xf32>
          %sub3A_685 = arith.constant 1.500000e+00 : f32
          %sub3A_686 = vector.broadcast %sub3A_685 : f32 to vector<16xf32>
          %sub3A_687 = arith.subf %sub3A_686, %mul3A_684 : vector<16xf32>
          %mul3A_688 = arith.mulf %bitcast_convert_type3A_679, %sub3A_687 : vector<16xf32>
          %mul3A_689 = arith.constant 5.000000e-01 : f32
          %mul3A_690 = vector.broadcast %mul3A_689 : f32 to vector<16xf32>
          %mul3A_691 = arith.mulf %mul3A_690, %max3A_671 : vector<16xf32>
          %mul3A_692 = arith.mulf %mul3A_691, %mul3A_688 : vector<16xf32>
          %mul3A_693 = arith.mulf %mul3A_692, %mul3A_688 : vector<16xf32>
          %sub3A_694 = arith.constant 1.500000e+00 : f32
          %sub3A_695 = vector.broadcast %sub3A_694 : f32 to vector<16xf32>
          %sub3A_696 = arith.subf %sub3A_695, %mul3A_693 : vector<16xf32>
          %mul3A_697 = arith.mulf %mul3A_688, %sub3A_696 : vector<16xf32>
          %mul3A_698 = arith.mulf %max3A_671, %mul3A_697 : vector<16xf32>
          %mul3A_699 = arith.constant 4.000000e-02 : f32
          %mul3A_700 = vector.broadcast %mul3A_699 : f32 to vector<16xf32>
          %mul3A_701 = arith.mulf %add3A_668, %mul3A_700 : vector<16xf32>
          %min3A_702 = arith.constant 1.000000e+00 : f32
          %min3A_703 = vector.broadcast %min3A_702 : f32 to vector<16xf32>
          %min3A_704 = arith.minimumf %mul3A_701, %min3A_703 : vector<16xf32>
          %broadcast_in_dim3A_705 = arith.constant -0.010287134 : f32
          %broadcast_in_dim3A_706 = vector.broadcast %broadcast_in_dim3A_705 : f32 to vector<16xf32>
          %mul3A_707 = arith.mulf %broadcast_in_dim3A_706, %min3A_704 : vector<16xf32>
          %add3A_708 = arith.constant 0.114794284 : f32
          %add3A_709 = vector.broadcast %add3A_708 : f32 to vector<16xf32>
          %add3A_710 = arith.addf %mul3A_707, %add3A_709 : vector<16xf32>
          %mul3A_711 = arith.mulf %add3A_710, %min3A_704 : vector<16xf32>
          %add3A_712 = arith.constant -0.666126847 : f32
          %add3A_713 = vector.broadcast %add3A_712 : f32 to vector<16xf32>
          %add3A_714 = arith.addf %mul3A_711, %add3A_713 : vector<16xf32>
          %mul3A_715 = arith.mulf %add3A_714, %min3A_704 : vector<16xf32>
          %add3A_716 = arith.constant 2.02898383 : f32
          %add3A_717 = vector.broadcast %add3A_716 : f32 to vector<16xf32>
          %add3A_718 = arith.addf %mul3A_715, %add3A_717 : vector<16xf32>
          %mul3A_719 = arith.mulf %add3A_718, %min3A_704 : vector<16xf32>
          %add3A_720 = arith.constant -2.46736407 : f32
          %add3A_721 = vector.broadcast %add3A_720 : f32 to vector<16xf32>
          %add3A_722 = arith.addf %mul3A_719, %add3A_721 : vector<16xf32>
          %mul3A_723 = arith.mulf %add3A_722, %min3A_704 : vector<16xf32>
          %add3A_724 = arith.constant 0.999999105 : f32
          %add3A_725 = vector.broadcast %add3A_724 : f32 to vector<16xf32>
          %add3A_726 = arith.addf %mul3A_723, %add3A_725 : vector<16xf32>
          %swap3A_727 = arith.index_cast %mul3A_648 : i32 to index
          %swap3A_728 = tpu.vector_load %arg31[%swap3A_727] {strides = array<i32>} : memref<3200xf32, #tpu.memory_space<vmem>>, vector<16xf32>,
          tpu.vector_store %arg31[%swap3A_727], %sub3A_653 {strides = array<i32>} : memref<3200xf32, #tpu.memory_space<vmem>>, vector<16xf32>,
          %swap3A_729 = arith.index_cast %mul3A_648 : i32 to index
          %swap3A_730 = tpu.vector_load %arg32[%swap3A_729] {strides = array<i32>} : memref<3200xf32, #tpu.memory_space<vmem>>, vector<16xf32>,
          tpu.vector_store %arg32[%swap3A_729], %sub3A_658 {strides = array<i32>} : memref<3200xf32, #tpu.memory_space<vmem>>, vector<16xf32>,
          %swap3A_731 = arith.index_cast %mul3A_648 : i32 to index
          %swap3A_732 = tpu.vector_load %arg33[%swap3A_731] {strides = array<i32>} : memref<3200xf32, #tpu.memory_space<vmem>>, vector<16xf32>,
          tpu.vector_store %arg33[%swap3A_731], %sub3A_663 {strides = array<i32>} : memref<3200xf32, #tpu.memory_space<vmem>>, vector<16xf32>,
          %swap3A_733 = arith.index_cast %mul3A_648 : i32 to index
          %swap3A_734 = tpu.vector_load %arg34[%swap3A_733] {strides = array<i32>} : memref<3200xf32, #tpu.memory_space<vmem>>, vector<16xf32>,
          tpu.vector_store %arg34[%swap3A_733], %mul3A_698 {strides = array<i32>} : memref<3200xf32, #tpu.memory_space<vmem>>, vector<16xf32>,
          %swap3A_735 = arith.index_cast %mul3A_648 : i32 to index
          %swap3A_736 = tpu.vector_load %arg35[%swap3A_735] {strides = array<i32>} : memref<3200xf32, #tpu.memory_space<vmem>>, vector<16xf32>,
          tpu.vector_store %arg35[%swap3A_735], %add3A_726 {strides = array<i32>} : memref<3200xf32, #tpu.memory_space<vmem>>, vector<16xf32>,
          %scan3A_737 = arith.constant 7 : i32
          %scan3A_738 = arith.addi %scan3A_100, %scan3A_737 : i32
          %mul3A_739 = arith.constant 16 : i32
          %mul3A_740 = arith.muli %scan3A_738, %mul3A_739 : i32
          %get3A_741 = arith.index_cast %mul3A_740 : i32 to index
          %get3A_742 = tpu.vector_load %arg20[%get3A_741] {strides = array<i32>} : memref<3200xf32, #tpu.memory_space<vmem>>, vector<16xf32>,
          %get3A_743 = arith.index_cast %mul3A_740 : i32 to index
          %get3A_744 = tpu.vector_load %arg17[%get3A_743] {strides = array<i32>} : memref<3200xf32, #tpu.memory_space<vmem>>, vector<16xf32>,
          %sub3A_745 = arith.subf %get3A_742, %get3A_744 : vector<16xf32>
          %get3A_746 = arith.index_cast %mul3A_740 : i32 to index
          %get3A_747 = tpu.vector_load %arg21[%get3A_746] {strides = array<i32>} : memref<3200xf32, #tpu.memory_space<vmem>>, vector<16xf32>,
          %get3A_748 = arith.index_cast %mul3A_740 : i32 to index
          %get3A_749 = tpu.vector_load %arg18[%get3A_748] {strides = array<i32>} : memref<3200xf32, #tpu.memory_space<vmem>>, vector<16xf32>,
          %sub3A_750 = arith.subf %get3A_747, %get3A_749 : vector<16xf32>
          %get3A_751 = arith.index_cast %mul3A_740 : i32 to index
          %get3A_752 = tpu.vector_load %arg22[%get3A_751] {strides = array<i32>} : memref<3200xf32, #tpu.memory_space<vmem>>, vector<16xf32>,
          %get3A_753 = arith.index_cast %mul3A_740 : i32 to index
          %get3A_754 = tpu.vector_load %arg19[%get3A_753] {strides = array<i32>} : memref<3200xf32, #tpu.memory_space<vmem>>, vector<16xf32>,
          %sub3A_755 = arith.subf %get3A_752, %get3A_754 : vector<16xf32>
          %mul3A_756 = arith.mulf %sub3A_745, %sub3A_745 : vector<16xf32>
          %mul3A_757 = arith.mulf %sub3A_750, %sub3A_750 : vector<16xf32>
          %add3A_758 = arith.addf %mul3A_756, %mul3A_757 : vector<16xf32>
          %mul3A_759 = arith.mulf %sub3A_755, %sub3A_755 : vector<16xf32>
          %add3A_760 = arith.addf %add3A_758, %mul3A_759 : vector<16xf32>
          %max3A_761 = arith.constant 9.99999996E-13 : f32
          %max3A_762 = vector.broadcast %max3A_761 : f32 to vector<16xf32>
          %max3A_763 = arith.maximumf %add3A_760, %max3A_762 : vector<16xf32>
          %bitcast_convert_type3A_764 = tpu.bitcast %max3A_763 : vector<16xf32> -> vector<16xi32>
          %shift_right_arithmetic3A_765 = arith.constant 1 : i32
          %shift_right_arithmetic3A_766 = vector.broadcast %shift_right_arithmetic3A_765 : i32 to vector<16xi32>
          %shift_right_arithmetic3A_767 = arith.shrsi %bitcast_convert_type3A_764, %shift_right_arithmetic3A_766 : vector<16xi32>
          %sub3A_768 = arith.constant 1597463007 : i32
          %sub3A_769 = vector.broadcast %sub3A_768 : i32 to vector<16xi32>
          %sub3A_770 = arith.subi %sub3A_769, %shift_right_arithmetic3A_767 : vector<16xi32>
          %bitcast_convert_type3A_771 = tpu.bitcast %sub3A_770 : vector<16xi32> -> vector<16xf32>
          %mul3A_772 = arith.constant 5.000000e-01 : f32
          %mul3A_773 = vector.broadcast %mul3A_772 : f32 to vector<16xf32>
          %mul3A_774 = arith.mulf %mul3A_773, %max3A_763 : vector<16xf32>
          %mul3A_775 = arith.mulf %mul3A_774, %bitcast_convert_type3A_771 : vector<16xf32>
          %mul3A_776 = arith.mulf %mul3A_775, %bitcast_convert_type3A_771 : vector<16xf32>
          %sub3A_777 = arith.constant 1.500000e+00 : f32
          %sub3A_778 = vector.broadcast %sub3A_777 : f32 to vector<16xf32>
          %sub3A_779 = arith.subf %sub3A_778, %mul3A_776 : vector<16xf32>
          %mul3A_780 = arith.mulf %bitcast_convert_type3A_771, %sub3A_779 : vector<16xf32>
          %mul3A_781 = arith.constant 5.000000e-01 : f32
          %mul3A_782 = vector.broadcast %mul3A_781 : f32 to vector<16xf32>
          %mul3A_783 = arith.mulf %mul3A_782, %max3A_763 : vector<16xf32>
          %mul3A_784 = arith.mulf %mul3A_783, %mul3A_780 : vector<16xf32>
          %mul3A_785 = arith.mulf %mul3A_784, %mul3A_780 : vector<16xf32>
          %sub3A_786 = arith.constant 1.500000e+00 : f32
          %sub3A_787 = vector.broadcast %sub3A_786 : f32 to vector<16xf32>
          %sub3A_788 = arith.subf %sub3A_787, %mul3A_785 : vector<16xf32>
          %mul3A_789 = arith.mulf %mul3A_780, %sub3A_788 : vector<16xf32>
          %mul3A_790 = arith.mulf %max3A_763, %mul3A_789 : vector<16xf32>
          %mul3A_791 = arith.constant 4.000000e-02 : f32
          %mul3A_792 = vector.broadcast %mul3A_791 : f32 to vector<16xf32>
          %mul3A_793 = arith.mulf %add3A_760, %mul3A_792 : vector<16xf32>
          %min3A_794 = arith.constant 1.000000e+00 : f32
          %min3A_795 = vector.broadcast %min3A_794 : f32 to vector<16xf32>
          %min3A_796 = arith.minimumf %mul3A_793, %min3A_795 : vector<16xf32>
          %broadcast_in_dim3A_797 = arith.constant -0.010287134 : f32
          %broadcast_in_dim3A_798 = vector.broadcast %broadcast_in_dim3A_797 : f32 to vector<16xf32>
          %mul3A_799 = arith.mulf %broadcast_in_dim3A_798, %min3A_796 : vector<16xf32>
          %add3A_800 = arith.constant 0.114794284 : f32
          %add3A_801 = vector.broadcast %add3A_800 : f32 to vector<16xf32>
          %add3A_802 = arith.addf %mul3A_799, %add3A_801 : vector<16xf32>
          %mul3A_803 = arith.mulf %add3A_802, %min3A_796 : vector<16xf32>
          %add3A_804 = arith.constant -0.666126847 : f32
          %add3A_805 = vector.broadcast %add3A_804 : f32 to vector<16xf32>
          %add3A_806 = arith.addf %mul3A_803, %add3A_805 : vector<16xf32>
          %mul3A_807 = arith.mulf %add3A_806, %min3A_796 : vector<16xf32>
          %add3A_808 = arith.constant 2.02898383 : f32
          %add3A_809 = vector.broadcast %add3A_808 : f32 to vector<16xf32>
          %add3A_810 = arith.addf %mul3A_807, %add3A_809 : vector<16xf32>
          %mul3A_811 = arith.mulf %add3A_810, %min3A_796 : vector<16xf32>
          %add3A_812 = arith.constant -2.46736407 : f32
          %add3A_813 = vector.broadcast %add3A_812 : f32 to vector<16xf32>
          %add3A_814 = arith.addf %mul3A_811, %add3A_813 : vector<16xf32>
          %mul3A_815 = arith.mulf %add3A_814, %min3A_796 : vector<16xf32>
          %add3A_816 = arith.constant 0.999999105 : f32
          %add3A_817 = vector.broadcast %add3A_816 : f32 to vector<16xf32>
          %add3A_818 = arith.addf %mul3A_815, %add3A_817 : vector<16xf32>
          %swap3A_819 = arith.index_cast %mul3A_740 : i32 to index
          %swap3A_820 = tpu.vector_load %arg31[%swap3A_819] {strides = array<i32>} : memref<3200xf32, #tpu.memory_space<vmem>>, vector<16xf32>,
          tpu.vector_store %arg31[%swap3A_819], %sub3A_745 {strides = array<i32>} : memref<3200xf32, #tpu.memory_space<vmem>>, vector<16xf32>,
          %swap3A_821 = arith.index_cast %mul3A_740 : i32 to index
          %swap3A_822 = tpu.vector_load %arg32[%swap3A_821] {strides = array<i32>} : memref<3200xf32, #tpu.memory_space<vmem>>, vector<16xf32>,
          tpu.vector_store %arg32[%swap3A_821], %sub3A_750 {strides = array<i32>} : memref<3200xf32, #tpu.memory_space<vmem>>, vector<16xf32>,
          %swap3A_823 = arith.index_cast %mul3A_740 : i32 to index
          %swap3A_824 = tpu.vector_load %arg33[%swap3A_823] {strides = array<i32>} : memref<3200xf32, #tpu.memory_space<vmem>>, vector<16xf32>,
          tpu.vector_store %arg33[%swap3A_823], %sub3A_755 {strides = array<i32>} : memref<3200xf32, #tpu.memory_space<vmem>>, vector<16xf32>,
          %swap3A_825 = arith.index_cast %mul3A_740 : i32 to index
          %swap3A_826 = tpu.vector_load %arg34[%swap3A_825] {strides = array<i32>} : memref<3200xf32, #tpu.memory_space<vmem>>, vector<16xf32>,
          tpu.vector_store %arg34[%swap3A_825], %mul3A_790 {strides = array<i32>} : memref<3200xf32, #tpu.memory_space<vmem>>, vector<16xf32>,
          %swap3A_827 = arith.index_cast %mul3A_740 : i32 to index
          %swap3A_828 = tpu.vector_load %arg35[%swap3A_827] {strides = array<i32>} : memref<3200xf32, #tpu.memory_space<vmem>>, vector<16xf32>,
          tpu.vector_store %arg35[%swap3A_827], %add3A_818 {strides = array<i32>} : memref<3200xf32, #tpu.memory_space<vmem>>, vector<16xf32>,
        }
        %scan3A_87 = arith.constant 200 : i32
        %add3A_88 = arith.addi %add3A_10, %sub3A_82 : i32
        %mul3A_89 = arith.constant 3200 : i32
        %mul3A_90 = arith.muli %add3A_88, %mul3A_89 : i32
        %dma_start3A = tpu.memref_slice %arg7[%mul3A_90] : memref<6400000xf32, #tpu.memory_space<hbm>> -> memref<3200xf32, #tpu.memory_space<hbm>>
        %dma_start3A_91 = tpu.memref_slice %arg7[%mul3A_90] : memref<6400000xf32, #tpu.memory_space<hbm>> -> memref<3200xf32, #tpu.memory_space<hbm>>
        tpu.enqueue_dma source(%arg31 : memref<3200xf32, #tpu.memory_space<vmem>>) target(%dma_start3A_91 : memref<3200xf32, #tpu.memory_space<hbm>>) target_semaphore(%arg43 : memref<!tpu.dma_semaphore, #tpu.memory_space<semaphore_mem>>)
        %dma_start3A_92 = tpu.memref_slice %arg8[%mul3A_90] : memref<6400000xf32, #tpu.memory_space<hbm>> -> memref<3200xf32, #tpu.memory_space<hbm>>
        %dma_start3A_93 = tpu.memref_slice %arg8[%mul3A_90] : memref<6400000xf32, #tpu.memory_space<hbm>> -> memref<3200xf32, #tpu.memory_space<hbm>>
        tpu.enqueue_dma source(%arg32 : memref<3200xf32, #tpu.memory_space<vmem>>) target(%dma_start3A_93 : memref<3200xf32, #tpu.memory_space<hbm>>) target_semaphore(%arg43 : memref<!tpu.dma_semaphore, #tpu.memory_space<semaphore_mem>>)
        %dma_start3A_94 = tpu.memref_slice %arg9[%mul3A_90] : memref<6400000xf32, #tpu.memory_space<hbm>> -> memref<3200xf32, #tpu.memory_space<hbm>>
        %dma_start3A_95 = tpu.memref_slice %arg9[%mul3A_90] : memref<6400000xf32, #tpu.memory_space<hbm>> -> memref<3200xf32, #tpu.memory_space<hbm>>
        tpu.enqueue_dma source(%arg33 : memref<3200xf32, #tpu.memory_space<vmem>>) target(%dma_start3A_95 : memref<3200xf32, #tpu.memory_space<hbm>>) target_semaphore(%arg43 : memref<!tpu.dma_semaphore, #tpu.memory_space<semaphore_mem>>)
        %dma_start3A_96 = tpu.memref_slice %arg10[%mul3A_90] : memref<6400000xf32, #tpu.memory_space<hbm>> -> memref<3200xf32, #tpu.memory_space<hbm>>
        %dma_start3A_97 = tpu.memref_slice %arg10[%mul3A_90] : memref<6400000xf32, #tpu.memory_space<hbm>> -> memref<3200xf32, #tpu.memory_space<hbm>>
        tpu.enqueue_dma source(%arg34 : memref<3200xf32, #tpu.memory_space<vmem>>) target(%dma_start3A_97 : memref<3200xf32, #tpu.memory_space<hbm>>) target_semaphore(%arg43 : memref<!tpu.dma_semaphore, #tpu.memory_space<semaphore_mem>>)
        %dma_start3A_98 = tpu.memref_slice %arg11[%mul3A_90] : memref<6400000xf32, #tpu.memory_space<hbm>> -> memref<3200xf32, #tpu.memory_space<hbm>>
        %dma_start3A_99 = tpu.memref_slice %arg11[%mul3A_90] : memref<6400000xf32, #tpu.memory_space<hbm>> -> memref<3200xf32, #tpu.memory_space<hbm>>
        tpu.enqueue_dma source(%arg35 : memref<3200xf32, #tpu.memory_space<vmem>>) target(%dma_start3A_99 : memref<3200xf32, #tpu.memory_space<hbm>>) target_semaphore(%arg43 : memref<!tpu.dma_semaphore, #tpu.memory_space<semaphore_mem>>)
      } else {
      }
    }
    %scan3A_14 = arith.constant 34 : i32
    return
  }
}

</mosaic_0001>

<sc_bundles>
// kernel: kernel.3.cloned.1.call-start
scs
__scs_entry_jumppad:
0x0: {  	(pc) =	sbr.rel $0x88, $3  }
0x1: {  	(tag) =	ssettag $0x0;
	lr =	simm.s32 $0x1  }
0x2: {  	[smem:$0x3F9E] =	sst lr;
	_ =	strace $0xD0000000  }
0x3: {  	_ = 	snop  }
0x4: {  	_ = 	snop  }
0x5: {  	_ = 	snop  }
0x6: {  	_ = 	snop  }
0x7: {  	_ = 	snop  }
__scs_overlays_trampoline_lowered:
0x8: {  	[smem:$0x3FAD] =	sst s0  }
0x9: {  	[smem:$0x3FAE] =	sst s1  }
0xa: {  	[smem:$0x3FAF] =	sst s2  }
0xb: {  	[smem:$0x3FB0] =	sst s3  }
0xc: {  	[smem:$0x3FB1] =	sst s4  }
0xd: {  	[smem:$0x3FB2] =	sst s5  }
0xe: {  	[smem:$0x3FB3] =	sst s6  }
0xf: {  	[smem:$0x3FB4] =	sst s7  }
0x10: {  	[smem:$0x3FB5] =	sst s8  }
0x11: {  	[smem:$0x3FB6] =	sst s9;
	s0 =	simm.s32 @!p0 $0x0  }
0x12: {  	s1 =	sld [smem:$0x3F9C];
	s0 =	simm.s32 @p0 $0x1  }
0x13: {  	[smem:$0x3FB7] =	sst s0;
	s0 =	simm.s32 @!p1 $0x0  }
0x14: {  	s2 =	sld [smem:$0x3F9B];
	s0 =	simm.s32 @p1 $0x1  }
0x15: {  	[smem:$0x3FB8] =	sst s0;
	s0 =	simm.s32 @!p2 $0x0  }
0x16: {  	s3 =	sld [smem:$0x3FDB];
	s0 =	simm.s32 @p2 $0x1  }
0x17: {  	s4 =	simm.s32 $0x1BF5;
	[smem:$0x3FBA] =	sst s0  }
0x18: {  	s0 =	sld [smem:$0x3F9D];
	_ =	swait.ge [sflag:s4], $0x0  }
0x19: {  	s7 =	sld [smem:$0x3F9E]  }
0x1a: {  	s8 =	sadd.s32 $0xFFFFE003, lr  }
0x1b: {  	s9 =	sadd.s32 $0xFFFFFEF7, lr;
	s5 =	simm.s32 $0xFFFFFFFF;
	p2 =	slt.u32 s8, $0xFFFFF086  }
0x1c: {  	p1 =	slt.u32 s9, $0xF7A;
	s5 =	simm.s32 @!p2 $0x0  }
0x1d: {  	s5 =	simm.s32 @p1 $0x1;
	p0 =	seq.s32 s7, s2  }
0x1e: {  	s7 =	smul.u32 @!p0 $0xF7A, s2;
	p2 =	seq.s32 @!p0 s5, $0x0  }
0x1f: {  	s9 =	smul.u32 $0xF7A, s1;
	s8 =	simm.s32 @!p0 $0x1BF5;
	p2 =	por !p2, p0  }
0x20: {  	[sflag:s8] =	ssyncset.s32 @!p0 $0xFFFFF086;
	s6 =	sadd.s32 @!p0 s3, s7;
	s7 =	simm.s32 @!p0 $0x108  }
0x21: {  	s3 =	sadd.s32 s3, s9;
	s6 =	sadd.s32 @!p0 $0x88, s6;
	s7 =	simm.s32 @p2 $0x1082  }
0x22: {  	[simem:s7], [sflag:s8] =	dma.local @!p0 [hbm:s6], $0xF7A  }
0x23: {  	s9 =	sor.u32 $0xD0000000, s2;
	s6 =	simm.s32 $0x108;
	_ =	swait.ge @!p0 [sflag:s8], $0x0  }
0x24: {  	s3 =	sadd.s32 $0x88, s3;
	s6 =	simm.s32 @!p1 $0x1082;
	[sflag:s4] =	ssyncset.s32 $0xFFFFF086  }
0x25: {  	[simem:s6], [sflag:s4] =	dma.local [hbm:s3], $0xF7A  }
0x26: {  	[smem:$0x3F9E] =	sst s1;
	(tag) =	ssettag s2;
	_ =	strace s9  }
0x27: {  	s1 =	sld [smem:$0x3FAE]  }
0x28: {  	s2 =	sld [smem:$0x3FAF]  }
0x29: {  	s4 =	sld [smem:$0x3FB1]  }
0x2a: {  	p0 =	seq.s32 s5, $0x0;
	s5 =	sld [smem:$0x3FB2]  }
0x2b: {  	s6 =	sld [smem:$0x3FB3]  }
0x2c: {  	s7 =	sld [smem:$0x3FB4]  }
0x2d: {  	s3 =	simm.s32 $0x108;
	s8 =	sld [smem:$0x3FB5]  }
0x2e: {  	s3 =	simm.s32 @!p0 $0x1082;
	s9 =	sld [smem:$0x3FB6]  }
0x2f: {  	lr =	sadd.s32 s0, s3;
	s0 =	sld [smem:$0x3FAD]  }
0x30: {  	s3 =	sld [smem:$0x3FB0]  }
0x31: {  	[smem:$0x3FB9] =	sst s10  }
0x32: {  	s10 =	sld [smem:$0x3FB7];
	_ =	sdelay $0x3  }
0x33: {  	p0 =	seq.s32 s10, $0x1;
	s10 =	sld [smem:$0x3FB9];
	_ =	sdelay $0x3  }
0x34: {  	[smem:$0x3FB9] =	sst s10  }
0x35: {  	s10 =	sld [smem:$0x3FB8];
	_ =	sdelay $0x3  }
0x36: {  	p1 =	seq.s32 s10, $0x1;
	s10 =	sld [smem:$0x3FB9];
	_ =	sdelay $0x3  }
0x37: {  	[smem:$0x3FB9] =	sst s10  }
0x38: {  	s10 =	sld [smem:$0x3FBA]  }
0x39: {  	_ = 	snop;
	(pc) =	sbr.ind lr, $3  }
0x3a: {  	_ = 	snop  }
0x3b: {  	_ = 	snop  }
0x3c: {  	p2 =	seq.s32 s10, $0x1;
	s10 =	sld [smem:$0x3FB9]  }
0x3d: {  	_ =	shalt  }
0x3e: {  	_ =	shalt  }
0x3f: {  	_ =	shalt  }
0x40: {  	_ =	shalt  }
0x41: {  	_ =	shalt  }
0x42: {  	_ =	shalt  }
0x43: {  	_ =	shalt  }
0x44: {  	_ =	shalt  }
0x45: {  	_ =	shalt  }
0x46: {  	_ =	shalt  }
0x47: {  	_ =	shalt  }
0x48: {  	_ =	shalt  }
0x49: {  	_ =	shalt  }
0x4a: {  	_ =	shalt  }
0x4b: {  	_ =	shalt  }
0x4c: {  	_ =	shalt  }
0x4d: {  	_ =	shalt  }
0x4e: {  	_ =	shalt  }
0x4f: {  	_ =	shalt  }
0x50: {  	_ =	shalt  }
0x51: {  	_ =	shalt  }
0x52: {  	_ =	shalt  }
0x53: {  	_ =	shalt  }
0x54: {  	_ =	shalt  }
0x55: {  	_ =	shalt  }
0x56: {  	_ =	shalt  }
0x57: {  	_ =	shalt  }
0x58: {  	_ =	shalt  }
0x59: {  	_ =	shalt  }
0x5a: {  	_ =	shalt  }
0x5b: {  	_ =	shalt  }
0x5c: {  	_ =	shalt  }
0x5d: {  	_ =	shalt  }
0x5e: {  	_ =	shalt  }
0x5f: {  	_ =	shalt  }
0x60: {  	_ =	shalt  }
0x61: {  	_ =	shalt  }
0x62: {  	_ =	shalt  }
0x63: {  	_ =	shalt  }
0x64: {  	_ =	shalt  }
0x65: {  	_ =	shalt  }
0x66: {  	_ =	shalt  }
0x67: {  	_ =	shalt  }
0x68: {  	_ =	shalt  }
0x69: {  	_ =	shalt  }
0x6a: {  	_ =	shalt  }
0x6b: {  	_ =	shalt  }
0x6c: {  	_ =	shalt  }
0x6d: {  	_ =	shalt  }
0x6e: {  	_ =	shalt  }
0x6f: {  	_ =	shalt  }
0x70: {  	_ =	shalt  }
0x71: {  	_ =	shalt  }
0x72: {  	_ =	shalt  }
0x73: {  	_ =	shalt  }
0x74: {  	_ =	shalt  }
0x75: {  	_ =	shalt  }
0x76: {  	_ =	shalt  }
0x77: {  	_ =	shalt  }
0x78: {  	_ =	shalt  }
0x79: {  	_ =	shalt  }
0x7a: {  	_ =	shalt  }
0x7b: {  	_ =	shalt  }
0x7c: {  	_ =	shalt  }
0x7d: {  	_ =	shalt  }
0x7e: {  	_ =	shalt  }
0x7f: {  	_ =	shalt  }
0x80: {  	_ =	shalt  }
0x81: {  	_ =	shalt  }
0x82: {  	_ =	shalt  }
0x83: {  	_ =	shalt  }
0x84: {  	_ =	shalt  }
0x85: {  	_ =	shalt  }
0x86: {  	_ =	shalt  }
0x87: {  	_ =	shalt  }
.Lfunc_end0:
.L_simem_size_0:
called_computation_lowered:
.L_overlay_start_0:
0x88: {  	s2 =	sld [smem:$0x3FD9]  }
0x89: {  	s3 =	sld [smem:$0x3FFE];
	_ =	sdelay $0x1  }
0x8a: {  	s1 =	srdreg.scid  }
0x8b: {  	s0 =	sand.u32 $0x1, s1  }
0x8c: {  	s14 =	sshll.u32 s0, $0xA;
	s2 =	sadd.s32 s3, s2  }
0x8d: {  	s2 =	sadd.s32 s2, s14  }
0x8e: {  	[smem:$0x3FC5] =	sst s2  }
0x8f: {  	_ = 	snop  }
0x90: {  	s2 =	sld [smem:$0x3FD0];
	_ =	sdelay $0x1  }
0x91: {  	s15 =	sld [smem:$0x3FC8]  }
0x92: {  	s5 =	simm.s32 $0xA;
	s6 =	simm.s32 $0x10;
	s4 =	sld [smem:$0x3FC7]  }
0x93: {  	[smem:s6], [sflag:s5] =	dma.local [hbm:s2], $0x1  }
0x94: {  	_ =	swait.eq [sflag:s5], $0x1  }
0x95: {  	s16 =	sld [smem:$0x10]  }
0x96: {  	s17 =	sld [smem:$0x11];
	[sflag:s5] =	ssyncset.done $0x0  }
0x97: {  	s7 =	sld [smem:$0x12];
	[sflag:s5] =	ssyncadd.s32 $0xFFFFFFFF  }
0x98: {  	s18 =	sld [smem:$0x13];
	(tm) =	ssettm $0x1  }
0x99: {  	s8 =	sld [smem:$0x3FFB];
	_ =	sdelay $0x3  }
0x9a: {  	_ =	strace s8  }
0x9b: {  	s8 =	sld [smem:$0x3FFC];
	_ =	sdelay $0x3  }
0x9c: {  	_ =	strace s8  }
0x9d: {  	s8 =	sld [smem:$0x3FFD];
	_ =	sdelay $0x3  }
0x9e: {  	_ =	strace s8  }
0x9f: {  	_ =	strace $0x8FFFFFFF  }
0xa0: {  	s19 =	sld [smem:$0x3FDB];
	_ =	sdelay $0x1  }
0xa1: {  	s9 =	simm.s32 $_scs_section_size  }
0xa2: {  	s10 =	simm.s32 $_size__tile_overlayer_lowered;
	s11 =	simm.s32 $_tile_overlayer_lowered  }
0xa3: {  	s22 =	simm.s32 $0x1BFF;
	s21 =	sshll.u32 s11, $0x1;
	s8 =	sadd.s32 s9, s19  }
0xa4: {  	s12 =	simm.s32 $0x0;
	s20 =	sshll.u32 s10, $0x1;
	s10 =	sadd.s32 s21, s8  }
0xa5: {  	[timem:s12], [sflag:s22] =	dma.local [hbm:s10], s20  }
0xa6: {  	_ =	swait.ge [sflag:s22], s20  }
0xa7: {  	s9 =	ssub.s32 $0x0, s20;
	[sflag:s22] =	ssyncset.done $0x0  }
0xa8: {  	[sflag:s22] =	ssyncadd.s32 s9;
	_ =	sdelay $0x1  }
0xa9: {  	s23 =	simm.s32 $0x1B8B  }
0xaa: {  	_ =	swait.ge [sflag:s23], $0x1  }
0xab: {  	[sflag:s23] =	ssyncset.done $0x0  }
0xac: {  	s25 =	simm.s32 $0x1B8E;
	s24 =	sld [smem:$0x3FFE];
	[sflag:s23] =	ssyncadd.s32 $0xFFFFFFFF  }
0xad: {  	s26 =	simm.s32 $execute0_lowered;
	[smem:$0x3FD2] =	sst s25  }
0xae: {  	s10 =	sshll.u32 s26, $0x1;
	_ =	strace $0x80000046;
	[dreg:$0x1] =	wrdreg $0xFFFFFFFF  }
0xaf: {  	s28 =	simm.s32 $_size_execute0_lowered;
	s8 =	sadd.s32 s8, s10;
	[dreg:$0x0] =	wrdreg $0x0  }
0xb0: {  	s10 =	sshll.u32 s28, $0x1;
	[dreg:$0x2] =	wrdreg s8  }
0xb1: {  	[dreg:$0x3] =	wrdreg s10  }
0xb2: {  	[dreg:$0x4] =	wrdreg $0xC0  }
0xb3: {  	_ =	task [dreg:s12], $0x5FFFF  }
0xb4: {  	[dreg:$0x1] =	wrdreg $0xFFFFFFFF  }
0xb5: {  	[dreg:$0x0] =	wrdreg $0x60  }
0xb6: {  	[dreg:$0x2] =	wrdreg s24  }
0xb7: {  	[dreg:$0x3] =	wrdreg s18  }
0xb8: {  	[dreg:$0x4] =	wrdreg s15  }
0xb9: {  	[dreg:$0x5] =	wrdreg s4  }
0xba: {  	[dreg:$0x6] =	wrdreg s16  }
0xbb: {  	[dreg:$0x7] =	wrdreg s17  }
0xbc: {  	[dreg:$0x8] =	wrdreg s7  }
0xbd: {  	[dreg:$0x9] =	wrdreg $0x0  }
0xbe: {  	[dreg:$0xa] =	wrdreg $0x18700  }
0xbf: {  	[dreg:$0xb] =	wrdreg $0x30E00  }
0xc0: {  	[dreg:$0xc] =	wrdreg $0x9  }
0xc1: {  	_ =	task.clear_ibuf [dreg:s12], $0xDFFFF;
	_ =	strace $0x90000046  }
0xc2: {  	s29 =	simm.s32 $0x9;
	_ =	strace $0x80000048  }
0xc3: {  	_ =	swait.ge [sflag:s29], $0x1  }
0xc4: {  	[sflag:s29] =	ssyncadd.s32 $0xFFFFFFFF  }
0xc5: {  	_ =	strace $0x90000048  }
0xc6: {  	_ =	sfence  }
0xc7: {  	s30 =	sld [smem:$0x0];
	_ =	sdelay $0x2  }
0xc8: {  	s31 =	sshll.u32 s1, $0xD;
	s1 =	sshrl.u32 s1, $0x2  }
0xc9: {  	s3 =	sand.u32 $0x4000, s31;
	s1 =	sadd.s32 s1, s30  }
0xca: {  	s0 =	sor.u32 s3, s0;
	s1 =	sshll.u32 s1, $0x11  }
0xcb: {  	s0 =	sor.u32 s1, s0  }
0xcc: {  	s0 =	sadd.s32 $0x8F2B, s0  }
0xcd: {  	[sflag:s0] =	ssyncadd.remote.s32 $0x1  }
0xce: {  	_ =	sfence.sel $0xFFFF  }
0xcf: {  	[dreg:$0x0] =	wrdreg $0xFFFFFFFF;
	(pc) =	sbr.abs _section_cstart, $3  }
0xd0: {  	[dreg:$0x1] =	wrdreg $0xFFFFFFFF  }
0xd1: {  	_ =	task.clear_ibuf [dreg:s12], $0x2FFFF;
	_ =	strace $0x9FFFFFFF  }
0xd2: {  	(tm) =	ssettm $0x7FFFFFFF  }
0xd3: {  	_ =	shalt  }
tec
execute0_lowered:
.L_overlay_start_1:
0x0: {  	(tag) =	ssettag $0x1  }
0x1: {  	s14 =	rddreg [dreg:$0x0]  }
0x2: {  	s2 =	rddreg [dreg:$0x2]  }
0x3: {  	s3 =	rddreg [dreg:$0x3]  }
0x4: {  	s4 =	rddreg [dreg:$0x4]  }
0x5: {  	s6 =	rddreg [dreg:$0x5]  }
0x6: {  	s7 =	rddreg [dreg:$0x6]  }
0x7: {  	s8 =	rddreg [dreg:$0x7]  }
0x8: {  	s9 =	rddreg [dreg:$0x8]  }
0x9: {  	s10 =	rddreg [dreg:$0x9];
	s11 =	simm.s32 $0x0;
	s0 =	srdreg.scid  }
0xa: {  	s25 =	stileid.u32;
	s16 =	simm.s32 $0x40;
	s23 =	simm.s32 $0x2  }
0xb: {  	s24 =	simm.s32 $0x14FD0;
	s28 =	simm.s32 $0x17550;
	s29 =	simm.s32 $0x181D0  }
0xc: {  	s30 =	simm.s32 $0x1;
	[smem:$0x7FF] =	sst s11;
	s0 =	sand.u32 $0x1, s0  }
0xd: {  	s1 =	sadd.s32 $0x3200, s14;
	s13 =	sadd.s32 $0x6400, s14;
	s15 =	sshll.u32 s25, $0x1  }
0xe: {  	s14 =	sadd.s32 $0xC9A00, s14;
	p0 =	slt.u32 s25, $0x8;
	_ =	strace $0x80000047  }
0xf: {  	[dreg:$0xb] =	wrdreg s1;
	s5 =	ssub.s32 $0x2, s0;
	s0 =	sor.u32 s0, s15  }
0x10: {  	s15 =	simm.s32 $0x3F;
	s16 =	simm.s32 @!p0 $0x3F;
	s12 =	sshrl.u32 s5, $0x1  }
0x11: {  	s26 =	smul.u32 $0x3E, s0;
	s15 =	simm.s32 @!p0 $0x3E;
	s0 =	smin.u32 s0, $0x10  }
0x12: {  	p0 =	sne.s32 s25, $0x0;
	s25 =	simm.s32 $0x15C50;
	s5 =	ssub.s32 s5, s12  }
.Ltmp0:
0x13: {  	s12 =	simm.s32 $0x14350;
	s31 =	smax.u32 s5, $0x1;
	(pc) =	sbr.rel .LBB2_1-.Ltmp0, $4  }
0x14: {  	s17 =	sadd.s32 s0, s26;
	s0 =	sshrl.u32 @!p0 s8, $0x3;
	[dreg:$0xc] =	wrdreg s31  }
0x15: {  	s26 =	simm.s32 $0x168D0;
	[dreg:$0xd] =	wrdreg s0;
	s0 =	sshrl.u32 @!p0 s9, $0x3  }
0x16: {  	s5 =	simm.s32 $0x0;
	[dreg:$0xe] =	wrdreg s0;
	s0 =	sshrl.u32 @!p0 s10, $0x3  }
0x17: {  	s18 =	sadd.s32 $0xFFFFFFFF, s17;
	[dreg:$0xf] =	wrdreg s0;
	s0 =	simm.s32 $0x136D0  }
.LBB2_11:
0x18: {  	s5 =	rddreg [dreg:$0x10]  }
0x19: {  	s1 =	rddreg [dreg:$0xc];
	s5 =	sadd.s32 $0x1, s5  }
0x1a: {  	p1 =	sne.s32 s5, s1  }
.Ltmp1:
0x1b: {  	_ = 	snop;
	(pc) =	sbr.rel @!p1 .LBB2_12-.Ltmp1, $1  }
0x1c: {  	_ =	sdelay $0x3  }
.LBB2_1:
0x1d: {  	[dreg:$0x10] =	wrdreg s5  }
0x1e: {  	s1 =	rddreg [dreg:$0xb]  }
0x1f: {  	s5 =	simm.s32 @!p0 $0x1C05;
	s19 =	rddreg [dreg:$0xd]  }
0x20: {  	[spmem:s19], [sflag:s5] =	dma.local @!p0 [hbm:s1], $0x30E0  }
0x21: {  	s1 =	rddreg [dreg:$0x0]  }
0x22: {  	s19 =	rddreg [dreg:$0xe]  }
0x23: {  	[spmem:s19], [sflag:s5] =	dma.local @!p0 [hbm:s1], $0x30E0  }
0x24: {  	s1 =	rddreg [dreg:$0x1]  }
0x25: {  	s19 =	rddreg [dreg:$0xf]  }
0x26: {  	[spmem:s19], [sflag:s5] =	dma.local @!p0 [hbm:s1], $0x30E0  }
0x27: {  	s5 =	simm.s32 @!p0 $0x5  }
0x28: {  	_ =	swait.ge @!p0 [sflag:s5], $0x30E0  }
0x29: {  	[sflag:s5] =	ssyncset.done @!p0 $0x0  }
0x2a: {  	[sflag:s5] =	ssyncadd.s32 @!p0 $0xFFFFCF20  }
0x2b: {  	_ =	swait.ge @!p0 [sflag:s5], $0x30E0  }
0x2c: {  	[sflag:s5] =	ssyncset.done @!p0 $0x0  }
0x2d: {  	[sflag:s5] =	ssyncadd.s32 @!p0 $0xFFFFCF20  }
.Ltmp2:
0x2e: {  	_ =	swait.ge @!p0 [sflag:s5], $0x30E0;
	(pc) =	sbr.rel .LBB2_2-.Ltmp2, $4  }
0x2f: {  	[sflag:s5] =	ssyncset.done @!p0 $0x0  }
0x30: {  	[sflag:s5] =	ssyncadd.s32 @!p0 $0xFFFFCF20  }
0x31: {  	[bflag:$0x0] =	sbarrier.arrive $0xFFFF  }
0x32: {  	s20 =	simm.s32 $0x0  }
.LBB2_10:
0x33: {  	s20 =	sadd.s32 $0x1, s20  }
0x34: {  	p1 =	sne.s32 s20, $0x22  }
.Ltmp3:
0x35: {  	_ = 	snop;
	(pc) =	sbr.rel @!p1 .LBB2_11-.Ltmp3, $1  }
0x36: {  	_ =	sdelay $0x3  }
.LBB2_2:
0x37: {  	s21 =	sshll.u32 s20, $0x1;
	p2 =	seq.s32 s20, $0x0  }
0x38: {  	p1 =	sgt.u32 @!p2 s21, s16  }
0x39: {  	p3 =	por p1, p2  }
0x3a: {  	s5 =	simm.s32 @!p3 $0x3  }
0x3b: {  	_ =	swait.ge @!p3 [sflag:s5], $0xC80  }
0x3c: {  	[sflag:s5] =	ssyncset.done @!p3 $0x0  }
0x3d: {  	[sflag:s5] =	ssyncadd.s32 @!p3 $0xFFFFF380  }
0x3e: {  	_ =	swait.ge @!p3 [sflag:s5], $0xC80  }
0x3f: {  	[sflag:s5] =	ssyncset.done @!p3 $0x0  }
0x40: {  	[sflag:s5] =	ssyncadd.s32 @!p3 $0xFFFFF380  }
0x41: {  	_ =	swait.ge @!p3 [sflag:s5], $0xC80  }
0x42: {  	[sflag:s5] =	ssyncset.done @!p3 $0x0  }
0x43: {  	[sflag:s5] =	ssyncadd.s32 @!p3 $0xFFFFF380  }
0x44: {  	_ =	swait.ge @!p3 [sflag:s5], $0xC80  }
0x45: {  	p1 =	sge.u32 s21, s15;
	[sflag:s5] =	ssyncset.done @!p3 $0x0  }
0x46: {  	s19 =	sadd.s32 @!p1 s17, s21;
	[sflag:s5] =	ssyncadd.s32 @!p3 $0xFFFFF380  }
0x47: {  	s19 =	smul.u32 @!p1 $0x190, s19;
	_ =	swait.ge @!p3 [sflag:s5], $0xC80  }
0x48: {  	s22 =	simm.s32 @!p1 $0x0;
	[sflag:s5] =	ssyncset.done @!p3 $0x0  }
0x49: {  	s31 =	simm.s32 @!p1 $0x4950;
	[sflag:s5] =	ssyncadd.s32 @!p3 $0xFFFFF380;
	s5 =	sadd.s32 @!p1 s2, s19  }
0x4a: {  	[tilespmem:s31], [sflag:$0x6] =	stream.linear.gather @!p1 [hbm4b:s5+s22], $0xC80, $0x38;
	[tilespmem:$0x18E50] =	vst v63  }
0x4b: {  	s5 =	simm.s32 @!p1 $0x6  }
0x4c: {  	_ =	swait.ge @!p1 [sflag:s5], $0xC80  }
0x4d: {  	[sflag:s5] =	ssyncset.done @!p1 $0x0  }
0x4e: {  	s1 =	simm.s32 @!p1 $0x55D0;
	s19 =	sadd.s32 @!p1 s3, s19;
	[sflag:s5] =	ssyncadd.s32 @!p1 $0xFFFFF380  }
0x4f: {  	[tilespmem:s1], [sflag:$0x6] =	stream.linear.gather @!p1 [hbm4b:s19+s22], $0xC80, $0x38;
	[tilespmem:$0x18E50] =	vst v63  }
0x50: {  	_ =	swait.ge @!p1 [sflag:s5], $0xC80  }
0x51: {  	[sflag:s5] =	ssyncset.done @!p1 $0x0  }
0x52: {  	s19 =	simm.s32 @!p1 $0x6250;
	[sflag:s5] =	ssyncadd.s32 @!p1 $0xFFFFF380;
	s5 =	simm.s32 @!p1 $0xC80  }
0x53: {  	[tilespmem:s19], [sflag:$0x1] =	stream.indirect.gather @!p1 [spmem:s8], $0x1, s31, s5, $0xb8;
	[tilespmem:$0x18E50] =	vst v63  }
0x54: {  	s19 =	simm.s32 @!p1 $0x87D0  }
0x55: {  	[tilespmem:s19], [sflag:$0x1] =	stream.indirect.gather @!p1 [spmem:s8], $0x1, s1, s5, $0xb8;
	[tilespmem:$0x18E50] =	vst v63  }
0x56: {  	p3 =	sgt.u32 @!p2 s21, s15;
	s19 =	simm.s32 @!p1 $0x6ED0  }
0x57: {  	[tilespmem:s19], [sflag:$0x1] =	stream.indirect.gather @!p1 [spmem:s9], $0x1, s31, s5, $0xb8;
	[tilespmem:$0x18E50] =	vst v63  }
0x58: {  	p3 =	por p2, p3;
	s19 =	simm.s32 @!p1 $0x9450  }
0x59: {  	[tilespmem:s19], [sflag:$0x1] =	stream.indirect.gather @!p1 [spmem:s9], $0x1, s1, s5, $0xb8;
	[tilespmem:$0x18E50] =	vst v63  }
.Ltmp4:
0x5a: {  	_ = 	snop;
	(pc) =	sbr.rel @p3 .LBB2_6-.Ltmp4, $4  }
0x5b: {  	s19 =	simm.s32 @!p1 $0x7B50  }
0x5c: {  	[tilespmem:s19], [sflag:$0x1] =	stream.indirect.gather @!p1 [spmem:s10], $0x1, s31, s5, $0xb8;
	[tilespmem:$0x18E50] =	vst v63  }
0x5d: {  	s19 =	simm.s32 @!p1 $0xA0D0  }
0x5e: {  	[tilespmem:s19], [sflag:$0x1] =	stream.indirect.gather @!p1 [spmem:s10], $0x1, s1, s5, $0xb8;
	[tilespmem:$0x18E50] =	vst v63  }
0x5f: {  	_ =	swait.ge [sflag:s23], $0xC80  }
0x60: {  	[sflag:s23] =	ssyncset.done $0x0  }
0x61: {  	[sflag:s23] =	ssyncadd.s32 $0xFFFFF380  }
0x62: {  	_ =	swait.ge [sflag:s23], $0xC80  }
0x63: {  	[sflag:s23] =	ssyncset.done $0x0  }
0x64: {  	[sflag:s23] =	ssyncadd.s32 $0xFFFFF380  }
0x65: {  	_ =	swait.ge [sflag:s23], $0xC80  }
0x66: {  	[sflag:s23] =	ssyncset.done $0x0  }
0x67: {  	[sflag:s23] =	ssyncadd.s32 $0xFFFFF380  }
0x68: {  	_ =	swait.ge [sflag:s23], $0xC80  }
0x69: {  	[sflag:s23] =	ssyncset.done $0x0  }
0x6a: {  	[sflag:s23] =	ssyncadd.s32 $0xFFFFF380  }
0x6b: {  	_ =	swait.ge [sflag:s23], $0xC80  }
0x6c: {  	[sflag:s23] =	ssyncset.done $0x0  }
0x6d: {  	[sflag:s23] =	ssyncadd.s32 $0xFFFFF380  }
0x6e: {  	_ =	swait.ge [sflag:s23], $0xC80  }
0x6f: {  	[sflag:s23] =	ssyncset.done $0x0  }
0x70: {  	s22 =	simm.s32 $0x0;
	[sflag:s23] =	ssyncadd.s32 $0xFFFFF380  }
0x71: {  	v0 =	vld [tilespmem:s22+$0xEC40]  }
0x72: {  	v1 =	vld [tilespmem:s22+$0xC6C0]  }
0x73: {  	v2 =	vld [tilespmem:s22+$0xF8C0]  }
0x74: {  	v3 =	vld [tilespmem:s22+$0xD340]  }
0x75: {  	v4 =	vld [tilespmem:s22+$0x10540]  }
0x76: {  	v5 =	vld [tilespmem:s22+$0xDFC0]  }
0x77: {  	v6 =	vld [tilespmem:s22+$0xEBD0]  }
0x78: {  	v7 =	vld [tilespmem:s22+$0xC650]  }
0x79: {  	v8 =	vld [tilespmem:s22+$0xF850]  }
0x7a: {  	v9 =	vld [tilespmem:s22+$0xEBE0]  }
0x7b: {  	v10 =	vld [tilespmem:s22+$0xC670]  }
0x7c: {  	v11 =	vld [tilespmem:s22+$0xD2F0];
	v0 =	vsub.f32 v0, v1  }
0x7d: {  	v12 =	vld [tilespmem:s22+$0xC680];
	v2 =	vsub.f32 v2, v3  }
0x7e: {  	v14 =	vld [tilespmem:s22+$0xD310];
	[tilespmem:s22+$0x15040] =	vst v0  }
0x7f: {  	v1 =	vld [tilespmem:s22+$0xD2D0];
	v4 =	vsub.f32 v4, v5;
	[tilespmem:s22+$0x15CC0] =	vst v2;
	v0 =	vmul.f32 v0, v0;
	v2 =	vmul.f32 v2, v2  }
0x80: {  	v3 =	vld [tilespmem:s22+$0xC660]  }
0x81: {  	v16 =	vld [tilespmem:s22+$0xC6A0];
	v0 =	vadd.f32 v2, v0;
	v2 =	vmul.f32 v4, v4  }
0x82: {  	v5 =	vld [tilespmem:s22+$0xF860]  }
0x83: {  	v6 =	vsub.f32 v6, v7;
	v7 =	vld [tilespmem:s22+$0xD2E0];
	v0 =	vadd.f32 v2, v0  }
0x84: {  	v1 =	vsub.f32 v8, v1;
	v8 =	vld [tilespmem:s22+$0xEBF0]  }
0x85: {  	v3 =	vsub.f32 v9, v3;
	v9 =	vld [tilespmem:s22+$0xF870];
	v13 =	vmul.f32 $3.999999910e-02, v0  }
0x86: {  	v17 =	vld [tilespmem:s22+$0xD320]  }
0x87: {  	[tilespmem:s22+$0x16940] =	vst v4;
	v4 =	vld [tilespmem:s22+$0xD300];
	v13 =	vmin.f32 v13, $1.000000000e+00  }
0x88: {  	v5 =	vsub.f32 v5, v7;
	v7 =	vld [tilespmem:s22+$0xEC00];
	v15 =	vmul.f32 $1.028713400e-02, v13  }
0x89: {  	v8 =	vsub.f32 v8, v10;
	v10 =	vld [tilespmem:s22+$0xF880]  }
0x8a: {  	v2 =	vsub.f32 v9, v11;
	v9 =	vld [tilespmem:s22+$0xEC10];
	v15 =	vsub.f32 $1.147942840e-01, v15  }
0x8b: {  	v11 =	vld [tilespmem:s22+$0xC690]  }
0x8c: {  	v20 =	vld [tilespmem:s22+$0xC6B0];
	v0 =	vmax.f32 v0, $9.999999960e-13;
	v15 =	vmul.f32 v15, v13  }
0x8d: {  	v22 =	vld [tilespmem:s22+$0xF8B0];
	v18 =	vshra.s32 v0, $0x1  }
0x8e: {  	[tilespmem:s22+$0x14FD0] =	vst v6;
	v19 =	vmul.f32 $5.000000000e-01, v0;
	v7 =	vsub.f32 v7, v12;
	v12 =	vld [tilespmem:s22+$0xF890];
	v15 =	vadd.f32 $-6.661268470e-01, v15  }
0x8f: {  	v6 =	vmul.f32 v6, v6;
	[tilespmem:s22+$0x15C50] =	vst v1;
	v18 =	vsub.s32 $0x5F3759DF, v18;
	v4 =	vsub.f32 v10, v4;
	v10 =	vld [tilespmem:s22+$0xEC20]  }
0x90: {  	[tilespmem:s22+$0x14FE0] =	vst v3;
	v21 =	vmul.f32 v18, v19;
	v9 =	vsub.f32 v9, v11;
	v11 =	vld [tilespmem:s22+$0xF8A0];
	v15 =	vmul.f32 v15, v13  }
0x91: {  	v23 =	vld [tilespmem:s22+$0x104D0];
	[tilespmem:s22+$0x15C60] =	vst v5;
	v1 =	vmul.f32 v1, v1;
	v3 =	vmul.f32 v3, v3  }
0x92: {  	v24 =	vld [tilespmem:s22+$0x104E0];
	v5 =	vmul.f32 v5, v5;
	[tilespmem:s22+$0x14FF0] =	vst v8;
	v21 =	vmul.f32 v18, v21;
	v15 =	vadd.f32 $2.028983830e+00, v15  }
0x93: {  	v1 =	vadd.f32 v1, v6;
	[tilespmem:s22+$0x15C70] =	vst v2;
	v8 =	vmul.f32 v8, v8;
	v12 =	vsub.f32 v12, v14;
	v14 =	vld [tilespmem:s22+$0xEC30]  }
0x94: {  	[tilespmem:s22+$0x15000] =	vst v7;
	v21 =	vsub.f32 $1.500000000e+00, v21;
	v10 =	vsub.f32 v10, v16;
	v16 =	vld [tilespmem:s22+$0xD330];
	v15 =	vmul.f32 v15, v13  }
0x95: {  	v2 =	vmul.f32 v2, v2;
	v7 =	vmul.f32 v7, v7;
	[tilespmem:s22+$0x15C80] =	vst v4;
	v11 =	vsub.f32 v11, v17;
	v17 =	vld [tilespmem:s22+$0xDF50]  }
0x96: {  	[tilespmem:s22+$0x15010] =	vst v9;
	v18 =	vmul.f32 v18, v21;
	v21 =	vld [tilespmem:s22+$0xDF60];
	v4 =	vmul.f32 v4, v4;
	v15 =	vadd.f32 $-2.467364070e+00, v15  }
0x97: {  	v3 =	vadd.f32 v5, v3;
	[tilespmem:s22+$0x15C90] =	vst v12;
	v6 =	vmul.f32 v9, v9;
	v9 =	vmul.f32 v12, v12;
	v12 =	vld [tilespmem:s22+$0xDF70]  }
0x98: {  	v4 =	vadd.f32 v4, v7;
	v7 =	vld [tilespmem:s22+$0x10500];
	v13 =	vmul.f32 v15, v13;
	v15 =	vmul.f32 v18, v19  }
0x99: {  	v2 =	vadd.f32 v2, v8;
	v6 =	vadd.f32 v9, v6;
	v8 =	vmul.f32 v10, v10;
	v19 =	vld [tilespmem:s22+$0x104F0]  }
0x9a: {  	v9 =	vld [tilespmem:s22+$0xDF80];
	v26 =	vsub.f32 v23, v17;
	v25 =	vsub.f32 v22, v16;
	v5 =	vmul.f32 v15, v18  }
0x9b: {  	[tilespmem:s22+$0x15020] =	vst v10;
	v10 =	vmul.f32 v11, v11;
	v13 =	vadd.f32 $9.999991050e-01, v13;
	v15 =	vsub.f32 v14, v20  }
0x9c: {  	[tilespmem:s22+$0x15CA0] =	vst v11;
	v11 =	vld [tilespmem:s22+$0x10510];
	v17 =	vmul.f32 v25, v25;
	v5 =	vsub.f32 $1.500000000e+00, v5  }
0x9d: {  	v8 =	vadd.f32 v10, v8;
	v14 =	vld [tilespmem:s22+$0xDF90];
	[tilespmem:s22+$0x18240] =	vst v13;
	v13 =	vmul.f32 v26, v26;
	v16 =	vmul.f32 v15, v15  }
0x9e: {  	v19 =	vsub.f32 v19, v12;
	v5 =	vmul.f32 v5, v18;
	v18 =	vsub.f32 v24, v21  }
0x9f: {  	v20 =	vsub.f32 v7, v9;
	v12 =	vld [tilespmem:s22+$0x10520];
	v1 =	vadd.f32 v13, v1  }
0xa0: {  	v13 =	vld [tilespmem:s22+$0xDFA0];
	v16 =	vadd.f32 v17, v16;
	v17 =	vmul.f32 v19, v19;
	v10 =	vmul.f32 v18, v18  }
0xa1: {  	v27 =	vmul.f32 v5, v0;
	v5 =	vmul.f32 $3.999999910e-02, v1;
	v0 =	vmax.f32 v1, $9.999999960e-13  }
0xa2: {  	v28 =	vsub.f32 v11, v14;
	v2 =	vadd.f32 v17, v2;
	v24 =	vshra.s32 v0, $0x1  }
0xa3: {  	v33 =	vmul.f32 $5.000000000e-01, v0;
	v3 =	vadd.f32 v10, v3;
	v7 =	vmin.f32 v5, $1.000000000e+00  }
0xa4: {  	v9 =	vld [tilespmem:s22+$0x10530];
	v17 =	vmul.f32 v20, v20;
	v44 =	vsub.s32 $0x5F3759DF, v24;
	v14 =	vmul.f32 $1.028713400e-02, v7  }
0xa5: {  	v10 =	vld [tilespmem:s22+$0xDFB0];
	v29 =	vsub.f32 v12, v13;
	v45 =	vmul.f32 v44, v33;
	v5 =	vmul.f32 $3.999999910e-02, v3  }
0xa6: {  	v1 =	vmax.f32 v3, $9.999999960e-13;
	v3 =	vadd.f32 v17, v4;
	v4 =	vmul.f32 v28, v28  }
0xa7: {  	v13 =	vmul.f32 v29, v29;
	v35 =	vshra.s32 v1, $0x1;
	v36 =	vmul.f32 $5.000000000e-01, v1  }
0xa8: {  	v47 =	vsub.f32 $1.147942840e-01, v14;
	v45 =	vmul.f32 v44, v45;
	v12 =	vmin.f32 v5, $1.000000000e+00  }
0xa9: {  	v5 =	vmul.f32 $3.999999910e-02, v2;
	v2 =	vmax.f32 v2, $9.999999960e-13;
	v4 =	vadd.f32 v4, v6  }
0xaa: {  	v35 =	vsub.s32 $0x5F3759DF, v35;
	v30 =	vsub.f32 v9, v10;
	v6 =	vadd.f32 v13, v8  }
0xab: {  	v38 =	vshra.s32 v2, $0x1;
	v39 =	vmul.f32 $5.000000000e-01, v2;
	v46 =	vmul.f32 v35, v36  }
0xac: {  	v56 =	vmul.f32 v47, v7;
	v11 =	vmin.f32 v5, $1.000000000e+00;
	v5 =	vmul.f32 $3.999999910e-02, v3  }
0xad: {  	v3 =	vmax.f32 v3, $9.999999960e-13;
	v9 =	vmul.f32 $3.999999910e-02, v4;
	v4 =	vmax.f32 v4, $9.999999960e-13  }
0xae: {  	v38 =	vsub.s32 $0x5F3759DF, v38;
	v8 =	vmul.f32 v30, v30;
	v17 =	vmul.f32 $1.028713400e-02, v11  }
0xaf: {  	v40 =	vshra.s32 v3, $0x1;
	v41 =	vshra.s32 v4, $0x1;
	v22 =	vmul.f32 $5.000000000e-01, v4  }
0xb0: {  	v14 =	vmul.f32 v38, v39;
	v46 =	vmul.f32 v35, v46;
	v13 =	vmin.f32 v5, $1.000000000e+00  }
0xb1: {  	v5 =	vmul.f32 $3.999999910e-02, v6;
	v10 =	vmin.f32 v9, $1.000000000e+00;
	v6 =	vmax.f32 v6, $9.999999960e-13  }
0xb2: {  	v40 =	vsub.s32 $0x5F3759DF, v40;
	v8 =	vadd.f32 v8, v16;
	v16 =	vmul.f32 $1.028713400e-02, v12  }
0xb3: {  	v41 =	vsub.s32 $0x5F3759DF, v41;
	v31 =	vmul.f32 $1.028713400e-02, v13;
	v32 =	vmul.f32 $1.028713400e-02, v10  }
0xb4: {  	v42 =	vshra.s32 v6, $0x1;
	v23 =	vmul.f32 $5.000000000e-01, v6;
	v14 =	vmul.f32 v38, v14  }
0xb5: {  	v52 =	vsub.f32 $1.147942840e-01, v17;
	v46 =	vsub.f32 $1.500000000e+00, v46;
	v53 =	vmul.f32 v41, v22  }
0xb6: {  	v9 =	vmin.f32 v5, $1.000000000e+00;
	v42 =	vsub.s32 $0x5F3759DF, v42;
	v21 =	vmul.f32 $3.999999910e-02, v8  }
0xb7: {  	v5 =	vmax.f32 v8, $9.999999960e-13;
	v48 =	vsub.f32 $1.147942840e-01, v16;
	v16 =	vsub.f32 $1.500000000e+00, v45  }
0xb8: {  	v34 =	vmul.f32 $1.028713400e-02, v9;
	v14 =	vsub.f32 $1.500000000e+00, v14;
	v31 =	vsub.f32 $1.147942840e-01, v31  }
0xb9: {  	v54 =	vmul.f32 v42, v23;
	v32 =	vsub.f32 $1.147942840e-01, v32;
	v45 =	vmul.f32 v52, v11  }
0xba: {  	v24 =	vmul.f32 $5.000000000e-01, v5;
	v8 =	vmin.f32 v21, $1.000000000e+00;
	v21 =	vmul.f32 $5.000000000e-01, v3  }
0xbb: {  	v43 =	vshra.s32 v5, $0x1;
	v17 =	vmul.f32 v44, v16;
	v16 =	vmul.f32 v35, v46  }
0xbc: {  	v43 =	vsub.s32 $0x5F3759DF, v43;
	v14 =	vmul.f32 v38, v14;
	v57 =	vmul.f32 v48, v12  }
0xbd: {  	v34 =	vsub.f32 $1.147942840e-01, v34;
	v31 =	vmul.f32 v31, v13;
	v32 =	vmul.f32 v32, v10  }
0xbe: {  	[tilespmem:s22+$0x168D0] =	vst v26;
	v46 =	vadd.f32 $-6.661268470e-01, v56;
	v44 =	vmul.f32 v41, v53;
	v59 =	vmul.f32 v42, v54  }
0xbf: {  	[tilespmem:s22+$0x15CB0] =	vst v25;
	v45 =	vadd.f32 $-6.661268470e-01, v45;
	v37 =	vmul.f32 $1.028713400e-02, v8;
	v55 =	vmul.f32 v43, v24  }
0xc0: {  	[tilespmem:s22+$0x168F0] =	vst v19;
	v49 =	vmul.f32 v40, v21;
	v34 =	vmul.f32 v34, v9;
	v47 =	vadd.f32 $-6.661268470e-01, v57  }
0xc1: {  	[tilespmem:s22+$0x175C0] =	vst v27;
	v31 =	vadd.f32 $-6.661268470e-01, v31;
	v27 =	vadd.f32 $-6.661268470e-01, v32;
	v26 =	vmul.f32 v46, v7  }
0xc2: {  	[tilespmem:s22+$0x16920] =	vst v29;
	v61 =	vmul.f32 v45, v11;
	v19 =	vsub.f32 $1.500000000e+00, v44;
	v25 =	vmul.f32 v17, v33  }
0xc3: {  	[tilespmem:s22+$0x16930] =	vst v30;
	v29 =	vmul.f32 v16, v36;
	v30 =	vmul.f32 v14, v39;
	v37 =	vsub.f32 $1.147942840e-01, v37  }
0xc4: {  	v32 =	vsub.f32 $1.500000000e+00, v59;
	v60 =	vmul.f32 v43, v55;
	v58 =	vmul.f32 v40, v49  }
0xc5: {  	[tilespmem:s22+$0x168E0] =	vst v18;
	v34 =	vadd.f32 $-6.661268470e-01, v34;
	v18 =	vmul.f32 v47, v12;
	v37 =	vmul.f32 v37, v8  }
0xc6: {  	v31 =	vmul.f32 v31, v13;
	v63 =	vmul.f32 v27, v10;
	v26 =	vadd.f32 $2.028983830e+00, v26  }
0xc7: {  	[tilespmem:s22+$0x16910] =	vst v28;
	v28 =	vadd.f32 $2.028983830e+00, v61;
	v19 =	vmul.f32 v41, v19;
	v37 =	vadd.f32 $-6.661268470e-01, v37  }
0xc8: {  	v35 =	vsub.f32 $1.500000000e+00, v60;
	v62 =	vsub.f32 $1.500000000e+00, v58;
	v34 =	vmul.f32 v34, v9  }
0xc9: {  	v27 =	vadd.f32 $2.028983830e+00, v18;
	v31 =	vadd.f32 $2.028983830e+00, v31;
	v37 =	vmul.f32 v37, v8  }
0xca: {  	[tilespmem:s22+$0x16900] =	vst v20;
	v18 =	vmul.f32 v42, v32;
	v33 =	vadd.f32 $2.028983830e+00, v63;
	v20 =	vmul.f32 v40, v62  }
0xcb: {  	s19 =	simm.s32 $0x0;
	s31 =	simm.s32 $0x200;
	[tilespmem:s22+$0x15030] =	vst v15;
	v15 =	vmul.f32 v43, v35;
	v32 =	vadd.f32 $2.028983830e+00, v34;
	v34 =	vadd.f32 $2.028983830e+00, v37  }
.LBB2_4:
0xcc: {  	s5 =	sshra.s32 s31, $0x2;
	v21 =	vmul.f32 v20, v21;
	v22 =	vmul.f32 v19, v22  }
0xcd: {  	v23 =	vmul.f32 v18, v23;
	v24 =	vmul.f32 v15, v24;
	v35 =	vld [tilespmem:s5+$0xEC40]  }
0xce: {  	v26 =	vmul.f32 v26, v7;
	v27 =	vmul.f32 v27, v12;
	v36 =	vld [tilespmem:s5+$0xC6C0]  }
0xcf: {  	s19 =	sadd.s32 $0x8, s19;
	v28 =	vmul.f32 v28, v11;
	v31 =	vmul.f32 v31, v13;
	v37 =	vld [tilespmem:s5+$0xF8C0]  }
0xd0: {  	v33 =	vmul.f32 v33, v10;
	v32 =	vmul.f32 v32, v9;
	p3 =	slt.u32 s19, $0xC0;
	v26 =	vadd.f32 $-2.467364070e+00, v26;
	v38 =	vld [tilespmem:s5+$0xD340]  }
0xd1: {  	v25 =	vmul.f32 v25, v17;
	v34 =	vmul.f32 v34, v8;
	v27 =	vadd.f32 $-2.467364070e+00, v27;
	v39 =	vld [tilespmem:s5+$0x10540]  }
0xd2: {  	v29 =	vmul.f32 v29, v16;
	v30 =	vmul.f32 v30, v14;
	v28 =	vadd.f32 $-2.467364070e+00, v28;
	v40 =	vld [tilespmem:s5+$0xDFC0]  }
0xd3: {  	v21 =	vmul.f32 v21, v20;
	v31 =	vadd.f32 $-2.467364070e+00, v31;
	v22 =	vmul.f32 v22, v19;
	v41 =	vld [tilespmem:s5+$0xEBD0]  }
0xd4: {  	v33 =	vadd.f32 $-2.467364070e+00, v33;
	v23 =	vmul.f32 v23, v18;
	v24 =	vmul.f32 v24, v15;
	v42 =	vld [tilespmem:s5+$0xC650]  }
0xd5: {  	v26 =	vmul.f32 v26, v7;
	v35 =	vsub.f32 v35, v36;
	v43 =	vld [tilespmem:s5+$0xF850];
	v36 =	vsub.f32 v37, v38  }
0xd6: {  	v32 =	vadd.f32 $-2.467364070e+00, v32;
	v34 =	vadd.f32 $-2.467364070e+00, v34;
	v27 =	vmul.f32 v27, v12;
	v7 =	vld [tilespmem:s5+$0xD2D0]  }
0xd7: {  	v38 =	vmul.f32 v35, v35;
	v37 =	vld [tilespmem:s5+$0xEBE0];
	v12 =	vsub.f32 v39, v40;
	v39 =	vmul.f32 v36, v36;
	[tilespmem:s5+$0x15040] =	vst v35  }
0xd8: {  	v25 =	vsub.f32 $1.500000000e+00, v25;
	v29 =	vsub.f32 $1.500000000e+00, v29;
	v11 =	vmul.f32 v28, v11;
	v35 =	vld [tilespmem:s5+$0xC660];
	[tilespmem:s5+$0x15CC0] =	vst v36  }
0xd9: {  	v28 =	vsub.f32 v41, v42;
	v36 =	vld [tilespmem:s5+$0xF860];
	v38 =	vadd.f32 v39, v38;
	v39 =	vmul.f32 v12, v12;
	[tilespmem:s5+$0x16940] =	vst v12  }
0xda: {  	v30 =	vsub.f32 $1.500000000e+00, v30;
	v21 =	vsub.f32 $1.500000000e+00, v21;
	v12 =	vmul.f32 v31, v13;
	v40 =	vld [tilespmem:s5+$0xD2E0]  }
0xdb: {  	v7 =	vsub.f32 v43, v7;
	v13 =	vmul.f32 v28, v28;
	[tilespmem:s5+$0x14FD0] =	vst v28;
	v28 =	vld [tilespmem:s5+$0xEBF0];
	v31 =	vadd.f32 v39, v38  }
0xdc: {  	v22 =	vsub.f32 $1.500000000e+00, v22;
	v10 =	vmul.f32 v33, v10;
	v23 =	vsub.f32 $1.500000000e+00, v23;
	v38 =	vld [tilespmem:s5+$0xC670]  }
0xdd: {  	v33 =	vmul.f32 v7, v7;
	[tilespmem:s5+$0x15C50] =	vst v7;
	v35 =	vsub.f32 v37, v35;
	v37 =	vld [tilespmem:s5+$0xF870];
	v39 =	vmul.f32 $3.999999910e-02, v31  }
0xde: {  	v24 =	vsub.f32 $1.500000000e+00, v24;
	v7 =	vmax.f32 v31, $9.999999960e-13;
	v31 =	vmul.f32 v32, v9;
	v41 =	vld [tilespmem:s5+$0xD2F0]  }
0xdf: {  	v32 =	vsub.f32 v36, v40;
	v36 =	vmul.f32 v35, v35;
	[tilespmem:s5+$0x14FE0] =	vst v35;
	v35 =	vld [tilespmem:s5+$0xEC00];
	v39 =	vmin.f32 v39, $1.000000000e+00  }
0xe0: {  	v9 =	vadd.f32 v33, v13;
	v33 =	vshra.s32 v7, $0x1;
	v13 =	vld [tilespmem:s5+$0xC680];
	v40 =	vmul.f32 $1.028713400e-02, v39  }
0xe1: {  	v42 =	vmul.f32 v32, v32;
	[tilespmem:s5+$0x15C60] =	vst v32;
	v28 =	vsub.f32 v28, v38;
	v32 =	vld [tilespmem:s5+$0xF880];
	v38 =	vmul.f32 $5.000000000e-01, v7  }
0xe2: {  	v34 =	vmul.f32 v34, v8;
	v33 =	vsub.s32 $0x5F3759DF, v33;
	v43 =	vld [tilespmem:s5+$0xD300];
	v40 =	vsub.f32 $1.147942840e-01, v40  }
0xe3: {  	v8 =	vadd.f32 v42, v36;
	v36 =	vsub.f32 v37, v41;
	v37 =	vmul.f32 v28, v28;
	[tilespmem:s5+$0x14FF0] =	vst v28;
	v28 =	vld [tilespmem:s5+$0xEC10]  }
0xe4: {  	v26 =	vadd.f32 $9.999991050e-01, v26;
	v42 =	vmul.f32 v33, v38;
	v41 =	vld [tilespmem:s5+$0xC690];
	v40 =	vmul.f32 v40, v39  }
0xe5: {  	v17 =	vmul.f32 v25, v17;
	v44 =	vmul.f32 v36, v36;
	[tilespmem:s5+$0x15C70] =	vst v36;
	v13 =	vsub.f32 v35, v13;
	v35 =	vld [tilespmem:s5+$0xF890]  }
0xe6: {  	v16 =	vmul.f32 v29, v16;
	v36 =	vmul.f32 v33, v42;
	v25 =	vld [tilespmem:s5+$0xD310];
	v40 =	vadd.f32 $-6.661268470e-01, v40;
	[tilespmem:s22+$0x181D0] =	vst v26  }
0xe7: {  	v26 =	vadd.f32 v44, v37;
	v29 =	vsub.f32 v32, v43;
	v32 =	vmul.f32 v13, v13;
	[tilespmem:s5+$0x15000] =	vst v13;
	v13 =	vld [tilespmem:s5+$0xEC20]  }
0xe8: {  	v14 =	vmul.f32 v30, v14;
	v36 =	vsub.f32 $1.500000000e+00, v36;
	v37 =	vld [tilespmem:s5+$0xC6A0];
	v40 =	vmul.f32 v40, v39  }
0xe9: {  	v20 =	vmul.f32 v21, v20;
	v30 =	vmul.f32 v29, v29;
	[tilespmem:s5+$0x15C80] =	vst v29;
	v28 =	vsub.f32 v28, v41;
	v29 =	vld [tilespmem:s5+$0xF8A0]  }
0xea: {  	v19 =	vmul.f32 v22, v19;
	v33 =	vmul.f32 v33, v36;
	v21 =	vld [tilespmem:s5+$0xD320];
	v36 =	vadd.f32 $2.028983830e+00, v40  }
0xeb: {  	v22 =	vadd.f32 v30, v32;
	v25 =	vsub.f32 v35, v25;
	v30 =	vmul.f32 v28, v28;
	[tilespmem:s5+$0x15010] =	vst v28;
	v28 =	vld [tilespmem:s5+$0xEC30]  }
0xec: {  	v27 =	vadd.f32 $9.999991050e-01, v27;
	v35 =	vmul.f32 v33, v38;
	v32 =	vld [tilespmem:s5+$0xC6B0];
	v36 =	vmul.f32 v36, v39  }
0xed: {  	v18 =	vmul.f32 v23, v18;
	v38 =	vmul.f32 v25, v25;
	[tilespmem:s5+$0x15C90] =	vst v25;
	v13 =	vsub.f32 v13, v37;
	v25 =	vld [tilespmem:s5+$0xF8B0]  }
0xee: {  	v15 =	vmul.f32 v24, v15;
	v35 =	vmul.f32 v35, v33;
	v23 =	vld [tilespmem:s5+$0xD330];
	v36 =	vadd.f32 $-2.467364070e+00, v36;
	[tilespmem:s22+$0x181E0] =	vst v27  }
0xef: {  	v24 =	vld [tilespmem:s5+$0x104D0];
	v27 =	vadd.f32 v38, v30;
	v21 =	vsub.f32 v29, v21;
	v29 =	vmul.f32 v13, v13;
	[tilespmem:s5+$0x15020] =	vst v13  }
0xf0: {  	v11 =	vadd.f32 $9.999991050e-01, v11;
	v30 =	vsub.f32 $1.500000000e+00, v35;
	v13 =	vld [tilespmem:s5+$0xDF50];
	v35 =	vmul.f32 v36, v39  }
0xf1: {  	v12 =	vadd.f32 $9.999991050e-01, v12;
	v36 =	vld [tilespmem:s5+$0x104E0];
	v37 =	vmul.f32 v21, v21;
	[tilespmem:s5+$0x15CA0] =	vst v21;
	v21 =	vsub.f32 v28, v32  }
0xf2: {  	v10 =	vadd.f32 $9.999991050e-01, v10;
	v30 =	vmul.f32 v30, v33;
	v28 =	vld [tilespmem:s5+$0xDF60];
	v32 =	vadd.f32 $9.999991050e-01, v35;
	[tilespmem:s22+$0x181F0] =	vst v11  }
0xf3: {  	v11 =	vld [tilespmem:s5+$0x104F0];
	v29 =	vadd.f32 v37, v29;
	v23 =	vsub.f32 v25, v23;
	v25 =	vmul.f32 v21, v21;
	[tilespmem:s22+$0x18200] =	vst v12  }
0xf4: {  	v0 =	vmul.f32 v17, v0;
	v17 =	vadd.f32 $9.999991050e-01, v31;
	v31 =	vadd.f32 $9.999991050e-01, v34;
	v12 =	vld [tilespmem:s5+$0xDF70];
	[tilespmem:s5+$0x18240] =	vst v32  }
0xf5: {  	v1 =	vmul.f32 v16, v1;
	v13 =	vsub.f32 v24, v13;
	v24 =	vld [tilespmem:s5+$0x10500];
	v32 =	vmul.f32 v23, v23;
	[tilespmem:s22+$0x18210] =	vst v10  }
0xf6: {  	v2 =	vmul.f32 v14, v2;
	v3 =	vmul.f32 v20, v3;
	v10 =	vld [tilespmem:s5+$0xDF80];
	[tilespmem:s22+$0x18220] =	vst v17  }
0xf7: {  	v14 =	vmul.f32 v13, v13;
	v16 =	vsub.f32 v36, v28;
	v17 =	vld [tilespmem:s5+$0x10510];
	v20 =	vadd.f32 v32, v25;
	[tilespmem:s22+$0x18230] =	vst v31  }
0xf8: {  	v4 =	vmul.f32 v19, v4;
	v6 =	vmul.f32 v18, v6;
	v25 =	vld [tilespmem:s5+$0xDF90];
	[tilespmem:s22+$0x17550] =	vst v0  }
0xf9: {  	v9 =	vadd.f32 v14, v9;
	v0 =	vmul.f32 v16, v16;
	v14 =	vsub.f32 v11, v12;
	v11 =	vld [tilespmem:s5+$0x10520];
	[tilespmem:s22+$0x17560] =	vst v1  }
0xfa: {  	v18 =	vmul.f32 v30, v7;
	v12 =	vld [tilespmem:s5+$0xDFA0];
	[tilespmem:s22+$0x17570] =	vst v2;
	v2 =	vmul.f32 v15, v5  }
0xfb: {  	v5 =	vadd.f32 v0, v8;
	v1 =	vmul.f32 v14, v14;
	v8 =	vsub.f32 v24, v10;
	v10 =	vld [tilespmem:s5+$0x10530];
	[tilespmem:s22+$0x17580] =	vst v3  }
0xfc: {  	v0 =	vmax.f32 v9, $9.999999960e-13;
	v3 =	vmul.f32 $3.999999910e-02, v9;
	v9 =	vld [tilespmem:s5+$0xDFB0];
	[tilespmem:s22+$0x17590] =	vst v4  }
0xfd: {  	v4 =	vadd.f32 v1, v26;
	v15 =	vmul.f32 v8, v8;
	v17 =	vsub.f32 v17, v25;
	[tilespmem:s22+$0x175A0] =	vst v6  }
0xfe: {  	v7 =	vmin.f32 v3, $1.000000000e+00;
	v1 =	vmax.f32 v5, $9.999999960e-13;
	v3 =	vmul.f32 $3.999999910e-02, v5;
	[tilespmem:s22+$0x175B0] =	vst v2;
	s22 =	smov.u32 s5  }
0xff: {  	v5 =	vadd.f32 v15, v22;
	v6 =	vmul.f32 v17, v17;
	v15 =	vsub.f32 v11, v12;
	[tilespmem:s22+$0x175C0] =	vst v18  }
0x100: {  	v12 =	vmin.f32 v3, $1.000000000e+00;
	v2 =	vmax.f32 v4, $9.999999960e-13;
	v3 =	vmul.f32 $3.999999910e-02, v4;
	[tilespmem:s22+$0x168D0] =	vst v13  }
0x101: {  	[tilespmem:s22+$0x168E0] =	vst v16;
	v4 =	vadd.f32 v6, v27;
	v6 =	vmul.f32 v15, v15;
	v16 =	vsub.f32 v10, v9  }
0x102: {  	v11 =	vmin.f32 v3, $1.000000000e+00;
	v3 =	vmax.f32 v5, $9.999999960e-13;
	v5 =	vmul.f32 $3.999999910e-02, v5;
	[tilespmem:s22+$0x168F0] =	vst v14  }
0x103: {  	[tilespmem:s22+$0x16900] =	vst v8;
	v8 =	vmul.f32 $3.999999910e-02, v4;
	v6 =	vadd.f32 v6, v29;
	v9 =	vmul.f32 v16, v16  }
0x104: {  	v14 =	vmul.f32 $1.028713400e-02, v7;
	v13 =	vmin.f32 v5, $1.000000000e+00;
	v4 =	vmax.f32 v4, $9.999999960e-13;
	[tilespmem:s22+$0x16910] =	vst v17  }
0x105: {  	v10 =	vmin.f32 v8, $1.000000000e+00;
	v5 =	vmul.f32 $3.999999910e-02, v6;
	[tilespmem:s22+$0x16920] =	vst v15;
	v8 =	vadd.f32 v9, v20  }
0x106: {  	v17 =	vmul.f32 $1.028713400e-02, v11;
	v15 =	vmul.f32 $1.028713400e-02, v12;
	v6 =	vmax.f32 v6, $9.999999960e-13;
	[tilespmem:s22+$0x15030] =	vst v21  }
0x107: {  	v9 =	vmin.f32 v5, $1.000000000e+00;
	v5 =	vmax.f32 v8, $9.999999960e-13;
	v8 =	vmul.f32 $3.999999910e-02, v8;
	[tilespmem:s22+$0x15CB0] =	vst v23  }
0x108: {  	v18 =	vshra.s32 v0, $0x1;
	v19 =	vmul.f32 $1.028713400e-02, v13;
	v20 =	vmul.f32 $1.028713400e-02, v10;
	[tilespmem:s22+$0x16930] =	vst v16  }
0x109: {  	v25 =	vmul.f32 $5.000000000e-01, v0;
	v16 =	vmul.f32 $1.028713400e-02, v9;
	v8 =	vmin.f32 v8, $1.000000000e+00  }
0x10a: {  	v24 =	vshra.s32 v1, $0x1;
	v29 =	vmul.f32 $5.000000000e-01, v1;
	v26 =	vmul.f32 $1.028713400e-02, v8  }
0x10b: {  	v30 =	vmul.f32 $5.000000000e-01, v2;
	v27 =	vshra.s32 v2, $0x1;
	v28 =	vshra.s32 v3, $0x1  }
0x10c: {  	v31 =	vshra.s32 v4, $0x1;
	v22 =	vmul.f32 $5.000000000e-01, v4;
	v21 =	vmul.f32 $5.000000000e-01, v3  }
0x10d: {  	v32 =	vshra.s32 v6, $0x1;
	v23 =	vmul.f32 $5.000000000e-01, v6;
	v33 =	vshra.s32 v5, $0x1  }
0x10e: {  	v34 =	vsub.s32 $0x5F3759DF, v24;
	v18 =	vsub.s32 $0x5F3759DF, v18;
	v24 =	vmul.f32 $5.000000000e-01, v5  }
0x10f: {  	v35 =	vsub.s32 $0x5F3759DF, v27;
	v36 =	vsub.s32 $0x5F3759DF, v28;
	v31 =	vsub.s32 $0x5F3759DF, v31  }
0x110: {  	v14 =	vsub.f32 $1.147942840e-01, v14;
	v32 =	vsub.s32 $0x5F3759DF, v32;
	v33 =	vsub.s32 $0x5F3759DF, v33  }
0x111: {  	v27 =	vmul.f32 v18, v25;
	v17 =	vsub.f32 $1.147942840e-01, v17;
	v15 =	vsub.f32 $1.147942840e-01, v15  }
0x112: {  	v28 =	vmul.f32 v34, v29;
	v19 =	vsub.f32 $1.147942840e-01, v19;
	v20 =	vsub.f32 $1.147942840e-01, v20  }
0x113: {  	v37 =	vmul.f32 v35, v30;
	v16 =	vsub.f32 $1.147942840e-01, v16;
	v26 =	vsub.f32 $1.147942840e-01, v26  }
0x114: {  	v39 =	vmul.f32 v31, v22;
	v38 =	vmul.f32 v36, v21  }
0x115: {  	v40 =	vmul.f32 v32, v23;
	v41 =	vmul.f32 v33, v24  }
0x116: {  	v14 =	vmul.f32 v14, v7;
	v15 =	vmul.f32 v15, v12  }
0x117: {  	v17 =	vmul.f32 v17, v11;
	v19 =	vmul.f32 v19, v13  }
0x118: {  	v14 =	vadd.f32 $-6.661268470e-01, v14;
	v20 =	vmul.f32 v20, v10;
	v16 =	vmul.f32 v16, v9  }
0x119: {  	v27 =	vmul.f32 v18, v27;
	v15 =	vadd.f32 $-6.661268470e-01, v15;
	v26 =	vmul.f32 v26, v8  }
0x11a: {  	v37 =	vmul.f32 v35, v37;
	v28 =	vmul.f32 v34, v28;
	v17 =	vadd.f32 $-6.661268470e-01, v17  }
0x11b: {  	v39 =	vmul.f32 v31, v39;
	v38 =	vmul.f32 v36, v38;
	v19 =	vadd.f32 $-6.661268470e-01, v19  }
0x11c: {  	v40 =	vmul.f32 v32, v40;
	v20 =	vadd.f32 $-6.661268470e-01, v20;
	v41 =	vmul.f32 v33, v41  }
0x11d: {  	v14 =	vmul.f32 v14, v7;
	v16 =	vadd.f32 $-6.661268470e-01, v16;
	v42 =	vadd.f32 $-6.661268470e-01, v26  }
0x11e: {  	v15 =	vmul.f32 v15, v12;
	v26 =	vsub.f32 $1.500000000e+00, v27;
	v27 =	vsub.f32 $1.500000000e+00, v28  }
0x11f: {  	v38 =	vsub.f32 $1.500000000e+00, v38;
	v28 =	vsub.f32 $1.500000000e+00, v37;
	v37 =	vmul.f32 v17, v11  }
0x120: {  	v43 =	vmul.f32 v19, v13;
	v19 =	vsub.f32 $1.500000000e+00, v39;
	v39 =	vsub.f32 $1.500000000e+00, v40  }
0x121: {  	v40 =	vmul.f32 v20, v10;
	v41 =	vsub.f32 $1.500000000e+00, v41;
	v44 =	vmul.f32 v16, v9  }
0x122: {  	v17 =	vmul.f32 v18, v26;
	v26 =	vadd.f32 $2.028983830e+00, v14;
	v42 =	vmul.f32 v42, v8  }
.Ltmp5:
0x123: {  	v16 =	vmul.f32 v34, v27;
	v27 =	vadd.f32 $2.028983830e+00, v15;
	v14 =	vmul.f32 v35, v28;
	(pc) =	sbr.rel @p3 .LBB2_4-.Ltmp5, $4  }
0x124: {  	v20 =	vmul.f32 v36, v38;
	v19 =	vmul.f32 v31, v19;
	v28 =	vadd.f32 $2.028983830e+00, v37  }
0x125: {  	v31 =	vadd.f32 $2.028983830e+00, v43;
	v18 =	vmul.f32 v32, v39;
	v15 =	vmul.f32 v33, v41  }
0x126: {  	v33 =	vadd.f32 $2.028983830e+00, v40;
	v32 =	vadd.f32 $2.028983830e+00, v44;
	v25 =	vmul.f32 v17, v25  }
0x127: {  	s31 =	sadd.s32 $0x200, s31;
	v29 =	vmul.f32 v16, v29;
	v30 =	vmul.f32 v14, v30;
	v34 =	vadd.f32 $2.028983830e+00, v42  }
0x128: {  	v21 =	vmul.f32 v20, v21;
	v22 =	vmul.f32 v19, v22  }
0x129: {  	v23 =	vmul.f32 v18, v23;
	v24 =	vmul.f32 v15, v24  }
0x12a: {  	v26 =	vmul.f32 v26, v7;
	v27 =	vmul.f32 v27, v12  }
0x12b: {  	v28 =	vmul.f32 v28, v11;
	v31 =	vmul.f32 v31, v13  }
0x12c: {  	v33 =	vmul.f32 v33, v10;
	v32 =	vmul.f32 v32, v9  }
0x12d: {  	v25 =	vmul.f32 v25, v17;
	v34 =	vmul.f32 v34, v8  }
0x12e: {  	v29 =	vmul.f32 v29, v16;
	v30 =	vmul.f32 v30, v14;
	v26 =	vadd.f32 $-2.467364070e+00, v26  }
0x12f: {  	v27 =	vadd.f32 $-2.467364070e+00, v27;
	v28 =	vadd.f32 $-2.467364070e+00, v28;
	v21 =	vmul.f32 v21, v20  }
0x130: {  	v31 =	vadd.f32 $-2.467364070e+00, v31;
	v22 =	vmul.f32 v22, v19;
	v41 =	vmul.f32 v26, v7  }
0x131: {  	v42 =	vadd.f32 $-2.467364070e+00, v33;
	v23 =	vmul.f32 v23, v18;
	v43 =	vmul.f32 v27, v12  }
0x132: {  	v24 =	vmul.f32 v24, v15;
	v44 =	vmul.f32 v28, v11;
	v7 =	vadd.f32 $9.999991050e-01, v41  }
0x133: {  	v45 =	vadd.f32 $-2.467364070e+00, v32;
	v46 =	vmul.f32 v31, v13;
	v12 =	vadd.f32 $9.999991050e-01, v43  }
0x134: {  	v50 =	vsub.f32 $1.500000000e+00, v25;
	v48 =	vmul.f32 v42, v10;
	v49 =	vadd.f32 $9.999991050e-01, v44;
	[tilespmem:s22+$0x181D0] =	vst v7  }
0x135: {  	v47 =	vadd.f32 $-2.467364070e+00, v34;
	v51 =	vmul.f32 v45, v9;
	v52 =	vadd.f32 $9.999991050e-01, v46;
	[tilespmem:s22+$0x181E0] =	vst v12  }
0x136: {  	v53 =	vsub.f32 $1.500000000e+00, v29;
	v11 =	vmul.f32 v50, v17;
	v55 =	vadd.f32 $9.999991050e-01, v48;
	[tilespmem:s22+$0x181F0] =	vst v49  }
0x137: {  	v56 =	vsub.f32 $1.500000000e+00, v30;
	v54 =	vmul.f32 v47, v8;
	v9 =	vadd.f32 $9.999991050e-01, v51;
	[tilespmem:s22+$0x18200] =	vst v52  }
0x138: {  	v57 =	vsub.f32 $1.500000000e+00, v21;
	v13 =	vmul.f32 v53, v16;
	v0 =	vmul.f32 v11, v0;
	[tilespmem:s22+$0x18210] =	vst v55  }
0x139: {  	v59 =	vsub.f32 $1.500000000e+00, v23;
	v10 =	vmul.f32 v56, v14;
	v8 =	vadd.f32 $9.999991050e-01, v54;
	[tilespmem:s22+$0x18220] =	vst v9  }
0x13a: {  	v61 =	vsub.f32 $1.500000000e+00, v24;
	v60 =	vmul.f32 v57, v20;
	v1 =	vmul.f32 v13, v1;
	[tilespmem:s22+$0x17550] =	vst v0  }
0x13b: {  	v58 =	vsub.f32 $1.500000000e+00, v22;
	v62 =	vmul.f32 v59, v18;
	v2 =	vmul.f32 v10, v2;
	[tilespmem:s22+$0x18230] =	vst v8  }
0x13c: {  	v63 =	vmul.f32 v61, v15;
	v3 =	vmul.f32 v60, v3;
	[tilespmem:s22+$0x17560] =	vst v1  }
0x13d: {  	s1 =	sadd.s32 s21, s18;
	v7 =	vmul.f32 v58, v19;
	v0 =	vmul.f32 v62, v6;
	[tilespmem:s22+$0x17570] =	vst v2  }
0x13e: {  	s1 =	smul.u32 $0xC80, s1;
	v1 =	vmul.f32 v63, v5;
	[tilespmem:s22+$0x17580] =	vst v3  }
0x13f: {  	v4 =	vmul.f32 v7, v4;
	[tilespmem:s22+$0x175A0] =	vst v0  }
0x140: {  	s1 =	sshrl.u32 s1, $0x3;
	[tilespmem:s22+$0x175B0] =	vst v1  }
0x141: {  	s5 =	sadd.s32 s4, s1;
	[tilespmem:s22+$0x17590] =	vst v4  }
0x142: {  	[hbm4b:s5+s11] =	stream.linear.scatter [tilespmem:s24], [sflag:$0x4], $0xC80, $0x38;
	[tilespmem:$0x18E50] =	vst v63  }
0x143: {  	s19 =	sadd.s32 s13, s1  }
0x144: {  	[hbm4b:s19+s11] =	stream.linear.scatter [tilespmem:s25], [sflag:$0x4], $0xC80, $0x38;
	[tilespmem:$0x18E50] =	vst v63  }
0x145: {  	s22 =	sadd.s32 s14, s1  }
0x146: {  	[hbm4b:s22+s11] =	stream.linear.scatter [tilespmem:s26], [sflag:$0x4], $0xC80, $0x38;
	[tilespmem:$0x18E50] =	vst v63  }
0x147: {  	s31 =	sadd.s32 s6, s1  }
0x148: {  	[hbm4b:s31+s11] =	stream.linear.scatter [tilespmem:s28], [sflag:$0x4], $0xC80, $0x38;
	[tilespmem:$0x18E50] =	vst v63  }
0x149: {  	s1 =	sadd.s32 s7, s1  }
0x14a: {  	[hbm4b:s1+s11] =	stream.linear.scatter [tilespmem:s29], [sflag:$0x4], $0xC80, $0x38;
	[tilespmem:$0x18E50] =	vst v63  }
.LBB2_6:
0x14b: {  	p3 =	sge.u32 @!p2 s21, s16  }
0x14c: {  	p3 =	por p3, p2  }
0x14d: {  	s1 =	simm.s32 @!p3 $0x4  }
0x14e: {  	_ =	swait.ge @!p3 [sflag:s1], $0xC80  }
0x14f: {  	[sflag:s1] =	ssyncset.done @!p3 $0x0  }
0x150: {  	[sflag:s1] =	ssyncadd.s32 @!p3 $0xFFFFF380  }
0x151: {  	_ =	swait.ge @!p3 [sflag:s1], $0xC80  }
0x152: {  	[sflag:s1] =	ssyncset.done @!p3 $0x0  }
0x153: {  	[sflag:s1] =	ssyncadd.s32 @!p3 $0xFFFFF380  }
0x154: {  	_ =	swait.ge @!p3 [sflag:s1], $0xC80  }
0x155: {  	[sflag:s1] =	ssyncset.done @!p3 $0x0  }
0x156: {  	[sflag:s1] =	ssyncadd.s32 @!p3 $0xFFFFF380  }
0x157: {  	s5 =	sor.u32 $0x1, s21;
	_ =	swait.ge @!p3 [sflag:s1], $0xC80  }
0x158: {  	p2 =	sge.u32 s5, s15;
	[sflag:s1] =	ssyncset.done @!p3 $0x0  }
0x159: {  	s5 =	sadd.s32 @!p2 s17, s5;
	[sflag:s1] =	ssyncadd.s32 @!p3 $0xFFFFF380  }
0x15a: {  	s5 =	smul.u32 @!p2 $0x190, s5;
	_ =	swait.ge @!p3 [sflag:s1], $0xC80  }
0x15b: {  	s19 =	simm.s32 @!p2 $0x0;
	[sflag:s1] =	ssyncset.done @!p3 $0x0  }
0x15c: {  	s22 =	simm.s32 @!p2 $0xAD50;
	[sflag:s1] =	ssyncadd.s32 @!p3 $0xFFFFF380;
	s1 =	sadd.s32 @!p2 s2, s5  }
0x15d: {  	[tilespmem:s22], [sflag:$0x6] =	stream.linear.gather @!p2 [hbm4b:s1+s19], $0xC80, $0x38;
	[tilespmem:$0x18E50] =	vst v63  }
0x15e: {  	s1 =	simm.s32 @!p2 $0x6  }
0x15f: {  	_ =	swait.ge @!p2 [sflag:s1], $0xC80  }
0x160: {  	[sflag:s1] =	ssyncset.done @!p2 $0x0  }
0x161: {  	s31 =	simm.s32 @!p2 $0xB9D0;
	s5 =	sadd.s32 @!p2 s3, s5;
	[sflag:s1] =	ssyncadd.s32 @!p2 $0xFFFFF380  }
0x162: {  	[tilespmem:s31], [sflag:$0x6] =	stream.linear.gather @!p2 [hbm4b:s5+s19], $0xC80, $0x38;
	[tilespmem:$0x18E50] =	vst v63  }
0x163: {  	_ =	swait.ge @!p2 [sflag:s1], $0xC80  }
0x164: {  	[sflag:s1] =	ssyncset.done @!p2 $0x0  }
0x165: {  	s5 =	simm.s32 @!p2 $0xC650;
	[sflag:s1] =	ssyncadd.s32 @!p2 $0xFFFFF380;
	s1 =	simm.s32 @!p2 $0xC80  }
0x166: {  	[tilespmem:s5], [sflag:$0x2] =	stream.indirect.gather @!p2 [spmem:s8], $0x1, s22, s1, $0xb8;
	[tilespmem:$0x18E50] =	vst v63  }
0x167: {  	s5 =	simm.s32 @!p2 $0xEBD0  }
0x168: {  	[tilespmem:s5], [sflag:$0x2] =	stream.indirect.gather @!p2 [spmem:s8], $0x1, s31, s1, $0xb8;
	[tilespmem:$0x18E50] =	vst v63  }
0x169: {  	s5 =	simm.s32 @!p2 $0xD2D0  }
0x16a: {  	[tilespmem:s5], [sflag:$0x2] =	stream.indirect.gather @!p2 [spmem:s9], $0x1, s22, s1, $0xb8;
	[tilespmem:$0x18E50] =	vst v63  }
0x16b: {  	s5 =	simm.s32 @!p2 $0xF850  }
0x16c: {  	[tilespmem:s5], [sflag:$0x2] =	stream.indirect.gather @!p2 [spmem:s9], $0x1, s31, s1, $0xb8;
	[tilespmem:$0x18E50] =	vst v63  }
.Ltmp6:
0x16d: {  	_ = 	snop;
	(pc) =	sbr.rel @p1 .LBB2_10-.Ltmp6, $4  }
0x16e: {  	s5 =	simm.s32 @!p2 $0xDF50  }
0x16f: {  	[tilespmem:s5], [sflag:$0x2] =	stream.indirect.gather @!p2 [spmem:s10], $0x1, s22, s1, $0xb8;
	[tilespmem:$0x18E50] =	vst v63  }
0x170: {  	s5 =	simm.s32 @!p2 $0x104D0  }
0x171: {  	[tilespmem:s5], [sflag:$0x2] =	stream.indirect.gather @!p2 [spmem:s10], $0x1, s31, s1, $0xb8;
	[tilespmem:$0x18E50] =	vst v63  }
0x172: {  	_ =	swait.ge [sflag:s30], $0xC80  }
0x173: {  	[sflag:s30] =	ssyncset.done $0x0  }
0x174: {  	[sflag:s30] =	ssyncadd.s32 $0xFFFFF380  }
0x175: {  	_ =	swait.ge [sflag:s30], $0xC80  }
0x176: {  	[sflag:s30] =	ssyncset.done $0x0  }
0x177: {  	[sflag:s30] =	ssyncadd.s32 $0xFFFFF380  }
0x178: {  	_ =	swait.ge [sflag:s30], $0xC80  }
0x179: {  	[sflag:s30] =	ssyncset.done $0x0  }
0x17a: {  	[sflag:s30] =	ssyncadd.s32 $0xFFFFF380  }
0x17b: {  	_ =	swait.ge [sflag:s30], $0xC80  }
0x17c: {  	[sflag:s30] =	ssyncset.done $0x0  }
0x17d: {  	[sflag:s30] =	ssyncadd.s32 $0xFFFFF380  }
0x17e: {  	_ =	swait.ge [sflag:s30], $0xC80  }
0x17f: {  	[sflag:s30] =	ssyncset.done $0x0  }
0x180: {  	[sflag:s30] =	ssyncadd.s32 $0xFFFFF380  }
0x181: {  	_ =	swait.ge [sflag:s30], $0xC80  }
0x182: {  	[sflag:s30] =	ssyncset.done $0x0  }
0x183: {  	s22 =	simm.s32 $0x0;
	[sflag:s30] =	ssyncadd.s32 $0xFFFFF380  }
0x184: {  	v0 =	vld [tilespmem:s22+$0x8840]  }
0x185: {  	v1 =	vld [tilespmem:s22+$0x62C0]  }
0x186: {  	v2 =	vld [tilespmem:s22+$0x94C0]  }
0x187: {  	v3 =	vld [tilespmem:s22+$0x6F40]  }
0x188: {  	v4 =	vld [tilespmem:s22+$0xA140]  }
0x189: {  	v5 =	vld [tilespmem:s22+$0x7BC0]  }
0x18a: {  	v6 =	vld [tilespmem:s22+$0x87D0]  }
0x18b: {  	v7 =	vld [tilespmem:s22+$0x6250]  }
0x18c: {  	v8 =	vld [tilespmem:s22+$0x9450]  }
0x18d: {  	v9 =	vld [tilespmem:s22+$0x87E0]  }
0x18e: {  	v10 =	vld [tilespmem:s22+$0x6270]  }
0x18f: {  	v11 =	vld [tilespmem:s22+$0x6EF0];
	v0 =	vsub.f32 v0, v1  }
0x190: {  	v12 =	vld [tilespmem:s22+$0x6280];
	v2 =	vsub.f32 v2, v3  }
0x191: {  	v14 =	vld [tilespmem:s22+$0x6F10];
	[tilespmem:s22+$0x111C0] =	vst v0  }
0x192: {  	v1 =	vld [tilespmem:s22+$0x6ED0];
	v4 =	vsub.f32 v4, v5;
	[tilespmem:s22+$0x11E40] =	vst v2;
	v0 =	vmul.f32 v0, v0;
	v2 =	vmul.f32 v2, v2  }
0x193: {  	v3 =	vld [tilespmem:s22+$0x6260]  }
0x194: {  	v16 =	vld [tilespmem:s22+$0x62A0];
	v0 =	vadd.f32 v2, v0;
	v2 =	vmul.f32 v4, v4  }
0x195: {  	v5 =	vld [tilespmem:s22+$0x9460]  }
0x196: {  	v6 =	vsub.f32 v6, v7;
	v7 =	vld [tilespmem:s22+$0x6EE0];
	v0 =	vadd.f32 v2, v0  }
0x197: {  	v1 =	vsub.f32 v8, v1;
	v8 =	vld [tilespmem:s22+$0x87F0]  }
0x198: {  	v3 =	vsub.f32 v9, v3;
	v9 =	vld [tilespmem:s22+$0x9470];
	v13 =	vmul.f32 $3.999999910e-02, v0  }
0x199: {  	v17 =	vld [tilespmem:s22+$0x6F20]  }
0x19a: {  	[tilespmem:s22+$0x12AC0] =	vst v4;
	v4 =	vld [tilespmem:s22+$0x6F00];
	v13 =	vmin.f32 v13, $1.000000000e+00  }
0x19b: {  	v5 =	vsub.f32 v5, v7;
	v7 =	vld [tilespmem:s22+$0x8800];
	v15 =	vmul.f32 $1.028713400e-02, v13  }
0x19c: {  	v8 =	vsub.f32 v8, v10;
	v10 =	vld [tilespmem:s22+$0x9480]  }
0x19d: {  	v2 =	vsub.f32 v9, v11;
	v9 =	vld [tilespmem:s22+$0x8810];
	v15 =	vsub.f32 $1.147942840e-01, v15  }
0x19e: {  	v11 =	vld [tilespmem:s22+$0x6290]  }
0x19f: {  	v20 =	vld [tilespmem:s22+$0x62B0];
	v0 =	vmax.f32 v0, $9.999999960e-13;
	v15 =	vmul.f32 v15, v13  }
0x1a0: {  	v22 =	vld [tilespmem:s22+$0x94B0];
	v18 =	vshra.s32 v0, $0x1  }
0x1a1: {  	[tilespmem:s22+$0x11150] =	vst v6;
	v19 =	vmul.f32 $5.000000000e-01, v0;
	v7 =	vsub.f32 v7, v12;
	v12 =	vld [tilespmem:s22+$0x9490];
	v15 =	vadd.f32 $-6.661268470e-01, v15  }
0x1a2: {  	v6 =	vmul.f32 v6, v6;
	[tilespmem:s22+$0x11DD0] =	vst v1;
	v18 =	vsub.s32 $0x5F3759DF, v18;
	v4 =	vsub.f32 v10, v4;
	v10 =	vld [tilespmem:s22+$0x8820]  }
0x1a3: {  	[tilespmem:s22+$0x11160] =	vst v3;
	v21 =	vmul.f32 v18, v19;
	v9 =	vsub.f32 v9, v11;
	v11 =	vld [tilespmem:s22+$0x94A0];
	v15 =	vmul.f32 v15, v13  }
0x1a4: {  	v23 =	vld [tilespmem:s22+$0xA0D0];
	[tilespmem:s22+$0x11DE0] =	vst v5;
	v1 =	vmul.f32 v1, v1;
	v3 =	vmul.f32 v3, v3  }
0x1a5: {  	v24 =	vld [tilespmem:s22+$0xA0E0];
	v5 =	vmul.f32 v5, v5;
	[tilespmem:s22+$0x11170] =	vst v8;
	v21 =	vmul.f32 v18, v21;
	v15 =	vadd.f32 $2.028983830e+00, v15  }
0x1a6: {  	v1 =	vadd.f32 v1, v6;
	[tilespmem:s22+$0x11DF0] =	vst v2;
	v8 =	vmul.f32 v8, v8;
	v12 =	vsub.f32 v12, v14;
	v14 =	vld [tilespmem:s22+$0x8830]  }
0x1a7: {  	[tilespmem:s22+$0x11180] =	vst v7;
	v21 =	vsub.f32 $1.500000000e+00, v21;
	v10 =	vsub.f32 v10, v16;
	v16 =	vld [tilespmem:s22+$0x6F30];
	v15 =	vmul.f32 v15, v13  }
0x1a8: {  	v2 =	vmul.f32 v2, v2;
	v7 =	vmul.f32 v7, v7;
	[tilespmem:s22+$0x11E00] =	vst v4;
	v11 =	vsub.f32 v11, v17;
	v17 =	vld [tilespmem:s22+$0x7B50]  }
0x1a9: {  	[tilespmem:s22+$0x11190] =	vst v9;
	v18 =	vmul.f32 v18, v21;
	v21 =	vld [tilespmem:s22+$0x7B60];
	v4 =	vmul.f32 v4, v4;
	v15 =	vadd.f32 $-2.467364070e+00, v15  }
0x1aa: {  	v3 =	vadd.f32 v5, v3;
	[tilespmem:s22+$0x11E10] =	vst v12;
	v6 =	vmul.f32 v9, v9;
	v9 =	vmul.f32 v12, v12;
	v12 =	vld [tilespmem:s22+$0x7B70]  }
0x1ab: {  	v4 =	vadd.f32 v4, v7;
	v7 =	vld [tilespmem:s22+$0xA100];
	v13 =	vmul.f32 v15, v13;
	v15 =	vmul.f32 v18, v19  }
0x1ac: {  	v2 =	vadd.f32 v2, v8;
	v6 =	vadd.f32 v9, v6;
	v8 =	vmul.f32 v10, v10;
	v19 =	vld [tilespmem:s22+$0xA0F0]  }
0x1ad: {  	v9 =	vld [tilespmem:s22+$0x7B80];
	v26 =	vsub.f32 v23, v17;
	v25 =	vsub.f32 v22, v16;
	v5 =	vmul.f32 v15, v18  }
0x1ae: {  	[tilespmem:s22+$0x111A0] =	vst v10;
	v10 =	vmul.f32 v11, v11;
	v13 =	vadd.f32 $9.999991050e-01, v13;
	v15 =	vsub.f32 v14, v20  }
0x1af: {  	[tilespmem:s22+$0x11E20] =	vst v11;
	v11 =	vld [tilespmem:s22+$0xA110];
	v17 =	vmul.f32 v25, v25;
	v5 =	vsub.f32 $1.500000000e+00, v5  }
0x1b0: {  	v8 =	vadd.f32 v10, v8;
	v14 =	vld [tilespmem:s22+$0x7B90];
	[tilespmem:s22+$0x143C0] =	vst v13;
	v13 =	vmul.f32 v26, v26;
	v16 =	vmul.f32 v15, v15  }
0x1b1: {  	v19 =	vsub.f32 v19, v12;
	v5 =	vmul.f32 v5, v18;
	v18 =	vsub.f32 v24, v21  }
0x1b2: {  	v20 =	vsub.f32 v7, v9;
	v12 =	vld [tilespmem:s22+$0xA120];
	v1 =	vadd.f32 v13, v1  }
0x1b3: {  	v13 =	vld [tilespmem:s22+$0x7BA0];
	v16 =	vadd.f32 v17, v16;
	v17 =	vmul.f32 v19, v19;
	v10 =	vmul.f32 v18, v18  }
0x1b4: {  	v27 =	vmul.f32 v5, v0;
	v5 =	vmul.f32 $3.999999910e-02, v1;
	v0 =	vmax.f32 v1, $9.999999960e-13  }
0x1b5: {  	v28 =	vsub.f32 v11, v14;
	v2 =	vadd.f32 v17, v2;
	v24 =	vshra.s32 v0, $0x1  }
0x1b6: {  	v33 =	vmul.f32 $5.000000000e-01, v0;
	v3 =	vadd.f32 v10, v3;
	v7 =	vmin.f32 v5, $1.000000000e+00  }
0x1b7: {  	v9 =	vld [tilespmem:s22+$0xA130];
	v17 =	vmul.f32 v20, v20;
	v44 =	vsub.s32 $0x5F3759DF, v24;
	v14 =	vmul.f32 $1.028713400e-02, v7  }
0x1b8: {  	v10 =	vld [tilespmem:s22+$0x7BB0];
	v29 =	vsub.f32 v12, v13;
	v45 =	vmul.f32 v44, v33;
	v5 =	vmul.f32 $3.999999910e-02, v3  }
0x1b9: {  	v1 =	vmax.f32 v3, $9.999999960e-13;
	v3 =	vadd.f32 v17, v4;
	v4 =	vmul.f32 v28, v28  }
0x1ba: {  	v13 =	vmul.f32 v29, v29;
	v35 =	vshra.s32 v1, $0x1;
	v36 =	vmul.f32 $5.000000000e-01, v1  }
0x1bb: {  	v47 =	vsub.f32 $1.147942840e-01, v14;
	v45 =	vmul.f32 v44, v45;
	v12 =	vmin.f32 v5, $1.000000000e+00  }
0x1bc: {  	v5 =	vmul.f32 $3.999999910e-02, v2;
	v2 =	vmax.f32 v2, $9.999999960e-13;
	v4 =	vadd.f32 v4, v6  }
0x1bd: {  	v35 =	vsub.s32 $0x5F3759DF, v35;
	v30 =	vsub.f32 v9, v10;
	v6 =	vadd.f32 v13, v8  }
0x1be: {  	v38 =	vshra.s32 v2, $0x1;
	v39 =	vmul.f32 $5.000000000e-01, v2;
	v46 =	vmul.f32 v35, v36  }
0x1bf: {  	v56 =	vmul.f32 v47, v7;
	v11 =	vmin.f32 v5, $1.000000000e+00;
	v5 =	vmul.f32 $3.999999910e-02, v3  }
0x1c0: {  	v3 =	vmax.f32 v3, $9.999999960e-13;
	v9 =	vmul.f32 $3.999999910e-02, v4;
	v4 =	vmax.f32 v4, $9.999999960e-13  }
0x1c1: {  	v38 =	vsub.s32 $0x5F3759DF, v38;
	v8 =	vmul.f32 v30, v30;
	v17 =	vmul.f32 $1.028713400e-02, v11  }
0x1c2: {  	v40 =	vshra.s32 v3, $0x1;
	v41 =	vshra.s32 v4, $0x1;
	v22 =	vmul.f32 $5.000000000e-01, v4  }
0x1c3: {  	v14 =	vmul.f32 v38, v39;
	v46 =	vmul.f32 v35, v46;
	v13 =	vmin.f32 v5, $1.000000000e+00  }
0x1c4: {  	v5 =	vmul.f32 $3.999999910e-02, v6;
	v10 =	vmin.f32 v9, $1.000000000e+00;
	v6 =	vmax.f32 v6, $9.999999960e-13  }
0x1c5: {  	v40 =	vsub.s32 $0x5F3759DF, v40;
	v8 =	vadd.f32 v8, v16;
	v16 =	vmul.f32 $1.028713400e-02, v12  }
0x1c6: {  	v41 =	vsub.s32 $0x5F3759DF, v41;
	v31 =	vmul.f32 $1.028713400e-02, v13;
	v32 =	vmul.f32 $1.028713400e-02, v10  }
0x1c7: {  	v42 =	vshra.s32 v6, $0x1;
	v23 =	vmul.f32 $5.000000000e-01, v6;
	v14 =	vmul.f32 v38, v14  }
0x1c8: {  	v52 =	vsub.f32 $1.147942840e-01, v17;
	v46 =	vsub.f32 $1.500000000e+00, v46;
	v53 =	vmul.f32 v41, v22  }
0x1c9: {  	v9 =	vmin.f32 v5, $1.000000000e+00;
	v42 =	vsub.s32 $0x5F3759DF, v42;
	v21 =	vmul.f32 $3.999999910e-02, v8  }
0x1ca: {  	v5 =	vmax.f32 v8, $9.999999960e-13;
	v48 =	vsub.f32 $1.147942840e-01, v16;
	v16 =	vsub.f32 $1.500000000e+00, v45  }
0x1cb: {  	v34 =	vmul.f32 $1.028713400e-02, v9;
	v14 =	vsub.f32 $1.500000000e+00, v14;
	v31 =	vsub.f32 $1.147942840e-01, v31  }
0x1cc: {  	v54 =	vmul.f32 v42, v23;
	v32 =	vsub.f32 $1.147942840e-01, v32;
	v45 =	vmul.f32 v52, v11  }
0x1cd: {  	v24 =	vmul.f32 $5.000000000e-01, v5;
	v8 =	vmin.f32 v21, $1.000000000e+00;
	v21 =	vmul.f32 $5.000000000e-01, v3  }
0x1ce: {  	v43 =	vshra.s32 v5, $0x1;
	v17 =	vmul.f32 v44, v16;
	v16 =	vmul.f32 v35, v46  }
0x1cf: {  	v43 =	vsub.s32 $0x5F3759DF, v43;
	v14 =	vmul.f32 v38, v14;
	v57 =	vmul.f32 v48, v12  }
0x1d0: {  	v34 =	vsub.f32 $1.147942840e-01, v34;
	v31 =	vmul.f32 v31, v13;
	v32 =	vmul.f32 v32, v10  }
0x1d1: {  	[tilespmem:s22+$0x12A50] =	vst v26;
	v46 =	vadd.f32 $-6.661268470e-01, v56;
	v44 =	vmul.f32 v41, v53;
	v59 =	vmul.f32 v42, v54  }
0x1d2: {  	[tilespmem:s22+$0x11E30] =	vst v25;
	v45 =	vadd.f32 $-6.661268470e-01, v45;
	v37 =	vmul.f32 $1.028713400e-02, v8;
	v55 =	vmul.f32 v43, v24  }
0x1d3: {  	[tilespmem:s22+$0x12A70] =	vst v19;
	v49 =	vmul.f32 v40, v21;
	v34 =	vmul.f32 v34, v9;
	v47 =	vadd.f32 $-6.661268470e-01, v57  }
0x1d4: {  	[tilespmem:s22+$0x13740] =	vst v27;
	v31 =	vadd.f32 $-6.661268470e-01, v31;
	v27 =	vadd.f32 $-6.661268470e-01, v32;
	v26 =	vmul.f32 v46, v7  }
0x1d5: {  	[tilespmem:s22+$0x12AA0] =	vst v29;
	v61 =	vmul.f32 v45, v11;
	v19 =	vsub.f32 $1.500000000e+00, v44;
	v25 =	vmul.f32 v17, v33  }
0x1d6: {  	[tilespmem:s22+$0x12AB0] =	vst v30;
	v29 =	vmul.f32 v16, v36;
	v30 =	vmul.f32 v14, v39;
	v37 =	vsub.f32 $1.147942840e-01, v37  }
0x1d7: {  	v32 =	vsub.f32 $1.500000000e+00, v59;
	v60 =	vmul.f32 v43, v55;
	v58 =	vmul.f32 v40, v49  }
0x1d8: {  	[tilespmem:s22+$0x12A60] =	vst v18;
	v34 =	vadd.f32 $-6.661268470e-01, v34;
	v18 =	vmul.f32 v47, v12;
	v37 =	vmul.f32 v37, v8  }
0x1d9: {  	v31 =	vmul.f32 v31, v13;
	v63 =	vmul.f32 v27, v10;
	v26 =	vadd.f32 $2.028983830e+00, v26  }
0x1da: {  	[tilespmem:s22+$0x12A90] =	vst v28;
	v28 =	vadd.f32 $2.028983830e+00, v61;
	v19 =	vmul.f32 v41, v19;
	v37 =	vadd.f32 $-6.661268470e-01, v37  }
0x1db: {  	v35 =	vsub.f32 $1.500000000e+00, v60;
	v62 =	vsub.f32 $1.500000000e+00, v58;
	v34 =	vmul.f32 v34, v9  }
0x1dc: {  	v27 =	vadd.f32 $2.028983830e+00, v18;
	v31 =	vadd.f32 $2.028983830e+00, v31;
	v37 =	vmul.f32 v37, v8  }
0x1dd: {  	[tilespmem:s22+$0x12A80] =	vst v20;
	v18 =	vmul.f32 v42, v32;
	v33 =	vadd.f32 $2.028983830e+00, v63;
	v20 =	vmul.f32 v40, v62  }
0x1de: {  	s19 =	simm.s32 $0x0;
	s31 =	simm.s32 $0x200;
	[tilespmem:s22+$0x111B0] =	vst v15;
	v15 =	vmul.f32 v43, v35;
	v32 =	vadd.f32 $2.028983830e+00, v34;
	v34 =	vadd.f32 $2.028983830e+00, v37  }
.LBB2_8:
0x1df: {  	s5 =	sshra.s32 s31, $0x2;
	v21 =	vmul.f32 v20, v21;
	v22 =	vmul.f32 v19, v22  }
0x1e0: {  	v23 =	vmul.f32 v18, v23;
	v24 =	vmul.f32 v15, v24;
	v35 =	vld [tilespmem:s5+$0x8840]  }
0x1e1: {  	v26 =	vmul.f32 v26, v7;
	v27 =	vmul.f32 v27, v12;
	v36 =	vld [tilespmem:s5+$0x62C0]  }
0x1e2: {  	s19 =	sadd.s32 $0x8, s19;
	v28 =	vmul.f32 v28, v11;
	v31 =	vmul.f32 v31, v13;
	v37 =	vld [tilespmem:s5+$0x94C0]  }
0x1e3: {  	v33 =	vmul.f32 v33, v10;
	v32 =	vmul.f32 v32, v9;
	p1 =	slt.u32 s19, $0xC0;
	v26 =	vadd.f32 $-2.467364070e+00, v26;
	v38 =	vld [tilespmem:s5+$0x6F40]  }
0x1e4: {  	v25 =	vmul.f32 v25, v17;
	v34 =	vmul.f32 v34, v8;
	v27 =	vadd.f32 $-2.467364070e+00, v27;
	v39 =	vld [tilespmem:s5+$0xA140]  }
0x1e5: {  	v29 =	vmul.f32 v29, v16;
	v30 =	vmul.f32 v30, v14;
	v28 =	vadd.f32 $-2.467364070e+00, v28;
	v40 =	vld [tilespmem:s5+$0x7BC0]  }
0x1e6: {  	v21 =	vmul.f32 v21, v20;
	v31 =	vadd.f32 $-2.467364070e+00, v31;
	v22 =	vmul.f32 v22, v19;
	v41 =	vld [tilespmem:s5+$0x87D0]  }
0x1e7: {  	v33 =	vadd.f32 $-2.467364070e+00, v33;
	v23 =	vmul.f32 v23, v18;
	v24 =	vmul.f32 v24, v15;
	v42 =	vld [tilespmem:s5+$0x6250]  }
0x1e8: {  	v26 =	vmul.f32 v26, v7;
	v35 =	vsub.f32 v35, v36;
	v43 =	vld [tilespmem:s5+$0x9450];
	v36 =	vsub.f32 v37, v38  }
0x1e9: {  	v32 =	vadd.f32 $-2.467364070e+00, v32;
	v34 =	vadd.f32 $-2.467364070e+00, v34;
	v27 =	vmul.f32 v27, v12;
	v7 =	vld [tilespmem:s5+$0x6ED0]  }
0x1ea: {  	v38 =	vmul.f32 v35, v35;
	v37 =	vld [tilespmem:s5+$0x87E0];
	v12 =	vsub.f32 v39, v40;
	v39 =	vmul.f32 v36, v36;
	[tilespmem:s5+$0x111C0] =	vst v35  }
0x1eb: {  	v25 =	vsub.f32 $1.500000000e+00, v25;
	v29 =	vsub.f32 $1.500000000e+00, v29;
	v11 =	vmul.f32 v28, v11;
	v35 =	vld [tilespmem:s5+$0x6260];
	[tilespmem:s5+$0x11E40] =	vst v36  }
0x1ec: {  	v28 =	vsub.f32 v41, v42;
	v36 =	vld [tilespmem:s5+$0x9460];
	v38 =	vadd.f32 v39, v38;
	v39 =	vmul.f32 v12, v12;
	[tilespmem:s5+$0x12AC0] =	vst v12  }
0x1ed: {  	v30 =	vsub.f32 $1.500000000e+00, v30;
	v21 =	vsub.f32 $1.500000000e+00, v21;
	v12 =	vmul.f32 v31, v13;
	v40 =	vld [tilespmem:s5+$0x6EE0]  }
0x1ee: {  	v7 =	vsub.f32 v43, v7;
	v13 =	vmul.f32 v28, v28;
	[tilespmem:s5+$0x11150] =	vst v28;
	v28 =	vld [tilespmem:s5+$0x87F0];
	v31 =	vadd.f32 v39, v38  }
0x1ef: {  	v22 =	vsub.f32 $1.500000000e+00, v22;
	v10 =	vmul.f32 v33, v10;
	v23 =	vsub.f32 $1.500000000e+00, v23;
	v38 =	vld [tilespmem:s5+$0x6270]  }
0x1f0: {  	v33 =	vmul.f32 v7, v7;
	[tilespmem:s5+$0x11DD0] =	vst v7;
	v35 =	vsub.f32 v37, v35;
	v37 =	vld [tilespmem:s5+$0x9470];
	v39 =	vmul.f32 $3.999999910e-02, v31  }
0x1f1: {  	v24 =	vsub.f32 $1.500000000e+00, v24;
	v7 =	vmax.f32 v31, $9.999999960e-13;
	v31 =	vmul.f32 v32, v9;
	v41 =	vld [tilespmem:s5+$0x6EF0]  }
0x1f2: {  	v32 =	vsub.f32 v36, v40;
	v36 =	vmul.f32 v35, v35;
	[tilespmem:s5+$0x11160] =	vst v35;
	v35 =	vld [tilespmem:s5+$0x8800];
	v39 =	vmin.f32 v39, $1.000000000e+00  }
0x1f3: {  	v9 =	vadd.f32 v33, v13;
	v33 =	vshra.s32 v7, $0x1;
	v13 =	vld [tilespmem:s5+$0x6280];
	v40 =	vmul.f32 $1.028713400e-02, v39  }
0x1f4: {  	v42 =	vmul.f32 v32, v32;
	[tilespmem:s5+$0x11DE0] =	vst v32;
	v28 =	vsub.f32 v28, v38;
	v32 =	vld [tilespmem:s5+$0x9480];
	v38 =	vmul.f32 $5.000000000e-01, v7  }
0x1f5: {  	v34 =	vmul.f32 v34, v8;
	v33 =	vsub.s32 $0x5F3759DF, v33;
	v43 =	vld [tilespmem:s5+$0x6F00];
	v40 =	vsub.f32 $1.147942840e-01, v40  }
0x1f6: {  	v8 =	vadd.f32 v42, v36;
	v36 =	vsub.f32 v37, v41;
	v37 =	vmul.f32 v28, v28;
	[tilespmem:s5+$0x11170] =	vst v28;
	v28 =	vld [tilespmem:s5+$0x8810]  }
0x1f7: {  	v26 =	vadd.f32 $9.999991050e-01, v26;
	v42 =	vmul.f32 v33, v38;
	v41 =	vld [tilespmem:s5+$0x6290];
	v40 =	vmul.f32 v40, v39  }
0x1f8: {  	v17 =	vmul.f32 v25, v17;
	v44 =	vmul.f32 v36, v36;
	[tilespmem:s5+$0x11DF0] =	vst v36;
	v13 =	vsub.f32 v35, v13;
	v35 =	vld [tilespmem:s5+$0x9490]  }
0x1f9: {  	v16 =	vmul.f32 v29, v16;
	v36 =	vmul.f32 v33, v42;
	v25 =	vld [tilespmem:s5+$0x6F10];
	v40 =	vadd.f32 $-6.661268470e-01, v40;
	[tilespmem:s22+$0x14350] =	vst v26  }
0x1fa: {  	v26 =	vadd.f32 v44, v37;
	v29 =	vsub.f32 v32, v43;
	v32 =	vmul.f32 v13, v13;
	[tilespmem:s5+$0x11180] =	vst v13;
	v13 =	vld [tilespmem:s5+$0x8820]  }
0x1fb: {  	v14 =	vmul.f32 v30, v14;
	v36 =	vsub.f32 $1.500000000e+00, v36;
	v37 =	vld [tilespmem:s5+$0x62A0];
	v40 =	vmul.f32 v40, v39  }
0x1fc: {  	v20 =	vmul.f32 v21, v20;
	v30 =	vmul.f32 v29, v29;
	[tilespmem:s5+$0x11E00] =	vst v29;
	v28 =	vsub.f32 v28, v41;
	v29 =	vld [tilespmem:s5+$0x94A0]  }
0x1fd: {  	v19 =	vmul.f32 v22, v19;
	v33 =	vmul.f32 v33, v36;
	v21 =	vld [tilespmem:s5+$0x6F20];
	v36 =	vadd.f32 $2.028983830e+00, v40  }
0x1fe: {  	v22 =	vadd.f32 v30, v32;
	v25 =	vsub.f32 v35, v25;
	v30 =	vmul.f32 v28, v28;
	[tilespmem:s5+$0x11190] =	vst v28;
	v28 =	vld [tilespmem:s5+$0x8830]  }
0x1ff: {  	v27 =	vadd.f32 $9.999991050e-01, v27;
	v35 =	vmul.f32 v33, v38;
	v32 =	vld [tilespmem:s5+$0x62B0];
	v36 =	vmul.f32 v36, v39  }
0x200: {  	v18 =	vmul.f32 v23, v18;
	v38 =	vmul.f32 v25, v25;
	[tilespmem:s5+$0x11E10] =	vst v25;
	v13 =	vsub.f32 v13, v37;
	v25 =	vld [tilespmem:s5+$0x94B0]  }
0x201: {  	v15 =	vmul.f32 v24, v15;
	v35 =	vmul.f32 v35, v33;
	v23 =	vld [tilespmem:s5+$0x6F30];
	v36 =	vadd.f32 $-2.467364070e+00, v36;
	[tilespmem:s22+$0x14360] =	vst v27  }
0x202: {  	v24 =	vld [tilespmem:s5+$0xA0D0];
	v27 =	vadd.f32 v38, v30;
	v21 =	vsub.f32 v29, v21;
	v29 =	vmul.f32 v13, v13;
	[tilespmem:s5+$0x111A0] =	vst v13  }
0x203: {  	v11 =	vadd.f32 $9.999991050e-01, v11;
	v30 =	vsub.f32 $1.500000000e+00, v35;
	v13 =	vld [tilespmem:s5+$0x7B50];
	v35 =	vmul.f32 v36, v39  }
0x204: {  	v12 =	vadd.f32 $9.999991050e-01, v12;
	v36 =	vld [tilespmem:s5+$0xA0E0];
	v37 =	vmul.f32 v21, v21;
	[tilespmem:s5+$0x11E20] =	vst v21;
	v21 =	vsub.f32 v28, v32  }
0x205: {  	v10 =	vadd.f32 $9.999991050e-01, v10;
	v30 =	vmul.f32 v30, v33;
	v28 =	vld [tilespmem:s5+$0x7B60];
	v32 =	vadd.f32 $9.999991050e-01, v35;
	[tilespmem:s22+$0x14370] =	vst v11  }
0x206: {  	v11 =	vld [tilespmem:s5+$0xA0F0];
	v29 =	vadd.f32 v37, v29;
	v23 =	vsub.f32 v25, v23;
	v25 =	vmul.f32 v21, v21;
	[tilespmem:s22+$0x14380] =	vst v12  }
0x207: {  	v0 =	vmul.f32 v17, v0;
	v17 =	vadd.f32 $9.999991050e-01, v31;
	v31 =	vadd.f32 $9.999991050e-01, v34;
	v12 =	vld [tilespmem:s5+$0x7B70];
	[tilespmem:s5+$0x143C0] =	vst v32  }
0x208: {  	v1 =	vmul.f32 v16, v1;
	v13 =	vsub.f32 v24, v13;
	v24 =	vld [tilespmem:s5+$0xA100];
	v32 =	vmul.f32 v23, v23;
	[tilespmem:s22+$0x14390] =	vst v10  }
0x209: {  	v2 =	vmul.f32 v14, v2;
	v3 =	vmul.f32 v20, v3;
	v10 =	vld [tilespmem:s5+$0x7B80];
	[tilespmem:s22+$0x143A0] =	vst v17  }
0x20a: {  	v14 =	vmul.f32 v13, v13;
	v16 =	vsub.f32 v36, v28;
	v17 =	vld [tilespmem:s5+$0xA110];
	v20 =	vadd.f32 v32, v25;
	[tilespmem:s22+$0x143B0] =	vst v31  }
0x20b: {  	v4 =	vmul.f32 v19, v4;
	v6 =	vmul.f32 v18, v6;
	v25 =	vld [tilespmem:s5+$0x7B90];
	[tilespmem:s22+$0x136D0] =	vst v0  }
0x20c: {  	v9 =	vadd.f32 v14, v9;
	v0 =	vmul.f32 v16, v16;
	v14 =	vsub.f32 v11, v12;
	v11 =	vld [tilespmem:s5+$0xA120];
	[tilespmem:s22+$0x136E0] =	vst v1  }
0x20d: {  	v18 =	vmul.f32 v30, v7;
	v12 =	vld [tilespmem:s5+$0x7BA0];
	[tilespmem:s22+$0x136F0] =	vst v2;
	v2 =	vmul.f32 v15, v5  }
0x20e: {  	v5 =	vadd.f32 v0, v8;
	v1 =	vmul.f32 v14, v14;
	v8 =	vsub.f32 v24, v10;
	v10 =	vld [tilespmem:s5+$0xA130];
	[tilespmem:s22+$0x13700] =	vst v3  }
0x20f: {  	v0 =	vmax.f32 v9, $9.999999960e-13;
	v3 =	vmul.f32 $3.999999910e-02, v9;
	v9 =	vld [tilespmem:s5+$0x7BB0];
	[tilespmem:s22+$0x13710] =	vst v4  }
0x210: {  	v4 =	vadd.f32 v1, v26;
	v15 =	vmul.f32 v8, v8;
	v17 =	vsub.f32 v17, v25;
	[tilespmem:s22+$0x13720] =	vst v6  }
0x211: {  	v7 =	vmin.f32 v3, $1.000000000e+00;
	v1 =	vmax.f32 v5, $9.999999960e-13;
	v3 =	vmul.f32 $3.999999910e-02, v5;
	[tilespmem:s22+$0x13730] =	vst v2;
	s22 =	smov.u32 s5  }
0x212: {  	v5 =	vadd.f32 v15, v22;
	v6 =	vmul.f32 v17, v17;
	v15 =	vsub.f32 v11, v12;
	[tilespmem:s22+$0x13740] =	vst v18  }
0x213: {  	v12 =	vmin.f32 v3, $1.000000000e+00;
	v2 =	vmax.f32 v4, $9.999999960e-13;
	v3 =	vmul.f32 $3.999999910e-02, v4;
	[tilespmem:s22+$0x12A50] =	vst v13  }
0x214: {  	[tilespmem:s22+$0x12A60] =	vst v16;
	v4 =	vadd.f32 v6, v27;
	v6 =	vmul.f32 v15, v15;
	v16 =	vsub.f32 v10, v9  }
0x215: {  	v11 =	vmin.f32 v3, $1.000000000e+00;
	v3 =	vmax.f32 v5, $9.999999960e-13;
	v5 =	vmul.f32 $3.999999910e-02, v5;
	[tilespmem:s22+$0x12A70] =	vst v14  }
0x216: {  	[tilespmem:s22+$0x12A80] =	vst v8;
	v8 =	vmul.f32 $3.999999910e-02, v4;
	v6 =	vadd.f32 v6, v29;
	v9 =	vmul.f32 v16, v16  }
0x217: {  	v14 =	vmul.f32 $1.028713400e-02, v7;
	v13 =	vmin.f32 v5, $1.000000000e+00;
	v4 =	vmax.f32 v4, $9.999999960e-13;
	[tilespmem:s22+$0x12A90] =	vst v17  }
0x218: {  	v10 =	vmin.f32 v8, $1.000000000e+00;
	v5 =	vmul.f32 $3.999999910e-02, v6;
	[tilespmem:s22+$0x12AA0] =	vst v15;
	v8 =	vadd.f32 v9, v20  }
0x219: {  	v17 =	vmul.f32 $1.028713400e-02, v11;
	v15 =	vmul.f32 $1.028713400e-02, v12;
	v6 =	vmax.f32 v6, $9.999999960e-13;
	[tilespmem:s22+$0x111B0] =	vst v21  }
0x21a: {  	v9 =	vmin.f32 v5, $1.000000000e+00;
	v5 =	vmax.f32 v8, $9.999999960e-13;
	v8 =	vmul.f32 $3.999999910e-02, v8;
	[tilespmem:s22+$0x11E30] =	vst v23  }
0x21b: {  	v18 =	vshra.s32 v0, $0x1;
	v19 =	vmul.f32 $1.028713400e-02, v13;
	v20 =	vmul.f32 $1.028713400e-02, v10;
	[tilespmem:s22+$0x12AB0] =	vst v16  }
0x21c: {  	v25 =	vmul.f32 $5.000000000e-01, v0;
	v16 =	vmul.f32 $1.028713400e-02, v9;
	v8 =	vmin.f32 v8, $1.000000000e+00  }
0x21d: {  	v24 =	vshra.s32 v1, $0x1;
	v29 =	vmul.f32 $5.000000000e-01, v1;
	v26 =	vmul.f32 $1.028713400e-02, v8  }
0x21e: {  	v30 =	vmul.f32 $5.000000000e-01, v2;
	v27 =	vshra.s32 v2, $0x1;
	v28 =	vshra.s32 v3, $0x1  }
0x21f: {  	v31 =	vshra.s32 v4, $0x1;
	v22 =	vmul.f32 $5.000000000e-01, v4;
	v21 =	vmul.f32 $5.000000000e-01, v3  }
0x220: {  	v32 =	vshra.s32 v6, $0x1;
	v23 =	vmul.f32 $5.000000000e-01, v6;
	v33 =	vshra.s32 v5, $0x1  }
0x221: {  	v34 =	vsub.s32 $0x5F3759DF, v24;
	v18 =	vsub.s32 $0x5F3759DF, v18;
	v24 =	vmul.f32 $5.000000000e-01, v5  }
0x222: {  	v35 =	vsub.s32 $0x5F3759DF, v27;
	v36 =	vsub.s32 $0x5F3759DF, v28;
	v31 =	vsub.s32 $0x5F3759DF, v31  }
0x223: {  	v14 =	vsub.f32 $1.147942840e-01, v14;
	v32 =	vsub.s32 $0x5F3759DF, v32;
	v33 =	vsub.s32 $0x5F3759DF, v33  }
0x224: {  	v27 =	vmul.f32 v18, v25;
	v17 =	vsub.f32 $1.147942840e-01, v17;
	v15 =	vsub.f32 $1.147942840e-01, v15  }
0x225: {  	v28 =	vmul.f32 v34, v29;
	v19 =	vsub.f32 $1.147942840e-01, v19;
	v20 =	vsub.f32 $1.147942840e-01, v20  }
0x226: {  	v37 =	vmul.f32 v35, v30;
	v16 =	vsub.f32 $1.147942840e-01, v16;
	v26 =	vsub.f32 $1.147942840e-01, v26  }
0x227: {  	v39 =	vmul.f32 v31, v22;
	v38 =	vmul.f32 v36, v21  }
0x228: {  	v40 =	vmul.f32 v32, v23;
	v41 =	vmul.f32 v33, v24  }
0x229: {  	v14 =	vmul.f32 v14, v7;
	v15 =	vmul.f32 v15, v12  }
0x22a: {  	v17 =	vmul.f32 v17, v11;
	v19 =	vmul.f32 v19, v13  }
0x22b: {  	v14 =	vadd.f32 $-6.661268470e-01, v14;
	v20 =	vmul.f32 v20, v10;
	v16 =	vmul.f32 v16, v9  }
0x22c: {  	v27 =	vmul.f32 v18, v27;
	v15 =	vadd.f32 $-6.661268470e-01, v15;
	v26 =	vmul.f32 v26, v8  }
0x22d: {  	v37 =	vmul.f32 v35, v37;
	v28 =	vmul.f32 v34, v28;
	v17 =	vadd.f32 $-6.661268470e-01, v17  }
0x22e: {  	v39 =	vmul.f32 v31, v39;
	v38 =	vmul.f32 v36, v38;
	v19 =	vadd.f32 $-6.661268470e-01, v19  }
0x22f: {  	v40 =	vmul.f32 v32, v40;
	v20 =	vadd.f32 $-6.661268470e-01, v20;
	v41 =	vmul.f32 v33, v41  }
0x230: {  	v14 =	vmul.f32 v14, v7;
	v16 =	vadd.f32 $-6.661268470e-01, v16;
	v42 =	vadd.f32 $-6.661268470e-01, v26  }
0x231: {  	v15 =	vmul.f32 v15, v12;
	v26 =	vsub.f32 $1.500000000e+00, v27;
	v27 =	vsub.f32 $1.500000000e+00, v28  }
0x232: {  	v38 =	vsub.f32 $1.500000000e+00, v38;
	v28 =	vsub.f32 $1.500000000e+00, v37;
	v37 =	vmul.f32 v17, v11  }
0x233: {  	v43 =	vmul.f32 v19, v13;
	v19 =	vsub.f32 $1.500000000e+00, v39;
	v39 =	vsub.f32 $1.500000000e+00, v40  }
0x234: {  	v40 =	vmul.f32 v20, v10;
	v41 =	vsub.f32 $1.500000000e+00, v41;
	v44 =	vmul.f32 v16, v9  }
0x235: {  	v17 =	vmul.f32 v18, v26;
	v26 =	vadd.f32 $2.028983830e+00, v14;
	v42 =	vmul.f32 v42, v8  }
.Ltmp7:
0x236: {  	v16 =	vmul.f32 v34, v27;
	v27 =	vadd.f32 $2.028983830e+00, v15;
	v14 =	vmul.f32 v35, v28;
	(pc) =	sbr.rel @p1 .LBB2_8-.Ltmp7, $4  }
0x237: {  	v20 =	vmul.f32 v36, v38;
	v19 =	vmul.f32 v31, v19;
	v28 =	vadd.f32 $2.028983830e+00, v37  }
0x238: {  	v31 =	vadd.f32 $2.028983830e+00, v43;
	v18 =	vmul.f32 v32, v39;
	v15 =	vmul.f32 v33, v41  }
0x239: {  	v33 =	vadd.f32 $2.028983830e+00, v40;
	v32 =	vadd.f32 $2.028983830e+00, v44;
	v25 =	vmul.f32 v17, v25  }
0x23a: {  	s31 =	sadd.s32 $0x200, s31;
	v29 =	vmul.f32 v16, v29;
	v30 =	vmul.f32 v14, v30;
	v34 =	vadd.f32 $2.028983830e+00, v42  }
0x23b: {  	v21 =	vmul.f32 v20, v21;
	v22 =	vmul.f32 v19, v22  }
0x23c: {  	v23 =	vmul.f32 v18, v23;
	v24 =	vmul.f32 v15, v24  }
0x23d: {  	v26 =	vmul.f32 v26, v7;
	v27 =	vmul.f32 v27, v12  }
0x23e: {  	v28 =	vmul.f32 v28, v11;
	v31 =	vmul.f32 v31, v13  }
0x23f: {  	v33 =	vmul.f32 v33, v10;
	v32 =	vmul.f32 v32, v9  }
0x240: {  	v25 =	vmul.f32 v25, v17;
	v34 =	vmul.f32 v34, v8  }
0x241: {  	v29 =	vmul.f32 v29, v16;
	v30 =	vmul.f32 v30, v14;
	v26 =	vadd.f32 $-2.467364070e+00, v26  }
0x242: {  	v27 =	vadd.f32 $-2.467364070e+00, v27;
	v28 =	vadd.f32 $-2.467364070e+00, v28;
	v21 =	vmul.f32 v21, v20  }
0x243: {  	v31 =	vadd.f32 $-2.467364070e+00, v31;
	v22 =	vmul.f32 v22, v19;
	v41 =	vmul.f32 v26, v7  }
0x244: {  	v42 =	vadd.f32 $-2.467364070e+00, v33;
	v23 =	vmul.f32 v23, v18;
	v43 =	vmul.f32 v27, v12  }
0x245: {  	v24 =	vmul.f32 v24, v15;
	v44 =	vmul.f32 v28, v11;
	v7 =	vadd.f32 $9.999991050e-01, v41  }
0x246: {  	v45 =	vadd.f32 $-2.467364070e+00, v32;
	v46 =	vmul.f32 v31, v13;
	v12 =	vadd.f32 $9.999991050e-01, v43  }
0x247: {  	v50 =	vsub.f32 $1.500000000e+00, v25;
	v48 =	vmul.f32 v42, v10;
	v49 =	vadd.f32 $9.999991050e-01, v44;
	[tilespmem:s22+$0x14350] =	vst v7  }
0x248: {  	v47 =	vadd.f32 $-2.467364070e+00, v34;
	v51 =	vmul.f32 v45, v9;
	v52 =	vadd.f32 $9.999991050e-01, v46;
	[tilespmem:s22+$0x14360] =	vst v12  }
0x249: {  	v53 =	vsub.f32 $1.500000000e+00, v29;
	v11 =	vmul.f32 v50, v17;
	v55 =	vadd.f32 $9.999991050e-01, v48;
	[tilespmem:s22+$0x14370] =	vst v49  }
0x24a: {  	v56 =	vsub.f32 $1.500000000e+00, v30;
	v54 =	vmul.f32 v47, v8;
	v9 =	vadd.f32 $9.999991050e-01, v51;
	[tilespmem:s22+$0x14380] =	vst v52  }
0x24b: {  	v57 =	vsub.f32 $1.500000000e+00, v21;
	v13 =	vmul.f32 v53, v16;
	v0 =	vmul.f32 v11, v0;
	[tilespmem:s22+$0x14390] =	vst v55  }
0x24c: {  	v59 =	vsub.f32 $1.500000000e+00, v23;
	v10 =	vmul.f32 v56, v14;
	v8 =	vadd.f32 $9.999991050e-01, v54;
	[tilespmem:s22+$0x143A0] =	vst v9  }
0x24d: {  	v61 =	vsub.f32 $1.500000000e+00, v24;
	v60 =	vmul.f32 v57, v20;
	v1 =	vmul.f32 v13, v1;
	[tilespmem:s22+$0x136D0] =	vst v0  }
0x24e: {  	v58 =	vsub.f32 $1.500000000e+00, v22;
	v62 =	vmul.f32 v59, v18;
	v2 =	vmul.f32 v10, v2;
	[tilespmem:s22+$0x143B0] =	vst v8  }
0x24f: {  	v63 =	vmul.f32 v61, v15;
	v3 =	vmul.f32 v60, v3;
	[tilespmem:s22+$0x136E0] =	vst v1  }
0x250: {  	v7 =	vmul.f32 v58, v19;
	v0 =	vmul.f32 v62, v6;
	[tilespmem:s22+$0x136F0] =	vst v2  }
0x251: {  	s1 =	sadd.s32 s17, s21;
	v1 =	vmul.f32 v63, v5;
	[tilespmem:s22+$0x13700] =	vst v3  }
0x252: {  	s1 =	smul.u32 $0x190, s1;
	v4 =	vmul.f32 v7, v4;
	[tilespmem:s22+$0x13720] =	vst v0  }
0x253: {  	[tilespmem:s22+$0x13730] =	vst v1  }
0x254: {  	s19 =	simm.s32 $0x11150;
	s5 =	sadd.s32 s4, s1;
	[tilespmem:s22+$0x13710] =	vst v4  }
0x255: {  	[hbm4b:s5+s11] =	stream.linear.scatter [tilespmem:s19], [sflag:$0x3], $0xC80, $0x38;
	[tilespmem:$0x18E50] =	vst v63  }
0x256: {  	s31 =	simm.s32 $0x11DD0;
	s22 =	sadd.s32 s13, s1  }
0x257: {  	[hbm4b:s22+s11] =	stream.linear.scatter [tilespmem:s31], [sflag:$0x3], $0xC80, $0x38;
	[tilespmem:$0x18E50] =	vst v63  }
0x258: {  	s21 =	sadd.s32 s14, s1;
	s22 =	simm.s32 $0x12A50  }
0x259: {  	[hbm4b:s21+s11] =	stream.linear.scatter [tilespmem:s22], [sflag:$0x3], $0xC80, $0x38;
	[tilespmem:$0x18E50] =	vst v63  }
.Ltmp8:
0x25a: {  	_ = 	snop;
	(pc) =	sbr.rel .LBB2_10-.Ltmp8, $4  }
0x25b: {  	s31 =	sadd.s32 s6, s1  }
0x25c: {  	[hbm4b:s31+s11] =	stream.linear.scatter [tilespmem:s0], [sflag:$0x3], $0xC80, $0x38;
	[tilespmem:$0x18E50] =	vst v63  }
0x25d: {  	s1 =	sadd.s32 s7, s1  }
0x25e: {  	[hbm4b:s1+s11] =	stream.linear.scatter [tilespmem:s12], [sflag:$0x3], $0xC80, $0x38;
	[tilespmem:$0x18E50] =	vst v63  }
.LBB2_12:
0x25f: {  	_ =	sfence.sel $0x180000  }
0x260: {  	[bflag:$0x0] =	sbarrier.arrive $0xFFFF  }
0x261: {  	_ =	strace $0x90000047  }
0x262: {  	[bflag:$0x2] =	sbarrier.arrive $0xFFFF  }
0x263: {  	s0 =	rddreg [dreg:$0xa]  }
0x264: {  	s0 =	sadd.s32 @!p0 $0x100000, s0  }
0x265: {  	[sflag:s0] =	ssyncadd.tile.s32 @!p0 $0x1;
	_ =	shalt  }
.Lfunc_end2:
_tile_overlayer_lowered:
.L_overlay_start_2:
0x266: {  	(tag) =	ssettag $0x2  }
0x267: {  	s0 =	rddreg [dreg:$0x0];
	s2 =	stileid.u32  }
0x268: {  	s1 =	rddreg [dreg:$0x1];
	p0 =	sne.s32 s2, $0x0  }
0x269: {  	s3 =	rddreg [dreg:$0x2];
	[bflag:$0x3] =	sbarrier.arrive $0xFFFF;
	s2 =	simm.s32 @!p0 $0x1C06  }
0x26a: {  	[timem:s3], [sflag:s2] =	dma.local @!p0 [hbm:s0], s1  }
0x26b: {  	s0 =	simm.s32 @!p0 $0x6  }
0x26c: {  	_ =	swait.ge @!p0 [sflag:s0], s1  }
0x26d: {  	s1 =	ssub.s32 @!p0 $0x0, s1;
	[sflag:s0] =	ssyncset.done @!p0 $0x0  }
0x26e: {  	[sflag:s0] =	ssyncadd.s32 @!p0 s1  }
0x26f: {  	[bflag:$0x3] =	sbarrier.arrive $0xFFFF  }
0x270: {  	_ =	shalt  }

</sc_bundles>
